<compile_context>
chip_gen: v7x
topology: tpu7x:2x2x1
jax: 0.10.2.dev20260603
libtpu: 0.0.44.dev20260713+nightly
codegen_flags: <defaults>
</compile_context>

<pallas_src>
import functools

import jax
import jax.numpy as jnp
from jax import lax
from jax.experimental import pallas as pl
from jax.experimental.pallas import tpu as pltpu
from jax.experimental.pallas import tpu_sc as plsc

_BATCH = 4096
_HIST = 200
_EMBED = 32
_NC = 2
_NS = 16
_NW = _NC * _NS
_NBLK = 1600
_BPW = _NBLK // _NW
_SLAB = 4


def _build():
    mesh = plsc.VectorSubcoreMesh(core_axis_name="c", subcore_axis_name="s")

    buf = lambda shape, dt: [pltpu.VMEM(shape, dt) for _ in range(2)]
    sems = lambda n: [pltpu.SemaphoreType.DMA for _ in range(n)]

    @functools.partial(
        pl.kernel,
        mesh=mesh,
        out_type=jax.ShapeDtypeStruct((_HIST, 4, 32, 8, 128), jnp.float32),
        scratch_types=[
            buf((_SLAB, 128), jnp.int32),
            buf((_SLAB * 128, _EMBED), jnp.float32),
            buf((_SLAB * 128 * 33,), jnp.float32),
            buf((4, _SLAB, 8, 128), jnp.float32),
            sems(2), sems(2), sems(2),
        ],
        compiler_params=pltpu.CompilerParams(
            use_tc_tiling_on_sc=False, needs_layout_passes=False),
    )
    def gather_kernel(idx_hbm, table_hbm, out_hbm, idx_v, rows_v, pad_v,
                      out_v, isem, gsem, osem):
        w = lax.axis_index("s") * _NC + lax.axis_index("c")
        iota = lax.iota(jnp.int32, 16)
        iota33 = iota * 33

        def blk_coords(bid):
            h = bid // 8
            tb0 = (bid % 8) * _SLAB
            return h, h // 8, h % 8, tb0

        def fire_idx(bid, p, sync):
            h, th, k, tb0 = blk_coords(bid)
            for j in range(_SLAB):
                if sync:
                    pltpu.sync_copy(idx_hbm.at[th, tb0 + j, k], idx_v[p].at[j])
                else:
                    pltpu.make_async_copy(
                        idx_hbm.at[th, tb0 + j, k], idx_v[p].at[j],
                        isem[p]).start()

        def drain_idx(p):
            for j in range(_SLAB):
                pltpu.make_async_copy(
                    idx_hbm.at[0, j, 0], idx_v[p].at[j], isem[p]).wait()

        def fire_gather(p):
            for j in range(_SLAB):
                pltpu.make_async_copy(
                    table_hbm.at[idx_v[p].at[j]],
                    rows_v[p].at[pl.ds(j * 128, 128)],
                    gsem[p]).start()

        def drain_gather(p):
            for j in range(_SLAB):
                pltpu.make_async_copy(
                    table_hbm.at[idx_v[p].at[j]],
                    rows_v[p].at[pl.ds(j * 128, 128)],
                    gsem[p]).wait()

        def fire_out(bid, p):
            h, th, k, tb0 = blk_coords(bid)
            for i in range(4):
                pltpu.make_async_copy(
                    out_v[p].at[i], out_hbm.at[h, i, pl.ds(tb0, _SLAB)],
                    osem[p]).start()

        def drain_out(p):
            for i in range(4):
                pltpu.make_async_copy(
                    out_v[p].at[i], out_hbm.at[0, i, pl.ds(0, _SLAB)],
                    osem[p]).wait()

        def transpose(p):
            def abody(r0, carry):
                for rr in range(4):
                    r = r0 * 4 + rr
                    base = r * 33
                    pad_v[p][pl.ds(base, 16)] = rows_v[p][r, pl.ds(0, 16)]
                    pad_v[p][pl.ds(base + 16, 16)] = rows_v[p][r, pl.ds(16, 16)]
                return carry
            lax.fori_loop(0, 128, abody, 0)

            def bbody(t, carry):
                k2 = t // 8
                lbase = (t % 8) * 16
                for j in range(_SLAB):
                    base = (j * 128 + lbase) * 33 + k2
                    for i in range(4):
                        ids = (base + 8 * i) + iota33
                        vals = plsc.load_gather(pad_v[p], [ids])
                        out_v[p][i, j, k2, pl.ds(lbase, 16)] = vals
                return carry
            lax.fori_loop(0, 64, bbody, 0)

        for p in range(2):
            fire_idx(w * _BPW + p, p, sync=True)
            fire_gather(p)

        def body(g, carry):
            for p in range(2):
                bid = w * _BPW + 2 * g + p
                nxt = bid + 2
                drain_gather(p)

                @pl.when(2 * g + p + 2 < _BPW)
                def _():
                    fire_idx(nxt, p, sync=False)

                @pl.when(g > 0)
                def _():
                    drain_out(p)

                transpose(p)
                fire_out(bid, p)

                @pl.when(2 * g + p + 2 < _BPW)
                def _():
                    drain_idx(p)
                    fire_gather(p)
            return carry

        lax.fori_loop(0, _BPW // 2, body, 0)
        for p in range(2):
            drain_out(p)

    return gather_kernel


_gather = _build()


@jax.jit
def kernel(input_variable, table):
    idx_n = (input_variable.astype(jnp.int32).T
             .reshape(25, 8, 32, 128).transpose(0, 2, 1, 3))
    n = _gather(idx_n, table)
    return n.transpose(2, 4, 0, 1, 3).reshape(_BATCH, _HIST, _EMBED)

# --- scband reference (transcript-rebuilt; emitter-appended) ---
"""Pipeline reference for scband-embedding-layer-11845519802752 (READ-ONLY COPY).

The authoritative reference and input builder live on the scoring server;
editing this copy changes nothing except your own understanding.
"""

import jax, jax.numpy as jnp
import numpy as np

VOCAB = 1000000
EMBED_DIM = 32
BATCH = 4096
HIST = 200

def setup_inputs(seed: int = 0) -> dict:
    key = jax.random.key(seed)
    k_idx, k_tab = jax.random.split(key)
    input_variable = jax.random.randint(k_idx, (BATCH, HIST), 0, VOCAB, dtype=jnp.int64 if jax.config.jax_enable_x64 else jnp.int32)
    table = jax.random.normal(k_tab, (VOCAB, EMBED_DIM), dtype=jnp.float32)
    return {"input_variable": input_variable, "table": table}

def reference(input_variable, table):
    # nn.Embedding lookup: gather rows of the table by index.
    embedded = jnp.take(table, input_variable, axis=0)
    # Dropout in eval/inference mode is identity (deterministic reference).
    return embedded

if __name__ == "__main__":
    import jax
    _d = setup_inputs()
    print(jax.jit(kernel)(*tuple(_d.values())))

</pallas_src>

<mosaic_0001>
#map = affine_map<(d0, d1) -> (0, 0, 0, 0)>
#map1 = affine_map<(d0, d1) -> (0, 0)>
#map2 = affine_map<(d0, d1) -> (0, 0, 0, 0, 0)>
module attributes {stable_mosaic.version = 14 : i64} {
  func.func @gather_kernel(%arg0: i32, %arg1: i32, %arg2: memref<25x32x8x128xi32, #tpu.memory_space<hbm>>, %arg3: memref<1000000x32xf32, #tpu.memory_space<hbm>>, %arg4: memref<200x4x32x8x128xf32, #tpu.memory_space<hbm>>, %arg5: memref<4x128xi32, #tpu.memory_space<vmem>>, %arg6: memref<4x128xi32, #tpu.memory_space<vmem>>, %arg7: memref<512x32xf32, #tpu.memory_space<vmem>>, %arg8: memref<512x32xf32, #tpu.memory_space<vmem>>, %arg9: memref<16896xf32, #tpu.memory_space<vmem>>, %arg10: memref<16896xf32, #tpu.memory_space<vmem>>, %arg11: memref<4x4x8x128xf32, #tpu.memory_space<vmem>>, %arg12: memref<4x4x8x128xf32, #tpu.memory_space<vmem>>, %arg13: memref<!tpu.dma_semaphore, #tpu.memory_space<semaphore_mem>>, %arg14: memref<!tpu.dma_semaphore, #tpu.memory_space<semaphore_mem>>, %arg15: memref<!tpu.dma_semaphore, #tpu.memory_space<semaphore_mem>>, %arg16: memref<!tpu.dma_semaphore, #tpu.memory_space<semaphore_mem>>, %arg17: memref<!tpu.dma_semaphore, #tpu.memory_space<semaphore_mem>>, %arg18: memref<!tpu.dma_semaphore, #tpu.memory_space<semaphore_mem>>) attributes {dimension_semantics = [#tpu.dimension_semantics<core_parallel>, #tpu.dimension_semantics<subcore_parallel>], iteration_bounds = array<i64: 2, 16>, scalar_prefetch = 0 : i64, scratch_operands = 14 : i64, tpu.core_type = #tpu.core_type<sc_vector_subcore>, window_params = [{transform_indices = #map}, {transform_indices = #map1}, {transform_indices = #map2}]} {
    %mul3A = arith.constant 2 : i32
    %mul3A_0 = arith.muli %arg1, %mul3A : i32
    %add3A = arith.addi %mul3A_0, %arg0 : i32
    %iota3A = tpu.iota {dimensions = array<i32: 0>} : vector<16xi32>
    %mul3A_1 = arith.constant 33 : i32
    %mul3A_2 = vector.broadcast %mul3A_1 : i32 to vector<16xi32>
    %mul3A_3 = arith.muli %iota3A, %mul3A_2 : vector<16xi32>
    %mul3A_4 = arith.constant 50 : i32
    %mul3A_5 = arith.muli %add3A, %mul3A_4 : i32
    %add3A_6 = arith.constant 0 : i32
    %add3A_7 = arith.addi %mul3A_5, %add3A_6 : i32
    %jit3A = arith.constant 8 : i32
    %div3A = arith.divsi %add3A_7, %jit3A : i32
    %sign3A = arith.constant 0 : i32
    %sign3A_8 = arith.cmpi sgt, %add3A_7, %sign3A : i32
    %sign3A_9 = arith.extui %sign3A_8 : i1 to i32
    %sign3A_10 = arith.constant 0 : i32
    %sign3A_11 = arith.cmpi slt, %add3A_7, %sign3A_10 : i32
    %sign3A_12 = arith.extui %sign3A_11 : i1 to i32
    %sign3A_13 = arith.subi %sign3A_9, %sign3A_12 : i32
    %sign3A_14 = arith.constant 0 : i32
    %sign3A_15 = arith.cmpi sgt, %jit3A, %sign3A_14 : i32
    %sign3A_16 = arith.extui %sign3A_15 : i1 to i32
    %sign3A_17 = arith.constant 0 : i32
    %sign3A_18 = arith.cmpi slt, %jit3A, %sign3A_17 : i32
    %sign3A_19 = arith.extui %sign3A_18 : i1 to i32
    %sign3A_20 = arith.subi %sign3A_16, %sign3A_19 : i32
    %ne3A = arith.cmpi ne, %sign3A_13, %sign3A_20 : i32
    %rem3A = arith.remsi %add3A_7, %jit3A : i32
    %ne3A_21 = arith.constant 0 : i32
    %ne3A_22 = arith.cmpi ne, %rem3A, %ne3A_21 : i32
    %and3A = arith.andi %ne3A, %ne3A_22 : i1
    %sub3A = arith.constant 1 : i32
    %sub3A_23 = arith.subi %div3A, %sub3A : i32
    %select_n3A = arith.select %and3A, %sub3A_23, %div3A : i32
    %jit3A_24 = arith.constant 8 : i32
    %eq3A = arith.constant 0 : i32
    %eq3A_25 = arith.cmpi eq, %jit3A_24, %eq3A : i32
    %jit3A_26 = arith.constant 1 : i32
    %select_n3A_27 = arith.select %eq3A_25, %jit3A_26, %jit3A_24 : i32
    %rem3A_28 = arith.remsi %add3A_7, %select_n3A_27 : i32
    %ne3A_29 = arith.constant 0 : i32
    %ne3A_30 = arith.cmpi ne, %rem3A_28, %ne3A_29 : i32
    %lt3A = arith.constant 0 : i32
    %lt3A_31 = arith.cmpi slt, %rem3A_28, %lt3A : i32
    %lt3A_32 = arith.constant 0 : i32
    %lt3A_33 = arith.cmpi slt, %select_n3A_27, %lt3A_32 : i32
    %ne3A_34 = arith.xori %lt3A_31, %lt3A_33 : i1
    %and3A_35 = arith.andi %ne3A_34, %ne3A_30 : i1
    %add3A_36 = arith.addi %rem3A_28, %select_n3A_27 : i32
    %select_n3A_37 = arith.select %and3A_35, %add3A_36, %rem3A_28 : i32
    %mul3A_38 = arith.constant 4 : i32
    %mul3A_39 = arith.muli %select_n3A_37, %mul3A_38 : i32
    %jit3A_40 = arith.constant 8 : i32
    %div3A_41 = arith.divsi %select_n3A, %jit3A_40 : i32
    %sign3A_42 = arith.constant 0 : i32
    %sign3A_43 = arith.cmpi sgt, %select_n3A, %sign3A_42 : i32
    %sign3A_44 = arith.extui %sign3A_43 : i1 to i32
    %sign3A_45 = arith.constant 0 : i32
    %sign3A_46 = arith.cmpi slt, %select_n3A, %sign3A_45 : i32
    %sign3A_47 = arith.extui %sign3A_46 : i1 to i32
    %sign3A_48 = arith.subi %sign3A_44, %sign3A_47 : i32
    %sign3A_49 = arith.constant 0 : i32
    %sign3A_50 = arith.cmpi sgt, %jit3A_40, %sign3A_49 : i32
    %sign3A_51 = arith.extui %sign3A_50 : i1 to i32
    %sign3A_52 = arith.constant 0 : i32
    %sign3A_53 = arith.cmpi slt, %jit3A_40, %sign3A_52 : i32
    %sign3A_54 = arith.extui %sign3A_53 : i1 to i32
    %sign3A_55 = arith.subi %sign3A_51, %sign3A_54 : i32
    %ne3A_56 = arith.cmpi ne, %sign3A_48, %sign3A_55 : i32
    %rem3A_57 = arith.remsi %select_n3A, %jit3A_40 : i32
    %ne3A_58 = arith.constant 0 : i32
    %ne3A_59 = arith.cmpi ne, %rem3A_57, %ne3A_58 : i32
    %and3A_60 = arith.andi %ne3A_56, %ne3A_59 : i1
    %sub3A_61 = arith.constant 1 : i32
    %sub3A_62 = arith.subi %div3A_41, %sub3A_61 : i32
    %select_n3A_63 = arith.select %and3A_60, %sub3A_62, %div3A_41 : i32
    %jit3A_64 = arith.constant 8 : i32
    %eq3A_65 = arith.constant 0 : i32
    %eq3A_66 = arith.cmpi eq, %jit3A_64, %eq3A_65 : i32
    %jit3A_67 = arith.constant 1 : i32
    %select_n3A_68 = arith.select %eq3A_66, %jit3A_67, %jit3A_64 : i32
    %rem3A_69 = arith.remsi %select_n3A, %select_n3A_68 : i32
    %ne3A_70 = arith.constant 0 : i32
    %ne3A_71 = arith.cmpi ne, %rem3A_69, %ne3A_70 : i32
    %lt3A_72 = arith.constant 0 : i32
    %lt3A_73 = arith.cmpi slt, %rem3A_69, %lt3A_72 : i32
    %lt3A_74 = arith.constant 0 : i32
    %lt3A_75 = arith.cmpi slt, %select_n3A_68, %lt3A_74 : i32
    %ne3A_76 = arith.xori %lt3A_73, %lt3A_75 : i1
    %and3A_77 = arith.andi %ne3A_76, %ne3A_71 : i1
    %add3A_78 = arith.addi %rem3A_69, %select_n3A_68 : i32
    %select_n3A_79 = arith.select %and3A_77, %add3A_78, %rem3A_69 : i32
    %add3A_80 = arith.constant 0 : i32
    %add3A_81 = arith.addi %mul3A_39, %add3A_80 : i32
    %run_scoped3A = arith.constant 0 : i32
    "tpu.region"() ({
      %run_scoped3A_456 = tpu.sem_alloc : memref<!tpu.dma_semaphore, #tpu.memory_space<semaphore_mem>>
      %dma_start3A_457 = arith.constant 0 : i32
      %dma_start3A_458 = tpu.memref_slice %arg5[%run_scoped3A, %dma_start3A_457] : memref<4x128xi32, #tpu.memory_space<vmem>> -> memref<1x128xi32, #tpu.memory_space<vmem>>
      %dma_start3A_459 = tpu.memref_squeeze %dma_start3A_458 : memref<1x128xi32, #tpu.memory_space<vmem>> -> memref<128xi32, #tpu.memory_space<vmem>>
      %dma_start3A_460 = arith.constant 0 : i32
      %dma_start3A_461 = tpu.memref_slice %arg2[%select_n3A_63, %add3A_81, %select_n3A_79, %dma_start3A_460] : memref<25x32x8x128xi32, #tpu.memory_space<hbm>> -> memref<1x1x1x128xi32, #tpu.memory_space<hbm>>
      %dma_start3A_462 = tpu.memref_squeeze %dma_start3A_461 : memref<1x1x1x128xi32, #tpu.memory_space<hbm>> -> memref<128xi32, #tpu.memory_space<hbm>>
      %dma_start3A_463 = arith.constant 0 : i32
      %dma_start3A_464 = tpu.memref_slice %arg5[%run_scoped3A, %dma_start3A_463] : memref<4x128xi32, #tpu.memory_space<vmem>> -> memref<1x128xi32, #tpu.memory_space<vmem>>
      %dma_start3A_465 = tpu.memref_squeeze %dma_start3A_464 : memref<1x128xi32, #tpu.memory_space<vmem>> -> memref<128xi32, #tpu.memory_space<vmem>>
      %dma_start3A_466 = arith.constant 0 : i32
      %dma_start3A_467 = tpu.memref_slice %arg2[%select_n3A_63, %add3A_81, %select_n3A_79, %dma_start3A_466] : memref<25x32x8x128xi32, #tpu.memory_space<hbm>> -> memref<1x1x1x128xi32, #tpu.memory_space<hbm>>
      %dma_start3A_468 = tpu.memref_squeeze %dma_start3A_467 : memref<1x1x1x128xi32, #tpu.memory_space<hbm>> -> memref<128xi32, #tpu.memory_space<hbm>>
      tpu.enqueue_dma source(%dma_start3A_468 : memref<128xi32, #tpu.memory_space<hbm>>) target(%dma_start3A_465 : memref<128xi32, #tpu.memory_space<vmem>>) target_semaphore(%run_scoped3A_456 : memref<!tpu.dma_semaphore, #tpu.memory_space<semaphore_mem>>)
      %dma_wait3A_469 = arith.constant 0 : i32
      %dma_wait3A_470 = tpu.memref_slice %arg5[%run_scoped3A, %dma_wait3A_469] : memref<4x128xi32, #tpu.memory_space<vmem>> -> memref<1x128xi32, #tpu.memory_space<vmem>>
      %dma_wait3A_471 = tpu.memref_squeeze %dma_wait3A_470 : memref<1x128xi32, #tpu.memory_space<vmem>> -> memref<128xi32, #tpu.memory_space<vmem>>
      %dma_wait3A_472 = arith.constant 0 : i32
      %dma_wait3A_473 = tpu.memref_slice %arg2[%select_n3A_63, %add3A_81, %select_n3A_79, %dma_wait3A_472] : memref<25x32x8x128xi32, #tpu.memory_space<hbm>> -> memref<1x1x1x128xi32, #tpu.memory_space<hbm>>
      %dma_wait3A_474 = tpu.memref_squeeze %dma_wait3A_473 : memref<1x1x1x128xi32, #tpu.memory_space<hbm>> -> memref<128xi32, #tpu.memory_space<hbm>>
      %dma_wait3A_475 = arith.constant 0 : i32
      %dma_wait3A_476 = tpu.memref_slice %arg5[%run_scoped3A, %dma_wait3A_475] : memref<4x128xi32, #tpu.memory_space<vmem>> -> memref<1x128xi32, #tpu.memory_space<vmem>>
      %dma_wait3A_477 = tpu.memref_squeeze %dma_wait3A_476 : memref<1x128xi32, #tpu.memory_space<vmem>> -> memref<128xi32, #tpu.memory_space<vmem>>
      %dma_wait3A_478 = arith.constant 0 : i32
      %dma_wait3A_479 = tpu.memref_slice %arg2[%select_n3A_63, %add3A_81, %select_n3A_79, %dma_wait3A_478] : memref<25x32x8x128xi32, #tpu.memory_space<hbm>> -> memref<1x1x1x128xi32, #tpu.memory_space<hbm>>
      %dma_wait3A_480 = tpu.memref_squeeze %dma_wait3A_479 : memref<1x1x1x128xi32, #tpu.memory_space<hbm>> -> memref<128xi32, #tpu.memory_space<hbm>>
      tpu.wait_dma2 semaphore(%run_scoped3A_456 : memref<!tpu.dma_semaphore, #tpu.memory_space<semaphore_mem>>) src(%dma_wait3A_480 : memref<128xi32, #tpu.memory_space<hbm>>) dst(%dma_wait3A_477 : memref<128xi32, #tpu.memory_space<vmem>>)
      tpu.yield
    }) : () -> ()
    %add3A_82 = arith.constant 1 : i32
    %add3A_83 = arith.addi %mul3A_39, %add3A_82 : i32
    %run_scoped3A_84 = arith.constant 1 : i32
    "tpu.region"() ({
      %run_scoped3A_456 = tpu.sem_alloc : memref<!tpu.dma_semaphore, #tpu.memory_space<semaphore_mem>>
      %dma_start3A_457 = arith.constant 0 : i32
      %dma_start3A_458 = tpu.memref_slice %arg5[%run_scoped3A_84, %dma_start3A_457] : memref<4x128xi32, #tpu.memory_space<vmem>> -> memref<1x128xi32, #tpu.memory_space<vmem>>
      %dma_start3A_459 = tpu.memref_squeeze %dma_start3A_458 : memref<1x128xi32, #tpu.memory_space<vmem>> -> memref<128xi32, #tpu.memory_space<vmem>>
      %dma_start3A_460 = arith.constant 0 : i32
      %dma_start3A_461 = tpu.memref_slice %arg2[%select_n3A_63, %add3A_83, %select_n3A_79, %dma_start3A_460] : memref<25x32x8x128xi32, #tpu.memory_space<hbm>> -> memref<1x1x1x128xi32, #tpu.memory_space<hbm>>
      %dma_start3A_462 = tpu.memref_squeeze %dma_start3A_461 : memref<1x1x1x128xi32, #tpu.memory_space<hbm>> -> memref<128xi32, #tpu.memory_space<hbm>>
      %dma_start3A_463 = arith.constant 0 : i32
      %dma_start3A_464 = tpu.memref_slice %arg5[%run_scoped3A_84, %dma_start3A_463] : memref<4x128xi32, #tpu.memory_space<vmem>> -> memref<1x128xi32, #tpu.memory_space<vmem>>
      %dma_start3A_465 = tpu.memref_squeeze %dma_start3A_464 : memref<1x128xi32, #tpu.memory_space<vmem>> -> memref<128xi32, #tpu.memory_space<vmem>>
      %dma_start3A_466 = arith.constant 0 : i32
      %dma_start3A_467 = tpu.memref_slice %arg2[%select_n3A_63, %add3A_83, %select_n3A_79, %dma_start3A_466] : memref<25x32x8x128xi32, #tpu.memory_space<hbm>> -> memref<1x1x1x128xi32, #tpu.memory_space<hbm>>
      %dma_start3A_468 = tpu.memref_squeeze %dma_start3A_467 : memref<1x1x1x128xi32, #tpu.memory_space<hbm>> -> memref<128xi32, #tpu.memory_space<hbm>>
      tpu.enqueue_dma source(%dma_start3A_468 : memref<128xi32, #tpu.memory_space<hbm>>) target(%dma_start3A_465 : memref<128xi32, #tpu.memory_space<vmem>>) target_semaphore(%run_scoped3A_456 : memref<!tpu.dma_semaphore, #tpu.memory_space<semaphore_mem>>)
      %dma_wait3A_469 = arith.constant 0 : i32
      %dma_wait3A_470 = tpu.memref_slice %arg5[%run_scoped3A_84, %dma_wait3A_469] : memref<4x128xi32, #tpu.memory_space<vmem>> -> memref<1x128xi32, #tpu.memory_space<vmem>>
      %dma_wait3A_471 = tpu.memref_squeeze %dma_wait3A_470 : memref<1x128xi32, #tpu.memory_space<vmem>> -> memref<128xi32, #tpu.memory_space<vmem>>
      %dma_wait3A_472 = arith.constant 0 : i32
      %dma_wait3A_473 = tpu.memref_slice %arg2[%select_n3A_63, %add3A_83, %select_n3A_79, %dma_wait3A_472] : memref<25x32x8x128xi32, #tpu.memory_space<hbm>> -> memref<1x1x1x128xi32, #tpu.memory_space<hbm>>
      %dma_wait3A_474 = tpu.memref_squeeze %dma_wait3A_473 : memref<1x1x1x128xi32, #tpu.memory_space<hbm>> -> memref<128xi32, #tpu.memory_space<hbm>>
      %dma_wait3A_475 = arith.constant 0 : i32
      %dma_wait3A_476 = tpu.memref_slice %arg5[%run_scoped3A_84, %dma_wait3A_475] : memref<4x128xi32, #tpu.memory_space<vmem>> -> memref<1x128xi32, #tpu.memory_space<vmem>>
      %dma_wait3A_477 = tpu.memref_squeeze %dma_wait3A_476 : memref<1x128xi32, #tpu.memory_space<vmem>> -> memref<128xi32, #tpu.memory_space<vmem>>
      %dma_wait3A_478 = arith.constant 0 : i32
      %dma_wait3A_479 = tpu.memref_slice %arg2[%select_n3A_63, %add3A_83, %select_n3A_79, %dma_wait3A_478] : memref<25x32x8x128xi32, #tpu.memory_space<hbm>> -> memref<1x1x1x128xi32, #tpu.memory_space<hbm>>
      %dma_wait3A_480 = tpu.memref_squeeze %dma_wait3A_479 : memref<1x1x1x128xi32, #tpu.memory_space<hbm>> -> memref<128xi32, #tpu.memory_space<hbm>>
      tpu.wait_dma2 semaphore(%run_scoped3A_456 : memref<!tpu.dma_semaphore, #tpu.memory_space<semaphore_mem>>) src(%dma_wait3A_480 : memref<128xi32, #tpu.memory_space<hbm>>) dst(%dma_wait3A_477 : memref<128xi32, #tpu.memory_space<vmem>>)
      tpu.yield
    }) : () -> ()
    %add3A_85 = arith.constant 2 : i32
    %add3A_86 = arith.addi %mul3A_39, %add3A_85 : i32
    %run_scoped3A_87 = arith.constant 2 : i32
    "tpu.region"() ({
      %run_scoped3A_456 = tpu.sem_alloc : memref<!tpu.dma_semaphore, #tpu.memory_space<semaphore_mem>>
      %dma_start3A_457 = arith.constant 0 : i32
      %dma_start3A_458 = tpu.memref_slice %arg5[%run_scoped3A_87, %dma_start3A_457] : memref<4x128xi32, #tpu.memory_space<vmem>> -> memref<1x128xi32, #tpu.memory_space<vmem>>
      %dma_start3A_459 = tpu.memref_squeeze %dma_start3A_458 : memref<1x128xi32, #tpu.memory_space<vmem>> -> memref<128xi32, #tpu.memory_space<vmem>>
      %dma_start3A_460 = arith.constant 0 : i32
      %dma_start3A_461 = tpu.memref_slice %arg2[%select_n3A_63, %add3A_86, %select_n3A_79, %dma_start3A_460] : memref<25x32x8x128xi32, #tpu.memory_space<hbm>> -> memref<1x1x1x128xi32, #tpu.memory_space<hbm>>
      %dma_start3A_462 = tpu.memref_squeeze %dma_start3A_461 : memref<1x1x1x128xi32, #tpu.memory_space<hbm>> -> memref<128xi32, #tpu.memory_space<hbm>>
      %dma_start3A_463 = arith.constant 0 : i32
      %dma_start3A_464 = tpu.memref_slice %arg5[%run_scoped3A_87, %dma_start3A_463] : memref<4x128xi32, #tpu.memory_space<vmem>> -> memref<1x128xi32, #tpu.memory_space<vmem>>
      %dma_start3A_465 = tpu.memref_squeeze %dma_start3A_464 : memref<1x128xi32, #tpu.memory_space<vmem>> -> memref<128xi32, #tpu.memory_space<vmem>>
      %dma_start3A_466 = arith.constant 0 : i32
      %dma_start3A_467 = tpu.memref_slice %arg2[%select_n3A_63, %add3A_86, %select_n3A_79, %dma_start3A_466] : memref<25x32x8x128xi32, #tpu.memory_space<hbm>> -> memref<1x1x1x128xi32, #tpu.memory_space<hbm>>
      %dma_start3A_468 = tpu.memref_squeeze %dma_start3A_467 : memref<1x1x1x128xi32, #tpu.memory_space<hbm>> -> memref<128xi32, #tpu.memory_space<hbm>>
      tpu.enqueue_dma source(%dma_start3A_468 : memref<128xi32, #tpu.memory_space<hbm>>) target(%dma_start3A_465 : memref<128xi32, #tpu.memory_space<vmem>>) target_semaphore(%run_scoped3A_456 : memref<!tpu.dma_semaphore, #tpu.memory_space<semaphore_mem>>)
      %dma_wait3A_469 = arith.constant 0 : i32
      %dma_wait3A_470 = tpu.memref_slice %arg5[%run_scoped3A_87, %dma_wait3A_469] : memref<4x128xi32, #tpu.memory_space<vmem>> -> memref<1x128xi32, #tpu.memory_space<vmem>>
      %dma_wait3A_471 = tpu.memref_squeeze %dma_wait3A_470 : memref<1x128xi32, #tpu.memory_space<vmem>> -> memref<128xi32, #tpu.memory_space<vmem>>
      %dma_wait3A_472 = arith.constant 0 : i32
      %dma_wait3A_473 = tpu.memref_slice %arg2[%select_n3A_63, %add3A_86, %select_n3A_79, %dma_wait3A_472] : memref<25x32x8x128xi32, #tpu.memory_space<hbm>> -> memref<1x1x1x128xi32, #tpu.memory_space<hbm>>
      %dma_wait3A_474 = tpu.memref_squeeze %dma_wait3A_473 : memref<1x1x1x128xi32, #tpu.memory_space<hbm>> -> memref<128xi32, #tpu.memory_space<hbm>>
      %dma_wait3A_475 = arith.constant 0 : i32
      %dma_wait3A_476 = tpu.memref_slice %arg5[%run_scoped3A_87, %dma_wait3A_475] : memref<4x128xi32, #tpu.memory_space<vmem>> -> memref<1x128xi32, #tpu.memory_space<vmem>>
      %dma_wait3A_477 = tpu.memref_squeeze %dma_wait3A_476 : memref<1x128xi32, #tpu.memory_space<vmem>> -> memref<128xi32, #tpu.memory_space<vmem>>
      %dma_wait3A_478 = arith.constant 0 : i32
      %dma_wait3A_479 = tpu.memref_slice %arg2[%select_n3A_63, %add3A_86, %select_n3A_79, %dma_wait3A_478] : memref<25x32x8x128xi32, #tpu.memory_space<hbm>> -> memref<1x1x1x128xi32, #tpu.memory_space<hbm>>
      %dma_wait3A_480 = tpu.memref_squeeze %dma_wait3A_479 : memref<1x1x1x128xi32, #tpu.memory_space<hbm>> -> memref<128xi32, #tpu.memory_space<hbm>>
      tpu.wait_dma2 semaphore(%run_scoped3A_456 : memref<!tpu.dma_semaphore, #tpu.memory_space<semaphore_mem>>) src(%dma_wait3A_480 : memref<128xi32, #tpu.memory_space<hbm>>) dst(%dma_wait3A_477 : memref<128xi32, #tpu.memory_space<vmem>>)
      tpu.yield
    }) : () -> ()
    %add3A_88 = arith.constant 3 : i32
    %add3A_89 = arith.addi %mul3A_39, %add3A_88 : i32
    %run_scoped3A_90 = arith.constant 3 : i32
    "tpu.region"() ({
      %run_scoped3A_456 = tpu.sem_alloc : memref<!tpu.dma_semaphore, #tpu.memory_space<semaphore_mem>>
      %dma_start3A_457 = arith.constant 0 : i32
      %dma_start3A_458 = tpu.memref_slice %arg5[%run_scoped3A_90, %dma_start3A_457] : memref<4x128xi32, #tpu.memory_space<vmem>> -> memref<1x128xi32, #tpu.memory_space<vmem>>
      %dma_start3A_459 = tpu.memref_squeeze %dma_start3A_458 : memref<1x128xi32, #tpu.memory_space<vmem>> -> memref<128xi32, #tpu.memory_space<vmem>>
      %dma_start3A_460 = arith.constant 0 : i32
      %dma_start3A_461 = tpu.memref_slice %arg2[%select_n3A_63, %add3A_89, %select_n3A_79, %dma_start3A_460] : memref<25x32x8x128xi32, #tpu.memory_space<hbm>> -> memref<1x1x1x128xi32, #tpu.memory_space<hbm>>
      %dma_start3A_462 = tpu.memref_squeeze %dma_start3A_461 : memref<1x1x1x128xi32, #tpu.memory_space<hbm>> -> memref<128xi32, #tpu.memory_space<hbm>>
      %dma_start3A_463 = arith.constant 0 : i32
      %dma_start3A_464 = tpu.memref_slice %arg5[%run_scoped3A_90, %dma_start3A_463] : memref<4x128xi32, #tpu.memory_space<vmem>> -> memref<1x128xi32, #tpu.memory_space<vmem>>
      %dma_start3A_465 = tpu.memref_squeeze %dma_start3A_464 : memref<1x128xi32, #tpu.memory_space<vmem>> -> memref<128xi32, #tpu.memory_space<vmem>>
      %dma_start3A_466 = arith.constant 0 : i32
      %dma_start3A_467 = tpu.memref_slice %arg2[%select_n3A_63, %add3A_89, %select_n3A_79, %dma_start3A_466] : memref<25x32x8x128xi32, #tpu.memory_space<hbm>> -> memref<1x1x1x128xi32, #tpu.memory_space<hbm>>
      %dma_start3A_468 = tpu.memref_squeeze %dma_start3A_467 : memref<1x1x1x128xi32, #tpu.memory_space<hbm>> -> memref<128xi32, #tpu.memory_space<hbm>>
      tpu.enqueue_dma source(%dma_start3A_468 : memref<128xi32, #tpu.memory_space<hbm>>) target(%dma_start3A_465 : memref<128xi32, #tpu.memory_space<vmem>>) target_semaphore(%run_scoped3A_456 : memref<!tpu.dma_semaphore, #tpu.memory_space<semaphore_mem>>)
      %dma_wait3A_469 = arith.constant 0 : i32
      %dma_wait3A_470 = tpu.memref_slice %arg5[%run_scoped3A_90, %dma_wait3A_469] : memref<4x128xi32, #tpu.memory_space<vmem>> -> memref<1x128xi32, #tpu.memory_space<vmem>>
      %dma_wait3A_471 = tpu.memref_squeeze %dma_wait3A_470 : memref<1x128xi32, #tpu.memory_space<vmem>> -> memref<128xi32, #tpu.memory_space<vmem>>
      %dma_wait3A_472 = arith.constant 0 : i32
      %dma_wait3A_473 = tpu.memref_slice %arg2[%select_n3A_63, %add3A_89, %select_n3A_79, %dma_wait3A_472] : memref<25x32x8x128xi32, #tpu.memory_space<hbm>> -> memref<1x1x1x128xi32, #tpu.memory_space<hbm>>
      %dma_wait3A_474 = tpu.memref_squeeze %dma_wait3A_473 : memref<1x1x1x128xi32, #tpu.memory_space<hbm>> -> memref<128xi32, #tpu.memory_space<hbm>>
      %dma_wait3A_475 = arith.constant 0 : i32
      %dma_wait3A_476 = tpu.memref_slice %arg5[%run_scoped3A_90, %dma_wait3A_475] : memref<4x128xi32, #tpu.memory_space<vmem>> -> memref<1x128xi32, #tpu.memory_space<vmem>>
      %dma_wait3A_477 = tpu.memref_squeeze %dma_wait3A_476 : memref<1x128xi32, #tpu.memory_space<vmem>> -> memref<128xi32, #tpu.memory_space<vmem>>
      %dma_wait3A_478 = arith.constant 0 : i32
      %dma_wait3A_479 = tpu.memref_slice %arg2[%select_n3A_63, %add3A_89, %select_n3A_79, %dma_wait3A_478] : memref<25x32x8x128xi32, #tpu.memory_space<hbm>> -> memref<1x1x1x128xi32, #tpu.memory_space<hbm>>
      %dma_wait3A_480 = tpu.memref_squeeze %dma_wait3A_479 : memref<1x1x1x128xi32, #tpu.memory_space<hbm>> -> memref<128xi32, #tpu.memory_space<hbm>>
      tpu.wait_dma2 semaphore(%run_scoped3A_456 : memref<!tpu.dma_semaphore, #tpu.memory_space<semaphore_mem>>) src(%dma_wait3A_480 : memref<128xi32, #tpu.memory_space<hbm>>) dst(%dma_wait3A_477 : memref<128xi32, #tpu.memory_space<vmem>>)
      tpu.yield
    }) : () -> ()
    %dma_start3A = arith.constant 0 : i32
    %dma_start3A_91 = arith.constant 0 : i32
    %dma_start3A_92 = arith.constant 0 : i32
    %dma_start3A_93 = tpu.memref_slice %arg7[%dma_start3A_91, %dma_start3A_92] : memref<512x32xf32, #tpu.memory_space<vmem>> -> memref<128x32xf32, #tpu.memory_space<vmem>>
    %dma_start3A_94 = arith.constant 0 : i32
    %dma_start3A_95 = tpu.memref_slice %arg5[%dma_start3A, %dma_start3A_94] : memref<4x128xi32, #tpu.memory_space<vmem>> -> memref<1x128xi32, #tpu.memory_space<vmem>>
    %dma_start3A_96 = tpu.memref_squeeze %dma_start3A_95 : memref<1x128xi32, #tpu.memory_space<vmem>> -> memref<128xi32, #tpu.memory_space<vmem>>
    %dma_start3A_97 = arith.constant 0 : i32
    %dma_start3A_98 = arith.constant 0 : i32
    %dma_start3A_99 = tpu.memref_slice %arg3[%dma_start3A_97, %dma_start3A_98] : memref<1000000x32xf32, #tpu.memory_space<hbm>> -> memref<1000000x32xf32, #tpu.memory_space<hbm>>
    tpu.enqueue_indirect_dma source(%dma_start3A_99 : memref<1000000x32xf32, #tpu.memory_space<hbm>>) target(%dma_start3A_93 : memref<128x32xf32, #tpu.memory_space<vmem>>) offsets(%dma_start3A_96 : memref<128xi32, #tpu.memory_space<vmem>>) semaphore(%arg15 : memref<!tpu.dma_semaphore, #tpu.memory_space<semaphore_mem>>)
    %dma_start3A_100 = arith.constant 1 : i32
    %dma_start3A_101 = arith.constant 128 : i32
    %dma_start3A_102 = arith.constant 0 : i32
    %dma_start3A_103 = tpu.memref_slice %arg7[%dma_start3A_101, %dma_start3A_102] : memref<512x32xf32, #tpu.memory_space<vmem>> -> memref<128x32xf32, #tpu.memory_space<vmem>>
    %dma_start3A_104 = arith.constant 0 : i32
    %dma_start3A_105 = tpu.memref_slice %arg5[%dma_start3A_100, %dma_start3A_104] : memref<4x128xi32, #tpu.memory_space<vmem>> -> memref<1x128xi32, #tpu.memory_space<vmem>>
    %dma_start3A_106 = tpu.memref_squeeze %dma_start3A_105 : memref<1x128xi32, #tpu.memory_space<vmem>> -> memref<128xi32, #tpu.memory_space<vmem>>
    %dma_start3A_107 = arith.constant 0 : i32
    %dma_start3A_108 = arith.constant 0 : i32
    %dma_start3A_109 = tpu.memref_slice %arg3[%dma_start3A_107, %dma_start3A_108] : memref<1000000x32xf32, #tpu.memory_space<hbm>> -> memref<1000000x32xf32, #tpu.memory_space<hbm>>
    tpu.enqueue_indirect_dma source(%dma_start3A_109 : memref<1000000x32xf32, #tpu.memory_space<hbm>>) target(%dma_start3A_103 : memref<128x32xf32, #tpu.memory_space<vmem>>) offsets(%dma_start3A_106 : memref<128xi32, #tpu.memory_space<vmem>>) semaphore(%arg15 : memref<!tpu.dma_semaphore, #tpu.memory_space<semaphore_mem>>)
    %dma_start3A_110 = arith.constant 2 : i32
    %dma_start3A_111 = arith.constant 256 : i32
    %dma_start3A_112 = arith.constant 0 : i32
    %dma_start3A_113 = tpu.memref_slice %arg7[%dma_start3A_111, %dma_start3A_112] : memref<512x32xf32, #tpu.memory_space<vmem>> -> memref<128x32xf32, #tpu.memory_space<vmem>>
    %dma_start3A_114 = arith.constant 0 : i32
    %dma_start3A_115 = tpu.memref_slice %arg5[%dma_start3A_110, %dma_start3A_114] : memref<4x128xi32, #tpu.memory_space<vmem>> -> memref<1x128xi32, #tpu.memory_space<vmem>>
    %dma_start3A_116 = tpu.memref_squeeze %dma_start3A_115 : memref<1x128xi32, #tpu.memory_space<vmem>> -> memref<128xi32, #tpu.memory_space<vmem>>
    %dma_start3A_117 = arith.constant 0 : i32
    %dma_start3A_118 = arith.constant 0 : i32
    %dma_start3A_119 = tpu.memref_slice %arg3[%dma_start3A_117, %dma_start3A_118] : memref<1000000x32xf32, #tpu.memory_space<hbm>> -> memref<1000000x32xf32, #tpu.memory_space<hbm>>
    tpu.enqueue_indirect_dma source(%dma_start3A_119 : memref<1000000x32xf32, #tpu.memory_space<hbm>>) target(%dma_start3A_113 : memref<128x32xf32, #tpu.memory_space<vmem>>) offsets(%dma_start3A_116 : memref<128xi32, #tpu.memory_space<vmem>>) semaphore(%arg15 : memref<!tpu.dma_semaphore, #tpu.memory_space<semaphore_mem>>)
    %dma_start3A_120 = arith.constant 3 : i32
    %dma_start3A_121 = arith.constant 384 : i32
    %dma_start3A_122 = arith.constant 0 : i32
    %dma_start3A_123 = tpu.memref_slice %arg7[%dma_start3A_121, %dma_start3A_122] : memref<512x32xf32, #tpu.memory_space<vmem>> -> memref<128x32xf32, #tpu.memory_space<vmem>>
    %dma_start3A_124 = arith.constant 0 : i32
    %dma_start3A_125 = tpu.memref_slice %arg5[%dma_start3A_120, %dma_start3A_124] : memref<4x128xi32, #tpu.memory_space<vmem>> -> memref<1x128xi32, #tpu.memory_space<vmem>>
    %dma_start3A_126 = tpu.memref_squeeze %dma_start3A_125 : memref<1x128xi32, #tpu.memory_space<vmem>> -> memref<128xi32, #tpu.memory_space<vmem>>
    %dma_start3A_127 = arith.constant 0 : i32
    %dma_start3A_128 = arith.constant 0 : i32
    %dma_start3A_129 = tpu.memref_slice %arg3[%dma_start3A_127, %dma_start3A_128] : memref<1000000x32xf32, #tpu.memory_space<hbm>> -> memref<1000000x32xf32, #tpu.memory_space<hbm>>
    tpu.enqueue_indirect_dma source(%dma_start3A_129 : memref<1000000x32xf32, #tpu.memory_space<hbm>>) target(%dma_start3A_123 : memref<128x32xf32, #tpu.memory_space<vmem>>) offsets(%dma_start3A_126 : memref<128xi32, #tpu.memory_space<vmem>>) semaphore(%arg15 : memref<!tpu.dma_semaphore, #tpu.memory_space<semaphore_mem>>)
    %mul3A_130 = arith.constant 50 : i32
    %mul3A_131 = arith.muli %add3A, %mul3A_130 : i32
    %add3A_132 = arith.constant 1 : i32
    %add3A_133 = arith.addi %mul3A_131, %add3A_132 : i32
    %jit3A_134 = arith.constant 8 : i32
    %div3A_135 = arith.divsi %add3A_133, %jit3A_134 : i32
    %sign3A_136 = arith.constant 0 : i32
    %sign3A_137 = arith.cmpi sgt, %add3A_133, %sign3A_136 : i32
    %sign3A_138 = arith.extui %sign3A_137 : i1 to i32
    %sign3A_139 = arith.constant 0 : i32
    %sign3A_140 = arith.cmpi slt, %add3A_133, %sign3A_139 : i32
    %sign3A_141 = arith.extui %sign3A_140 : i1 to i32
    %sign3A_142 = arith.subi %sign3A_138, %sign3A_141 : i32
    %sign3A_143 = arith.constant 0 : i32
    %sign3A_144 = arith.cmpi sgt, %jit3A_134, %sign3A_143 : i32
    %sign3A_145 = arith.extui %sign3A_144 : i1 to i32
    %sign3A_146 = arith.constant 0 : i32
    %sign3A_147 = arith.cmpi slt, %jit3A_134, %sign3A_146 : i32
    %sign3A_148 = arith.extui %sign3A_147 : i1 to i32
    %sign3A_149 = arith.subi %sign3A_145, %sign3A_148 : i32
    %ne3A_150 = arith.cmpi ne, %sign3A_142, %sign3A_149 : i32
    %rem3A_151 = arith.remsi %add3A_133, %jit3A_134 : i32
    %ne3A_152 = arith.constant 0 : i32
    %ne3A_153 = arith.cmpi ne, %rem3A_151, %ne3A_152 : i32
    %and3A_154 = arith.andi %ne3A_150, %ne3A_153 : i1
    %sub3A_155 = arith.constant 1 : i32
    %sub3A_156 = arith.subi %div3A_135, %sub3A_155 : i32
    %select_n3A_157 = arith.select %and3A_154, %sub3A_156, %div3A_135 : i32
    %jit3A_158 = arith.constant 8 : i32
    %eq3A_159 = arith.constant 0 : i32
    %eq3A_160 = arith.cmpi eq, %jit3A_158, %eq3A_159 : i32
    %jit3A_161 = arith.constant 1 : i32
    %select_n3A_162 = arith.select %eq3A_160, %jit3A_161, %jit3A_158 : i32
    %rem3A_163 = arith.remsi %add3A_133, %select_n3A_162 : i32
    %ne3A_164 = arith.constant 0 : i32
    %ne3A_165 = arith.cmpi ne, %rem3A_163, %ne3A_164 : i32
    %lt3A_166 = arith.constant 0 : i32
    %lt3A_167 = arith.cmpi slt, %rem3A_163, %lt3A_166 : i32
    %lt3A_168 = arith.constant 0 : i32
    %lt3A_169 = arith.cmpi slt, %select_n3A_162, %lt3A_168 : i32
    %ne3A_170 = arith.xori %lt3A_167, %lt3A_169 : i1
    %and3A_171 = arith.andi %ne3A_170, %ne3A_165 : i1
    %add3A_172 = arith.addi %rem3A_163, %select_n3A_162 : i32
    %select_n3A_173 = arith.select %and3A_171, %add3A_172, %rem3A_163 : i32
    %mul3A_174 = arith.constant 4 : i32
    %mul3A_175 = arith.muli %select_n3A_173, %mul3A_174 : i32
    %jit3A_176 = arith.constant 8 : i32
    %div3A_177 = arith.divsi %select_n3A_157, %jit3A_176 : i32
    %sign3A_178 = arith.constant 0 : i32
    %sign3A_179 = arith.cmpi sgt, %select_n3A_157, %sign3A_178 : i32
    %sign3A_180 = arith.extui %sign3A_179 : i1 to i32
    %sign3A_181 = arith.constant 0 : i32
    %sign3A_182 = arith.cmpi slt, %select_n3A_157, %sign3A_181 : i32
    %sign3A_183 = arith.extui %sign3A_182 : i1 to i32
    %sign3A_184 = arith.subi %sign3A_180, %sign3A_183 : i32
    %sign3A_185 = arith.constant 0 : i32
    %sign3A_186 = arith.cmpi sgt, %jit3A_176, %sign3A_185 : i32
    %sign3A_187 = arith.extui %sign3A_186 : i1 to i32
    %sign3A_188 = arith.constant 0 : i32
    %sign3A_189 = arith.cmpi slt, %jit3A_176, %sign3A_188 : i32
    %sign3A_190 = arith.extui %sign3A_189 : i1 to i32
    %sign3A_191 = arith.subi %sign3A_187, %sign3A_190 : i32
    %ne3A_192 = arith.cmpi ne, %sign3A_184, %sign3A_191 : i32
    %rem3A_193 = arith.remsi %select_n3A_157, %jit3A_176 : i32
    %ne3A_194 = arith.constant 0 : i32
    %ne3A_195 = arith.cmpi ne, %rem3A_193, %ne3A_194 : i32
    %and3A_196 = arith.andi %ne3A_192, %ne3A_195 : i1
    %sub3A_197 = arith.constant 1 : i32
    %sub3A_198 = arith.subi %div3A_177, %sub3A_197 : i32
    %select_n3A_199 = arith.select %and3A_196, %sub3A_198, %div3A_177 : i32
    %jit3A_200 = arith.constant 8 : i32
    %eq3A_201 = arith.constant 0 : i32
    %eq3A_202 = arith.cmpi eq, %jit3A_200, %eq3A_201 : i32
    %jit3A_203 = arith.constant 1 : i32
    %select_n3A_204 = arith.select %eq3A_202, %jit3A_203, %jit3A_200 : i32
    %rem3A_205 = arith.remsi %select_n3A_157, %select_n3A_204 : i32
    %ne3A_206 = arith.constant 0 : i32
    %ne3A_207 = arith.cmpi ne, %rem3A_205, %ne3A_206 : i32
    %lt3A_208 = arith.constant 0 : i32
    %lt3A_209 = arith.cmpi slt, %rem3A_205, %lt3A_208 : i32
    %lt3A_210 = arith.constant 0 : i32
    %lt3A_211 = arith.cmpi slt, %select_n3A_204, %lt3A_210 : i32
    %ne3A_212 = arith.xori %lt3A_209, %lt3A_211 : i1
    %and3A_213 = arith.andi %ne3A_212, %ne3A_207 : i1
    %add3A_214 = arith.addi %rem3A_205, %select_n3A_204 : i32
    %select_n3A_215 = arith.select %and3A_213, %add3A_214, %rem3A_205 : i32
    %add3A_216 = arith.constant 0 : i32
    %add3A_217 = arith.addi %mul3A_175, %add3A_216 : i32
    %run_scoped3A_218 = arith.constant 0 : i32
    "tpu.region"() ({
      %run_scoped3A_456 = tpu.sem_alloc : memref<!tpu.dma_semaphore, #tpu.memory_space<semaphore_mem>>
      %dma_start3A_457 = arith.constant 0 : i32
      %dma_start3A_458 = tpu.memref_slice %arg6[%run_scoped3A_218, %dma_start3A_457] : memref<4x128xi32, #tpu.memory_space<vmem>> -> memref<1x128xi32, #tpu.memory_space<vmem>>
      %dma_start3A_459 = tpu.memref_squeeze %dma_start3A_458 : memref<1x128xi32, #tpu.memory_space<vmem>> -> memref<128xi32, #tpu.memory_space<vmem>>
      %dma_start3A_460 = arith.constant 0 : i32
      %dma_start3A_461 = tpu.memref_slice %arg2[%select_n3A_199, %add3A_217, %select_n3A_215, %dma_start3A_460] : memref<25x32x8x128xi32, #tpu.memory_space<hbm>> -> memref<1x1x1x128xi32, #tpu.memory_space<hbm>>
      %dma_start3A_462 = tpu.memref_squeeze %dma_start3A_461 : memref<1x1x1x128xi32, #tpu.memory_space<hbm>> -> memref<128xi32, #tpu.memory_space<hbm>>
      %dma_start3A_463 = arith.constant 0 : i32
      %dma_start3A_464 = tpu.memref_slice %arg6[%run_scoped3A_218, %dma_start3A_463] : memref<4x128xi32, #tpu.memory_space<vmem>> -> memref<1x128xi32, #tpu.memory_space<vmem>>
      %dma_start3A_465 = tpu.memref_squeeze %dma_start3A_464 : memref<1x128xi32, #tpu.memory_space<vmem>> -> memref<128xi32, #tpu.memory_space<vmem>>
      %dma_start3A_466 = arith.constant 0 : i32
      %dma_start3A_467 = tpu.memref_slice %arg2[%select_n3A_199, %add3A_217, %select_n3A_215, %dma_start3A_466] : memref<25x32x8x128xi32, #tpu.memory_space<hbm>> -> memref<1x1x1x128xi32, #tpu.memory_space<hbm>>
      %dma_start3A_468 = tpu.memref_squeeze %dma_start3A_467 : memref<1x1x1x128xi32, #tpu.memory_space<hbm>> -> memref<128xi32, #tpu.memory_space<hbm>>
      tpu.enqueue_dma source(%dma_start3A_468 : memref<128xi32, #tpu.memory_space<hbm>>) target(%dma_start3A_465 : memref<128xi32, #tpu.memory_space<vmem>>) target_semaphore(%run_scoped3A_456 : memref<!tpu.dma_semaphore, #tpu.memory_space<semaphore_mem>>)
      %dma_wait3A_469 = arith.constant 0 : i32
      %dma_wait3A_470 = tpu.memref_slice %arg6[%run_scoped3A_218, %dma_wait3A_469] : memref<4x128xi32, #tpu.memory_space<vmem>> -> memref<1x128xi32, #tpu.memory_space<vmem>>
      %dma_wait3A_471 = tpu.memref_squeeze %dma_wait3A_470 : memref<1x128xi32, #tpu.memory_space<vmem>> -> memref<128xi32, #tpu.memory_space<vmem>>
      %dma_wait3A_472 = arith.constant 0 : i32
      %dma_wait3A_473 = tpu.memref_slice %arg2[%select_n3A_199, %add3A_217, %select_n3A_215, %dma_wait3A_472] : memref<25x32x8x128xi32, #tpu.memory_space<hbm>> -> memref<1x1x1x128xi32, #tpu.memory_space<hbm>>
      %dma_wait3A_474 = tpu.memref_squeeze %dma_wait3A_473 : memref<1x1x1x128xi32, #tpu.memory_space<hbm>> -> memref<128xi32, #tpu.memory_space<hbm>>
      %dma_wait3A_475 = arith.constant 0 : i32
      %dma_wait3A_476 = tpu.memref_slice %arg6[%run_scoped3A_218, %dma_wait3A_475] : memref<4x128xi32, #tpu.memory_space<vmem>> -> memref<1x128xi32, #tpu.memory_space<vmem>>
      %dma_wait3A_477 = tpu.memref_squeeze %dma_wait3A_476 : memref<1x128xi32, #tpu.memory_space<vmem>> -> memref<128xi32, #tpu.memory_space<vmem>>
      %dma_wait3A_478 = arith.constant 0 : i32
      %dma_wait3A_479 = tpu.memref_slice %arg2[%select_n3A_199, %add3A_217, %select_n3A_215, %dma_wait3A_478] : memref<25x32x8x128xi32, #tpu.memory_space<hbm>> -> memref<1x1x1x128xi32, #tpu.memory_space<hbm>>
      %dma_wait3A_480 = tpu.memref_squeeze %dma_wait3A_479 : memref<1x1x1x128xi32, #tpu.memory_space<hbm>> -> memref<128xi32, #tpu.memory_space<hbm>>
      tpu.wait_dma2 semaphore(%run_scoped3A_456 : memref<!tpu.dma_semaphore, #tpu.memory_space<semaphore_mem>>) src(%dma_wait3A_480 : memref<128xi32, #tpu.memory_space<hbm>>) dst(%dma_wait3A_477 : memref<128xi32, #tpu.memory_space<vmem>>)
      tpu.yield
    }) : () -> ()
    %add3A_219 = arith.constant 1 : i32
    %add3A_220 = arith.addi %mul3A_175, %add3A_219 : i32
    %run_scoped3A_221 = arith.constant 1 : i32
    "tpu.region"() ({
      %run_scoped3A_456 = tpu.sem_alloc : memref<!tpu.dma_semaphore, #tpu.memory_space<semaphore_mem>>
      %dma_start3A_457 = arith.constant 0 : i32
      %dma_start3A_458 = tpu.memref_slice %arg6[%run_scoped3A_221, %dma_start3A_457] : memref<4x128xi32, #tpu.memory_space<vmem>> -> memref<1x128xi32, #tpu.memory_space<vmem>>
      %dma_start3A_459 = tpu.memref_squeeze %dma_start3A_458 : memref<1x128xi32, #tpu.memory_space<vmem>> -> memref<128xi32, #tpu.memory_space<vmem>>
      %dma_start3A_460 = arith.constant 0 : i32
      %dma_start3A_461 = tpu.memref_slice %arg2[%select_n3A_199, %add3A_220, %select_n3A_215, %dma_start3A_460] : memref<25x32x8x128xi32, #tpu.memory_space<hbm>> -> memref<1x1x1x128xi32, #tpu.memory_space<hbm>>
      %dma_start3A_462 = tpu.memref_squeeze %dma_start3A_461 : memref<1x1x1x128xi32, #tpu.memory_space<hbm>> -> memref<128xi32, #tpu.memory_space<hbm>>
      %dma_start3A_463 = arith.constant 0 : i32
      %dma_start3A_464 = tpu.memref_slice %arg6[%run_scoped3A_221, %dma_start3A_463] : memref<4x128xi32, #tpu.memory_space<vmem>> -> memref<1x128xi32, #tpu.memory_space<vmem>>
      %dma_start3A_465 = tpu.memref_squeeze %dma_start3A_464 : memref<1x128xi32, #tpu.memory_space<vmem>> -> memref<128xi32, #tpu.memory_space<vmem>>
      %dma_start3A_466 = arith.constant 0 : i32
      %dma_start3A_467 = tpu.memref_slice %arg2[%select_n3A_199, %add3A_220, %select_n3A_215, %dma_start3A_466] : memref<25x32x8x128xi32, #tpu.memory_space<hbm>> -> memref<1x1x1x128xi32, #tpu.memory_space<hbm>>
      %dma_start3A_468 = tpu.memref_squeeze %dma_start3A_467 : memref<1x1x1x128xi32, #tpu.memory_space<hbm>> -> memref<128xi32, #tpu.memory_space<hbm>>
      tpu.enqueue_dma source(%dma_start3A_468 : memref<128xi32, #tpu.memory_space<hbm>>) target(%dma_start3A_465 : memref<128xi32, #tpu.memory_space<vmem>>) target_semaphore(%run_scoped3A_456 : memref<!tpu.dma_semaphore, #tpu.memory_space<semaphore_mem>>)
      %dma_wait3A_469 = arith.constant 0 : i32
      %dma_wait3A_470 = tpu.memref_slice %arg6[%run_scoped3A_221, %dma_wait3A_469] : memref<4x128xi32, #tpu.memory_space<vmem>> -> memref<1x128xi32, #tpu.memory_space<vmem>>
      %dma_wait3A_471 = tpu.memref_squeeze %dma_wait3A_470 : memref<1x128xi32, #tpu.memory_space<vmem>> -> memref<128xi32, #tpu.memory_space<vmem>>
      %dma_wait3A_472 = arith.constant 0 : i32
      %dma_wait3A_473 = tpu.memref_slice %arg2[%select_n3A_199, %add3A_220, %select_n3A_215, %dma_wait3A_472] : memref<25x32x8x128xi32, #tpu.memory_space<hbm>> -> memref<1x1x1x128xi32, #tpu.memory_space<hbm>>
      %dma_wait3A_474 = tpu.memref_squeeze %dma_wait3A_473 : memref<1x1x1x128xi32, #tpu.memory_space<hbm>> -> memref<128xi32, #tpu.memory_space<hbm>>
      %dma_wait3A_475 = arith.constant 0 : i32
      %dma_wait3A_476 = tpu.memref_slice %arg6[%run_scoped3A_221, %dma_wait3A_475] : memref<4x128xi32, #tpu.memory_space<vmem>> -> memref<1x128xi32, #tpu.memory_space<vmem>>
      %dma_wait3A_477 = tpu.memref_squeeze %dma_wait3A_476 : memref<1x128xi32, #tpu.memory_space<vmem>> -> memref<128xi32, #tpu.memory_space<vmem>>
      %dma_wait3A_478 = arith.constant 0 : i32
      %dma_wait3A_479 = tpu.memref_slice %arg2[%select_n3A_199, %add3A_220, %select_n3A_215, %dma_wait3A_478] : memref<25x32x8x128xi32, #tpu.memory_space<hbm>> -> memref<1x1x1x128xi32, #tpu.memory_space<hbm>>
      %dma_wait3A_480 = tpu.memref_squeeze %dma_wait3A_479 : memref<1x1x1x128xi32, #tpu.memory_space<hbm>> -> memref<128xi32, #tpu.memory_space<hbm>>
      tpu.wait_dma2 semaphore(%run_scoped3A_456 : memref<!tpu.dma_semaphore, #tpu.memory_space<semaphore_mem>>) src(%dma_wait3A_480 : memref<128xi32, #tpu.memory_space<hbm>>) dst(%dma_wait3A_477 : memref<128xi32, #tpu.memory_space<vmem>>)
      tpu.yield
    }) : () -> ()
    %add3A_222 = arith.constant 2 : i32
    %add3A_223 = arith.addi %mul3A_175, %add3A_222 : i32
    %run_scoped3A_224 = arith.constant 2 : i32
    "tpu.region"() ({
      %run_scoped3A_456 = tpu.sem_alloc : memref<!tpu.dma_semaphore, #tpu.memory_space<semaphore_mem>>
      %dma_start3A_457 = arith.constant 0 : i32
      %dma_start3A_458 = tpu.memref_slice %arg6[%run_scoped3A_224, %dma_start3A_457] : memref<4x128xi32, #tpu.memory_space<vmem>> -> memref<1x128xi32, #tpu.memory_space<vmem>>
      %dma_start3A_459 = tpu.memref_squeeze %dma_start3A_458 : memref<1x128xi32, #tpu.memory_space<vmem>> -> memref<128xi32, #tpu.memory_space<vmem>>
      %dma_start3A_460 = arith.constant 0 : i32
      %dma_start3A_461 = tpu.memref_slice %arg2[%select_n3A_199, %add3A_223, %select_n3A_215, %dma_start3A_460] : memref<25x32x8x128xi32, #tpu.memory_space<hbm>> -> memref<1x1x1x128xi32, #tpu.memory_space<hbm>>
      %dma_start3A_462 = tpu.memref_squeeze %dma_start3A_461 : memref<1x1x1x128xi32, #tpu.memory_space<hbm>> -> memref<128xi32, #tpu.memory_space<hbm>>
      %dma_start3A_463 = arith.constant 0 : i32
      %dma_start3A_464 = tpu.memref_slice %arg6[%run_scoped3A_224, %dma_start3A_463] : memref<4x128xi32, #tpu.memory_space<vmem>> -> memref<1x128xi32, #tpu.memory_space<vmem>>
      %dma_start3A_465 = tpu.memref_squeeze %dma_start3A_464 : memref<1x128xi32, #tpu.memory_space<vmem>> -> memref<128xi32, #tpu.memory_space<vmem>>
      %dma_start3A_466 = arith.constant 0 : i32
      %dma_start3A_467 = tpu.memref_slice %arg2[%select_n3A_199, %add3A_223, %select_n3A_215, %dma_start3A_466] : memref<25x32x8x128xi32, #tpu.memory_space<hbm>> -> memref<1x1x1x128xi32, #tpu.memory_space<hbm>>
      %dma_start3A_468 = tpu.memref_squeeze %dma_start3A_467 : memref<1x1x1x128xi32, #tpu.memory_space<hbm>> -> memref<128xi32, #tpu.memory_space<hbm>>
      tpu.enqueue_dma source(%dma_start3A_468 : memref<128xi32, #tpu.memory_space<hbm>>) target(%dma_start3A_465 : memref<128xi32, #tpu.memory_space<vmem>>) target_semaphore(%run_scoped3A_456 : memref<!tpu.dma_semaphore, #tpu.memory_space<semaphore_mem>>)
      %dma_wait3A_469 = arith.constant 0 : i32
      %dma_wait3A_470 = tpu.memref_slice %arg6[%run_scoped3A_224, %dma_wait3A_469] : memref<4x128xi32, #tpu.memory_space<vmem>> -> memref<1x128xi32, #tpu.memory_space<vmem>>
      %dma_wait3A_471 = tpu.memref_squeeze %dma_wait3A_470 : memref<1x128xi32, #tpu.memory_space<vmem>> -> memref<128xi32, #tpu.memory_space<vmem>>
      %dma_wait3A_472 = arith.constant 0 : i32
      %dma_wait3A_473 = tpu.memref_slice %arg2[%select_n3A_199, %add3A_223, %select_n3A_215, %dma_wait3A_472] : memref<25x32x8x128xi32, #tpu.memory_space<hbm>> -> memref<1x1x1x128xi32, #tpu.memory_space<hbm>>
      %dma_wait3A_474 = tpu.memref_squeeze %dma_wait3A_473 : memref<1x1x1x128xi32, #tpu.memory_space<hbm>> -> memref<128xi32, #tpu.memory_space<hbm>>
      %dma_wait3A_475 = arith.constant 0 : i32
      %dma_wait3A_476 = tpu.memref_slice %arg6[%run_scoped3A_224, %dma_wait3A_475] : memref<4x128xi32, #tpu.memory_space<vmem>> -> memref<1x128xi32, #tpu.memory_space<vmem>>
      %dma_wait3A_477 = tpu.memref_squeeze %dma_wait3A_476 : memref<1x128xi32, #tpu.memory_space<vmem>> -> memref<128xi32, #tpu.memory_space<vmem>>
      %dma_wait3A_478 = arith.constant 0 : i32
      %dma_wait3A_479 = tpu.memref_slice %arg2[%select_n3A_199, %add3A_223, %select_n3A_215, %dma_wait3A_478] : memref<25x32x8x128xi32, #tpu.memory_space<hbm>> -> memref<1x1x1x128xi32, #tpu.memory_space<hbm>>
      %dma_wait3A_480 = tpu.memref_squeeze %dma_wait3A_479 : memref<1x1x1x128xi32, #tpu.memory_space<hbm>> -> memref<128xi32, #tpu.memory_space<hbm>>
      tpu.wait_dma2 semaphore(%run_scoped3A_456 : memref<!tpu.dma_semaphore, #tpu.memory_space<semaphore_mem>>) src(%dma_wait3A_480 : memref<128xi32, #tpu.memory_space<hbm>>) dst(%dma_wait3A_477 : memref<128xi32, #tpu.memory_space<vmem>>)
      tpu.yield
    }) : () -> ()
    %add3A_225 = arith.constant 3 : i32
    %add3A_226 = arith.addi %mul3A_175, %add3A_225 : i32
    %run_scoped3A_227 = arith.constant 3 : i32
    "tpu.region"() ({
      %run_scoped3A_456 = tpu.sem_alloc : memref<!tpu.dma_semaphore, #tpu.memory_space<semaphore_mem>>
      %dma_start3A_457 = arith.constant 0 : i32
      %dma_start3A_458 = tpu.memref_slice %arg6[%run_scoped3A_227, %dma_start3A_457] : memref<4x128xi32, #tpu.memory_space<vmem>> -> memref<1x128xi32, #tpu.memory_space<vmem>>
      %dma_start3A_459 = tpu.memref_squeeze %dma_start3A_458 : memref<1x128xi32, #tpu.memory_space<vmem>> -> memref<128xi32, #tpu.memory_space<vmem>>
      %dma_start3A_460 = arith.constant 0 : i32
      %dma_start3A_461 = tpu.memref_slice %arg2[%select_n3A_199, %add3A_226, %select_n3A_215, %dma_start3A_460] : memref<25x32x8x128xi32, #tpu.memory_space<hbm>> -> memref<1x1x1x128xi32, #tpu.memory_space<hbm>>
      %dma_start3A_462 = tpu.memref_squeeze %dma_start3A_461 : memref<1x1x1x128xi32, #tpu.memory_space<hbm>> -> memref<128xi32, #tpu.memory_space<hbm>>
      %dma_start3A_463 = arith.constant 0 : i32
      %dma_start3A_464 = tpu.memref_slice %arg6[%run_scoped3A_227, %dma_start3A_463] : memref<4x128xi32, #tpu.memory_space<vmem>> -> memref<1x128xi32, #tpu.memory_space<vmem>>
      %dma_start3A_465 = tpu.memref_squeeze %dma_start3A_464 : memref<1x128xi32, #tpu.memory_space<vmem>> -> memref<128xi32, #tpu.memory_space<vmem>>
      %dma_start3A_466 = arith.constant 0 : i32
      %dma_start3A_467 = tpu.memref_slice %arg2[%select_n3A_199, %add3A_226, %select_n3A_215, %dma_start3A_466] : memref<25x32x8x128xi32, #tpu.memory_space<hbm>> -> memref<1x1x1x128xi32, #tpu.memory_space<hbm>>
      %dma_start3A_468 = tpu.memref_squeeze %dma_start3A_467 : memref<1x1x1x128xi32, #tpu.memory_space<hbm>> -> memref<128xi32, #tpu.memory_space<hbm>>
      tpu.enqueue_dma source(%dma_start3A_468 : memref<128xi32, #tpu.memory_space<hbm>>) target(%dma_start3A_465 : memref<128xi32, #tpu.memory_space<vmem>>) target_semaphore(%run_scoped3A_456 : memref<!tpu.dma_semaphore, #tpu.memory_space<semaphore_mem>>)
      %dma_wait3A_469 = arith.constant 0 : i32
      %dma_wait3A_470 = tpu.memref_slice %arg6[%run_scoped3A_227, %dma_wait3A_469] : memref<4x128xi32, #tpu.memory_space<vmem>> -> memref<1x128xi32, #tpu.memory_space<vmem>>
      %dma_wait3A_471 = tpu.memref_squeeze %dma_wait3A_470 : memref<1x128xi32, #tpu.memory_space<vmem>> -> memref<128xi32, #tpu.memory_space<vmem>>
      %dma_wait3A_472 = arith.constant 0 : i32
      %dma_wait3A_473 = tpu.memref_slice %arg2[%select_n3A_199, %add3A_226, %select_n3A_215, %dma_wait3A_472] : memref<25x32x8x128xi32, #tpu.memory_space<hbm>> -> memref<1x1x1x128xi32, #tpu.memory_space<hbm>>
      %dma_wait3A_474 = tpu.memref_squeeze %dma_wait3A_473 : memref<1x1x1x128xi32, #tpu.memory_space<hbm>> -> memref<128xi32, #tpu.memory_space<hbm>>
      %dma_wait3A_475 = arith.constant 0 : i32
      %dma_wait3A_476 = tpu.memref_slice %arg6[%run_scoped3A_227, %dma_wait3A_475] : memref<4x128xi32, #tpu.memory_space<vmem>> -> memref<1x128xi32, #tpu.memory_space<vmem>>
      %dma_wait3A_477 = tpu.memref_squeeze %dma_wait3A_476 : memref<1x128xi32, #tpu.memory_space<vmem>> -> memref<128xi32, #tpu.memory_space<vmem>>
      %dma_wait3A_478 = arith.constant 0 : i32
      %dma_wait3A_479 = tpu.memref_slice %arg2[%select_n3A_199, %add3A_226, %select_n3A_215, %dma_wait3A_478] : memref<25x32x8x128xi32, #tpu.memory_space<hbm>> -> memref<1x1x1x128xi32, #tpu.memory_space<hbm>>
      %dma_wait3A_480 = tpu.memref_squeeze %dma_wait3A_479 : memref<1x1x1x128xi32, #tpu.memory_space<hbm>> -> memref<128xi32, #tpu.memory_space<hbm>>
      tpu.wait_dma2 semaphore(%run_scoped3A_456 : memref<!tpu.dma_semaphore, #tpu.memory_space<semaphore_mem>>) src(%dma_wait3A_480 : memref<128xi32, #tpu.memory_space<hbm>>) dst(%dma_wait3A_477 : memref<128xi32, #tpu.memory_space<vmem>>)
      tpu.yield
    }) : () -> ()
    %dma_start3A_228 = arith.constant 0 : i32
    %dma_start3A_229 = arith.constant 0 : i32
    %dma_start3A_230 = arith.constant 0 : i32
    %dma_start3A_231 = tpu.memref_slice %arg8[%dma_start3A_229, %dma_start3A_230] : memref<512x32xf32, #tpu.memory_space<vmem>> -> memref<128x32xf32, #tpu.memory_space<vmem>>
    %dma_start3A_232 = arith.constant 0 : i32
    %dma_start3A_233 = tpu.memref_slice %arg6[%dma_start3A_228, %dma_start3A_232] : memref<4x128xi32, #tpu.memory_space<vmem>> -> memref<1x128xi32, #tpu.memory_space<vmem>>
    %dma_start3A_234 = tpu.memref_squeeze %dma_start3A_233 : memref<1x128xi32, #tpu.memory_space<vmem>> -> memref<128xi32, #tpu.memory_space<vmem>>
    %dma_start3A_235 = arith.constant 0 : i32
    %dma_start3A_236 = arith.constant 0 : i32
    %dma_start3A_237 = tpu.memref_slice %arg3[%dma_start3A_235, %dma_start3A_236] : memref<1000000x32xf32, #tpu.memory_space<hbm>> -> memref<1000000x32xf32, #tpu.memory_space<hbm>>
    tpu.enqueue_indirect_dma source(%dma_start3A_237 : memref<1000000x32xf32, #tpu.memory_space<hbm>>) target(%dma_start3A_231 : memref<128x32xf32, #tpu.memory_space<vmem>>) offsets(%dma_start3A_234 : memref<128xi32, #tpu.memory_space<vmem>>) semaphore(%arg16 : memref<!tpu.dma_semaphore, #tpu.memory_space<semaphore_mem>>)
    %dma_start3A_238 = arith.constant 1 : i32
    %dma_start3A_239 = arith.constant 128 : i32
    %dma_start3A_240 = arith.constant 0 : i32
    %dma_start3A_241 = tpu.memref_slice %arg8[%dma_start3A_239, %dma_start3A_240] : memref<512x32xf32, #tpu.memory_space<vmem>> -> memref<128x32xf32, #tpu.memory_space<vmem>>
    %dma_start3A_242 = arith.constant 0 : i32
    %dma_start3A_243 = tpu.memref_slice %arg6[%dma_start3A_238, %dma_start3A_242] : memref<4x128xi32, #tpu.memory_space<vmem>> -> memref<1x128xi32, #tpu.memory_space<vmem>>
    %dma_start3A_244 = tpu.memref_squeeze %dma_start3A_243 : memref<1x128xi32, #tpu.memory_space<vmem>> -> memref<128xi32, #tpu.memory_space<vmem>>
    %dma_start3A_245 = arith.constant 0 : i32
    %dma_start3A_246 = arith.constant 0 : i32
    %dma_start3A_247 = tpu.memref_slice %arg3[%dma_start3A_245, %dma_start3A_246] : memref<1000000x32xf32, #tpu.memory_space<hbm>> -> memref<1000000x32xf32, #tpu.memory_space<hbm>>
    tpu.enqueue_indirect_dma source(%dma_start3A_247 : memref<1000000x32xf32, #tpu.memory_space<hbm>>) target(%dma_start3A_241 : memref<128x32xf32, #tpu.memory_space<vmem>>) offsets(%dma_start3A_244 : memref<128xi32, #tpu.memory_space<vmem>>) semaphore(%arg16 : memref<!tpu.dma_semaphore, #tpu.memory_space<semaphore_mem>>)
    %dma_start3A_248 = arith.constant 2 : i32
    %dma_start3A_249 = arith.constant 256 : i32
    %dma_start3A_250 = arith.constant 0 : i32
    %dma_start3A_251 = tpu.memref_slice %arg8[%dma_start3A_249, %dma_start3A_250] : memref<512x32xf32, #tpu.memory_space<vmem>> -> memref<128x32xf32, #tpu.memory_space<vmem>>
    %dma_start3A_252 = arith.constant 0 : i32
    %dma_start3A_253 = tpu.memref_slice %arg6[%dma_start3A_248, %dma_start3A_252] : memref<4x128xi32, #tpu.memory_space<vmem>> -> memref<1x128xi32, #tpu.memory_space<vmem>>
    %dma_start3A_254 = tpu.memref_squeeze %dma_start3A_253 : memref<1x128xi32, #tpu.memory_space<vmem>> -> memref<128xi32, #tpu.memory_space<vmem>>
    %dma_start3A_255 = arith.constant 0 : i32
    %dma_start3A_256 = arith.constant 0 : i32
    %dma_start3A_257 = tpu.memref_slice %arg3[%dma_start3A_255, %dma_start3A_256] : memref<1000000x32xf32, #tpu.memory_space<hbm>> -> memref<1000000x32xf32, #tpu.memory_space<hbm>>
    tpu.enqueue_indirect_dma source(%dma_start3A_257 : memref<1000000x32xf32, #tpu.memory_space<hbm>>) target(%dma_start3A_251 : memref<128x32xf32, #tpu.memory_space<vmem>>) offsets(%dma_start3A_254 : memref<128xi32, #tpu.memory_space<vmem>>) semaphore(%arg16 : memref<!tpu.dma_semaphore, #tpu.memory_space<semaphore_mem>>)
    %dma_start3A_258 = arith.constant 3 : i32
    %dma_start3A_259 = arith.constant 384 : i32
    %dma_start3A_260 = arith.constant 0 : i32
    %dma_start3A_261 = tpu.memref_slice %arg8[%dma_start3A_259, %dma_start3A_260] : memref<512x32xf32, #tpu.memory_space<vmem>> -> memref<128x32xf32, #tpu.memory_space<vmem>>
    %dma_start3A_262 = arith.constant 0 : i32
    %dma_start3A_263 = tpu.memref_slice %arg6[%dma_start3A_258, %dma_start3A_262] : memref<4x128xi32, #tpu.memory_space<vmem>> -> memref<1x128xi32, #tpu.memory_space<vmem>>
    %dma_start3A_264 = tpu.memref_squeeze %dma_start3A_263 : memref<1x128xi32, #tpu.memory_space<vmem>> -> memref<128xi32, #tpu.memory_space<vmem>>
    %dma_start3A_265 = arith.constant 0 : i32
    %dma_start3A_266 = arith.constant 0 : i32
    %dma_start3A_267 = tpu.memref_slice %arg3[%dma_start3A_265, %dma_start3A_266] : memref<1000000x32xf32, #tpu.memory_space<hbm>> -> memref<1000000x32xf32, #tpu.memory_space<hbm>>
    tpu.enqueue_indirect_dma source(%dma_start3A_267 : memref<1000000x32xf32, #tpu.memory_space<hbm>>) target(%dma_start3A_261 : memref<128x32xf32, #tpu.memory_space<vmem>>) offsets(%dma_start3A_264 : memref<128xi32, #tpu.memory_space<vmem>>) semaphore(%arg16 : memref<!tpu.dma_semaphore, #tpu.memory_space<semaphore_mem>>)
    %scan3A = arith.constant 0 : i32
    %scan3A_268 = arith.constant 0 : i32
    %scan3A_269 = arith.constant 25 : i32
    %scan3A_270 = arith.addi %scan3A_268, %scan3A_269 : i32
    %scan3A_271 = arith.constant 1 : i32
    scf.for %scan3A_456 = %scan3A_268 to %scan3A_270 step %scan3A_271  : i32 {
      %mul3A_457 = arith.constant 50 : i32
      %mul3A_458 = arith.muli %add3A, %mul3A_457 : i32
      %mul3A_459 = arith.constant 2 : i32
      %mul3A_460 = arith.muli %mul3A_459, %scan3A_456 : i32
      %add3A_461 = arith.addi %mul3A_458, %mul3A_460 : i32
      %add3A_462 = arith.constant 0 : i32
      %add3A_463 = arith.addi %add3A_461, %add3A_462 : i32
      %add3A_464 = arith.constant 2 : i32
      %add3A_465 = arith.addi %add3A_463, %add3A_464 : i32
      %dma_wait3A_466 = arith.constant 0 : i32
      %dma_wait3A_467 = arith.constant 0 : i32
      %dma_wait3A_468 = arith.constant 0 : i32
      %dma_wait3A_469 = tpu.memref_slice %arg7[%dma_wait3A_467, %dma_wait3A_468] : memref<512x32xf32, #tpu.memory_space<vmem>> -> memref<128x32xf32, #tpu.memory_space<vmem>>
      %dma_wait3A_470 = arith.constant 0 : i32
      %dma_wait3A_471 = tpu.memref_slice %arg5[%dma_wait3A_466, %dma_wait3A_470] : memref<4x128xi32, #tpu.memory_space<vmem>> -> memref<1x128xi32, #tpu.memory_space<vmem>>
      %dma_wait3A_472 = tpu.memref_squeeze %dma_wait3A_471 : memref<1x128xi32, #tpu.memory_space<vmem>> -> memref<128xi32, #tpu.memory_space<vmem>>
      %dma_wait3A_473 = arith.constant 0 : i32
      %dma_wait3A_474 = arith.constant 0 : i32
      %dma_wait3A_475 = tpu.memref_slice %arg3[%dma_wait3A_473, %dma_wait3A_474] : memref<1000000x32xf32, #tpu.memory_space<hbm>> -> memref<1000000x32xf32, #tpu.memory_space<hbm>>
      tpu.wait_indirect_dma semaphore(%arg15 : memref<!tpu.dma_semaphore, #tpu.memory_space<semaphore_mem>>) src(%dma_wait3A_475 : memref<1000000x32xf32, #tpu.memory_space<hbm>>) dst(%dma_wait3A_469 : memref<128x32xf32, #tpu.memory_space<vmem>>)
      %dma_wait3A_476 = arith.constant 1 : i32
      %dma_wait3A_477 = arith.constant 128 : i32
      %dma_wait3A_478 = arith.constant 0 : i32
      %dma_wait3A_479 = tpu.memref_slice %arg7[%dma_wait3A_477, %dma_wait3A_478] : memref<512x32xf32, #tpu.memory_space<vmem>> -> memref<128x32xf32, #tpu.memory_space<vmem>>
      %dma_wait3A_480 = arith.constant 0 : i32
      %dma_wait3A_481 = tpu.memref_slice %arg5[%dma_wait3A_476, %dma_wait3A_480] : memref<4x128xi32, #tpu.memory_space<vmem>> -> memref<1x128xi32, #tpu.memory_space<vmem>>
      %dma_wait3A_482 = tpu.memref_squeeze %dma_wait3A_481 : memref<1x128xi32, #tpu.memory_space<vmem>> -> memref<128xi32, #tpu.memory_space<vmem>>
      %dma_wait3A_483 = arith.constant 0 : i32
      %dma_wait3A_484 = arith.constant 0 : i32
      %dma_wait3A_485 = tpu.memref_slice %arg3[%dma_wait3A_483, %dma_wait3A_484] : memref<1000000x32xf32, #tpu.memory_space<hbm>> -> memref<1000000x32xf32, #tpu.memory_space<hbm>>
      tpu.wait_indirect_dma semaphore(%arg15 : memref<!tpu.dma_semaphore, #tpu.memory_space<semaphore_mem>>) src(%dma_wait3A_485 : memref<1000000x32xf32, #tpu.memory_space<hbm>>) dst(%dma_wait3A_479 : memref<128x32xf32, #tpu.memory_space<vmem>>)
      %dma_wait3A_486 = arith.constant 2 : i32
      %dma_wait3A_487 = arith.constant 256 : i32
      %dma_wait3A_488 = arith.constant 0 : i32
      %dma_wait3A_489 = tpu.memref_slice %arg7[%dma_wait3A_487, %dma_wait3A_488] : memref<512x32xf32, #tpu.memory_space<vmem>> -> memref<128x32xf32, #tpu.memory_space<vmem>>
      %dma_wait3A_490 = arith.constant 0 : i32
      %dma_wait3A_491 = tpu.memref_slice %arg5[%dma_wait3A_486, %dma_wait3A_490] : memref<4x128xi32, #tpu.memory_space<vmem>> -> memref<1x128xi32, #tpu.memory_space<vmem>>
      %dma_wait3A_492 = tpu.memref_squeeze %dma_wait3A_491 : memref<1x128xi32, #tpu.memory_space<vmem>> -> memref<128xi32, #tpu.memory_space<vmem>>
      %dma_wait3A_493 = arith.constant 0 : i32
      %dma_wait3A_494 = arith.constant 0 : i32
      %dma_wait3A_495 = tpu.memref_slice %arg3[%dma_wait3A_493, %dma_wait3A_494] : memref<1000000x32xf32, #tpu.memory_space<hbm>> -> memref<1000000x32xf32, #tpu.memory_space<hbm>>
      tpu.wait_indirect_dma semaphore(%arg15 : memref<!tpu.dma_semaphore, #tpu.memory_space<semaphore_mem>>) src(%dma_wait3A_495 : memref<1000000x32xf32, #tpu.memory_space<hbm>>) dst(%dma_wait3A_489 : memref<128x32xf32, #tpu.memory_space<vmem>>)
      %dma_wait3A_496 = arith.constant 3 : i32
      %dma_wait3A_497 = arith.constant 384 : i32
      %dma_wait3A_498 = arith.constant 0 : i32
      %dma_wait3A_499 = tpu.memref_slice %arg7[%dma_wait3A_497, %dma_wait3A_498] : memref<512x32xf32, #tpu.memory_space<vmem>> -> memref<128x32xf32, #tpu.memory_space<vmem>>
      %dma_wait3A_500 = arith.constant 0 : i32
      %dma_wait3A_501 = tpu.memref_slice %arg5[%dma_wait3A_496, %dma_wait3A_500] : memref<4x128xi32, #tpu.memory_space<vmem>> -> memref<1x128xi32, #tpu.memory_space<vmem>>
      %dma_wait3A_502 = tpu.memref_squeeze %dma_wait3A_501 : memref<1x128xi32, #tpu.memory_space<vmem>> -> memref<128xi32, #tpu.memory_space<vmem>>
      %dma_wait3A_503 = arith.constant 0 : i32
      %dma_wait3A_504 = arith.constant 0 : i32
      %dma_wait3A_505 = tpu.memref_slice %arg3[%dma_wait3A_503, %dma_wait3A_504] : memref<1000000x32xf32, #tpu.memory_space<hbm>> -> memref<1000000x32xf32, #tpu.memory_space<hbm>>
      tpu.wait_indirect_dma semaphore(%arg15 : memref<!tpu.dma_semaphore, #tpu.memory_space<semaphore_mem>>) src(%dma_wait3A_505 : memref<1000000x32xf32, #tpu.memory_space<hbm>>) dst(%dma_wait3A_499 : memref<128x32xf32, #tpu.memory_space<vmem>>)
      %mul3A_506 = arith.constant 2 : i32
      %mul3A_507 = arith.muli %mul3A_506, %scan3A_456 : i32
      %add3A_508 = arith.constant 0 : i32
      %add3A_509 = arith.addi %mul3A_507, %add3A_508 : i32
      %add3A_510 = arith.constant 2 : i32
      %add3A_511 = arith.addi %add3A_509, %add3A_510 : i32
      %lt3A_512 = arith.constant 50 : i32
      %lt3A_513 = arith.cmpi slt, %add3A_511, %lt3A_512 : i32
      %convert_element_type3A = arith.extui %lt3A_513 : i1 to i32
      %cond3A = arith.constant 0 : i32
      %cond3A_514 = arith.cmpi ne, %convert_element_type3A, %cond3A : i32
      scf.if %cond3A_514 {
        %jit3A_954 = arith.constant 8 : i32
        %div3A_955 = arith.divsi %add3A_465, %jit3A_954 : i32
        %sign3A_956 = arith.constant 0 : i32
        %sign3A_957 = arith.cmpi sgt, %add3A_465, %sign3A_956 : i32
        %sign3A_958 = arith.extui %sign3A_957 : i1 to i32
        %sign3A_959 = arith.constant 0 : i32
        %sign3A_960 = arith.cmpi slt, %add3A_465, %sign3A_959 : i32
        %sign3A_961 = arith.extui %sign3A_960 : i1 to i32
        %sign3A_962 = arith.subi %sign3A_958, %sign3A_961 : i32
        %sign3A_963 = arith.constant 0 : i32
        %sign3A_964 = arith.cmpi sgt, %jit3A_954, %sign3A_963 : i32
        %sign3A_965 = arith.extui %sign3A_964 : i1 to i32
        %sign3A_966 = arith.constant 0 : i32
        %sign3A_967 = arith.cmpi slt, %jit3A_954, %sign3A_966 : i32
        %sign3A_968 = arith.extui %sign3A_967 : i1 to i32
        %sign3A_969 = arith.subi %sign3A_965, %sign3A_968 : i32
        %ne3A_970 = arith.cmpi ne, %sign3A_962, %sign3A_969 : i32
        %rem3A_971 = arith.remsi %add3A_465, %jit3A_954 : i32
        %ne3A_972 = arith.constant 0 : i32
        %ne3A_973 = arith.cmpi ne, %rem3A_971, %ne3A_972 : i32
        %and3A_974 = arith.andi %ne3A_970, %ne3A_973 : i1
        %sub3A_975 = arith.constant 1 : i32
        %sub3A_976 = arith.subi %div3A_955, %sub3A_975 : i32
        %select_n3A_977 = arith.select %and3A_974, %sub3A_976, %div3A_955 : i32
        %jit3A_978 = arith.constant 8 : i32
        %eq3A_979 = arith.constant 0 : i32
        %eq3A_980 = arith.cmpi eq, %jit3A_978, %eq3A_979 : i32
        %jit3A_981 = arith.constant 1 : i32
        %select_n3A_982 = arith.select %eq3A_980, %jit3A_981, %jit3A_978 : i32
        %rem3A_983 = arith.remsi %add3A_465, %select_n3A_982 : i32
        %ne3A_984 = arith.constant 0 : i32
        %ne3A_985 = arith.cmpi ne, %rem3A_983, %ne3A_984 : i32
        %lt3A_986 = arith.constant 0 : i32
        %lt3A_987 = arith.cmpi slt, %rem3A_983, %lt3A_986 : i32
        %lt3A_988 = arith.constant 0 : i32
        %lt3A_989 = arith.cmpi slt, %select_n3A_982, %lt3A_988 : i32
        %ne3A_990 = arith.xori %lt3A_987, %lt3A_989 : i1
        %and3A_991 = arith.andi %ne3A_990, %ne3A_985 : i1
        %add3A_992 = arith.addi %rem3A_983, %select_n3A_982 : i32
        %select_n3A_993 = arith.select %and3A_991, %add3A_992, %rem3A_983 : i32
        %mul3A_994 = arith.constant 4 : i32
        %mul3A_995 = arith.muli %select_n3A_993, %mul3A_994 : i32
        %jit3A_996 = arith.constant 8 : i32
        %div3A_997 = arith.divsi %select_n3A_977, %jit3A_996 : i32
        %sign3A_998 = arith.constant 0 : i32
        %sign3A_999 = arith.cmpi sgt, %select_n3A_977, %sign3A_998 : i32
        %sign3A_1000 = arith.extui %sign3A_999 : i1 to i32
        %sign3A_1001 = arith.constant 0 : i32
        %sign3A_1002 = arith.cmpi slt, %select_n3A_977, %sign3A_1001 : i32
        %sign3A_1003 = arith.extui %sign3A_1002 : i1 to i32
        %sign3A_1004 = arith.subi %sign3A_1000, %sign3A_1003 : i32
        %sign3A_1005 = arith.constant 0 : i32
        %sign3A_1006 = arith.cmpi sgt, %jit3A_996, %sign3A_1005 : i32
        %sign3A_1007 = arith.extui %sign3A_1006 : i1 to i32
        %sign3A_1008 = arith.constant 0 : i32
        %sign3A_1009 = arith.cmpi slt, %jit3A_996, %sign3A_1008 : i32
        %sign3A_1010 = arith.extui %sign3A_1009 : i1 to i32
        %sign3A_1011 = arith.subi %sign3A_1007, %sign3A_1010 : i32
        %ne3A_1012 = arith.cmpi ne, %sign3A_1004, %sign3A_1011 : i32
        %rem3A_1013 = arith.remsi %select_n3A_977, %jit3A_996 : i32
        %ne3A_1014 = arith.constant 0 : i32
        %ne3A_1015 = arith.cmpi ne, %rem3A_1013, %ne3A_1014 : i32
        %and3A_1016 = arith.andi %ne3A_1012, %ne3A_1015 : i1
        %sub3A_1017 = arith.constant 1 : i32
        %sub3A_1018 = arith.subi %div3A_997, %sub3A_1017 : i32
        %select_n3A_1019 = arith.select %and3A_1016, %sub3A_1018, %div3A_997 : i32
        %jit3A_1020 = arith.constant 8 : i32
        %eq3A_1021 = arith.constant 0 : i32
        %eq3A_1022 = arith.cmpi eq, %jit3A_1020, %eq3A_1021 : i32
        %jit3A_1023 = arith.constant 1 : i32
        %select_n3A_1024 = arith.select %eq3A_1022, %jit3A_1023, %jit3A_1020 : i32
        %rem3A_1025 = arith.remsi %select_n3A_977, %select_n3A_1024 : i32
        %ne3A_1026 = arith.constant 0 : i32
        %ne3A_1027 = arith.cmpi ne, %rem3A_1025, %ne3A_1026 : i32
        %lt3A_1028 = arith.constant 0 : i32
        %lt3A_1029 = arith.cmpi slt, %rem3A_1025, %lt3A_1028 : i32
        %lt3A_1030 = arith.constant 0 : i32
        %lt3A_1031 = arith.cmpi slt, %select_n3A_1024, %lt3A_1030 : i32
        %ne3A_1032 = arith.xori %lt3A_1029, %lt3A_1031 : i1
        %and3A_1033 = arith.andi %ne3A_1032, %ne3A_1027 : i1
        %add3A_1034 = arith.addi %rem3A_1025, %select_n3A_1024 : i32
        %select_n3A_1035 = arith.select %and3A_1033, %add3A_1034, %rem3A_1025 : i32
        %add3A_1036 = arith.constant 0 : i32
        %add3A_1037 = arith.addi %mul3A_995, %add3A_1036 : i32
        %dma_start3A_1038 = arith.constant 0 : i32
        %dma_start3A_1039 = arith.constant 0 : i32
        %dma_start3A_1040 = tpu.memref_slice %arg5[%dma_start3A_1038, %dma_start3A_1039] : memref<4x128xi32, #tpu.memory_space<vmem>> -> memref<1x128xi32, #tpu.memory_space<vmem>>
        %dma_start3A_1041 = tpu.memref_squeeze %dma_start3A_1040 : memref<1x128xi32, #tpu.memory_space<vmem>> -> memref<128xi32, #tpu.memory_space<vmem>>
        %dma_start3A_1042 = arith.constant 0 : i32
        %dma_start3A_1043 = tpu.memref_slice %arg2[%select_n3A_1019, %add3A_1037, %select_n3A_1035, %dma_start3A_1042] : memref<25x32x8x128xi32, #tpu.memory_space<hbm>> -> memref<1x1x1x128xi32, #tpu.memory_space<hbm>>
        %dma_start3A_1044 = tpu.memref_squeeze %dma_start3A_1043 : memref<1x1x1x128xi32, #tpu.memory_space<hbm>> -> memref<128xi32, #tpu.memory_space<hbm>>
        %dma_start3A_1045 = arith.constant 0 : i32
        %dma_start3A_1046 = tpu.memref_slice %arg5[%dma_start3A_1038, %dma_start3A_1045] : memref<4x128xi32, #tpu.memory_space<vmem>> -> memref<1x128xi32, #tpu.memory_space<vmem>>
        %dma_start3A_1047 = tpu.memref_squeeze %dma_start3A_1046 : memref<1x128xi32, #tpu.memory_space<vmem>> -> memref<128xi32, #tpu.memory_space<vmem>>
        %dma_start3A_1048 = arith.constant 0 : i32
        %dma_start3A_1049 = tpu.memref_slice %arg2[%select_n3A_1019, %add3A_1037, %select_n3A_1035, %dma_start3A_1048] : memref<25x32x8x128xi32, #tpu.memory_space<hbm>> -> memref<1x1x1x128xi32, #tpu.memory_space<hbm>>
        %dma_start3A_1050 = tpu.memref_squeeze %dma_start3A_1049 : memref<1x1x1x128xi32, #tpu.memory_space<hbm>> -> memref<128xi32, #tpu.memory_space<hbm>>
        tpu.enqueue_dma source(%dma_start3A_1050 : memref<128xi32, #tpu.memory_space<hbm>>) target(%dma_start3A_1047 : memref<128xi32, #tpu.memory_space<vmem>>) target_semaphore(%arg13 : memref<!tpu.dma_semaphore, #tpu.memory_space<semaphore_mem>>)
        %add3A_1051 = arith.constant 1 : i32
        %add3A_1052 = arith.addi %mul3A_995, %add3A_1051 : i32
        %dma_start3A_1053 = arith.constant 1 : i32
        %dma_start3A_1054 = arith.constant 0 : i32
        %dma_start3A_1055 = tpu.memref_slice %arg5[%dma_start3A_1053, %dma_start3A_1054] : memref<4x128xi32, #tpu.memory_space<vmem>> -> memref<1x128xi32, #tpu.memory_space<vmem>>
        %dma_start3A_1056 = tpu.memref_squeeze %dma_start3A_1055 : memref<1x128xi32, #tpu.memory_space<vmem>> -> memref<128xi32, #tpu.memory_space<vmem>>
        %dma_start3A_1057 = arith.constant 0 : i32
        %dma_start3A_1058 = tpu.memref_slice %arg2[%select_n3A_1019, %add3A_1052, %select_n3A_1035, %dma_start3A_1057] : memref<25x32x8x128xi32, #tpu.memory_space<hbm>> -> memref<1x1x1x128xi32, #tpu.memory_space<hbm>>
        %dma_start3A_1059 = tpu.memref_squeeze %dma_start3A_1058 : memref<1x1x1x128xi32, #tpu.memory_space<hbm>> -> memref<128xi32, #tpu.memory_space<hbm>>
        %dma_start3A_1060 = arith.constant 0 : i32
        %dma_start3A_1061 = tpu.memref_slice %arg5[%dma_start3A_1053, %dma_start3A_1060] : memref<4x128xi32, #tpu.memory_space<vmem>> -> memref<1x128xi32, #tpu.memory_space<vmem>>
        %dma_start3A_1062 = tpu.memref_squeeze %dma_start3A_1061 : memref<1x128xi32, #tpu.memory_space<vmem>> -> memref<128xi32, #tpu.memory_space<vmem>>
        %dma_start3A_1063 = arith.constant 0 : i32
        %dma_start3A_1064 = tpu.memref_slice %arg2[%select_n3A_1019, %add3A_1052, %select_n3A_1035, %dma_start3A_1063] : memref<25x32x8x128xi32, #tpu.memory_space<hbm>> -> memref<1x1x1x128xi32, #tpu.memory_space<hbm>>
        %dma_start3A_1065 = tpu.memref_squeeze %dma_start3A_1064 : memref<1x1x1x128xi32, #tpu.memory_space<hbm>> -> memref<128xi32, #tpu.memory_space<hbm>>
        tpu.enqueue_dma source(%dma_start3A_1065 : memref<128xi32, #tpu.memory_space<hbm>>) target(%dma_start3A_1062 : memref<128xi32, #tpu.memory_space<vmem>>) target_semaphore(%arg13 : memref<!tpu.dma_semaphore, #tpu.memory_space<semaphore_mem>>)
        %add3A_1066 = arith.constant 2 : i32
        %add3A_1067 = arith.addi %mul3A_995, %add3A_1066 : i32
        %dma_start3A_1068 = arith.constant 2 : i32
        %dma_start3A_1069 = arith.constant 0 : i32
        %dma_start3A_1070 = tpu.memref_slice %arg5[%dma_start3A_1068, %dma_start3A_1069] : memref<4x128xi32, #tpu.memory_space<vmem>> -> memref<1x128xi32, #tpu.memory_space<vmem>>
        %dma_start3A_1071 = tpu.memref_squeeze %dma_start3A_1070 : memref<1x128xi32, #tpu.memory_space<vmem>> -> memref<128xi32, #tpu.memory_space<vmem>>
        %dma_start3A_1072 = arith.constant 0 : i32
        %dma_start3A_1073 = tpu.memref_slice %arg2[%select_n3A_1019, %add3A_1067, %select_n3A_1035, %dma_start3A_1072] : memref<25x32x8x128xi32, #tpu.memory_space<hbm>> -> memref<1x1x1x128xi32, #tpu.memory_space<hbm>>
        %dma_start3A_1074 = tpu.memref_squeeze %dma_start3A_1073 : memref<1x1x1x128xi32, #tpu.memory_space<hbm>> -> memref<128xi32, #tpu.memory_space<hbm>>
        %dma_start3A_1075 = arith.constant 0 : i32
        %dma_start3A_1076 = tpu.memref_slice %arg5[%dma_start3A_1068, %dma_start3A_1075] : memref<4x128xi32, #tpu.memory_space<vmem>> -> memref<1x128xi32, #tpu.memory_space<vmem>>
        %dma_start3A_1077 = tpu.memref_squeeze %dma_start3A_1076 : memref<1x128xi32, #tpu.memory_space<vmem>> -> memref<128xi32, #tpu.memory_space<vmem>>
        %dma_start3A_1078 = arith.constant 0 : i32
        %dma_start3A_1079 = tpu.memref_slice %arg2[%select_n3A_1019, %add3A_1067, %select_n3A_1035, %dma_start3A_1078] : memref<25x32x8x128xi32, #tpu.memory_space<hbm>> -> memref<1x1x1x128xi32, #tpu.memory_space<hbm>>
        %dma_start3A_1080 = tpu.memref_squeeze %dma_start3A_1079 : memref<1x1x1x128xi32, #tpu.memory_space<hbm>> -> memref<128xi32, #tpu.memory_space<hbm>>
        tpu.enqueue_dma source(%dma_start3A_1080 : memref<128xi32, #tpu.memory_space<hbm>>) target(%dma_start3A_1077 : memref<128xi32, #tpu.memory_space<vmem>>) target_semaphore(%arg13 : memref<!tpu.dma_semaphore, #tpu.memory_space<semaphore_mem>>)
        %add3A_1081 = arith.constant 3 : i32
        %add3A_1082 = arith.addi %mul3A_995, %add3A_1081 : i32
        %dma_start3A_1083 = arith.constant 3 : i32
        %dma_start3A_1084 = arith.constant 0 : i32
        %dma_start3A_1085 = tpu.memref_slice %arg5[%dma_start3A_1083, %dma_start3A_1084] : memref<4x128xi32, #tpu.memory_space<vmem>> -> memref<1x128xi32, #tpu.memory_space<vmem>>
        %dma_start3A_1086 = tpu.memref_squeeze %dma_start3A_1085 : memref<1x128xi32, #tpu.memory_space<vmem>> -> memref<128xi32, #tpu.memory_space<vmem>>
        %dma_start3A_1087 = arith.constant 0 : i32
        %dma_start3A_1088 = tpu.memref_slice %arg2[%select_n3A_1019, %add3A_1082, %select_n3A_1035, %dma_start3A_1087] : memref<25x32x8x128xi32, #tpu.memory_space<hbm>> -> memref<1x1x1x128xi32, #tpu.memory_space<hbm>>
        %dma_start3A_1089 = tpu.memref_squeeze %dma_start3A_1088 : memref<1x1x1x128xi32, #tpu.memory_space<hbm>> -> memref<128xi32, #tpu.memory_space<hbm>>
        %dma_start3A_1090 = arith.constant 0 : i32
        %dma_start3A_1091 = tpu.memref_slice %arg5[%dma_start3A_1083, %dma_start3A_1090] : memref<4x128xi32, #tpu.memory_space<vmem>> -> memref<1x128xi32, #tpu.memory_space<vmem>>
        %dma_start3A_1092 = tpu.memref_squeeze %dma_start3A_1091 : memref<1x128xi32, #tpu.memory_space<vmem>> -> memref<128xi32, #tpu.memory_space<vmem>>
        %dma_start3A_1093 = arith.constant 0 : i32
        %dma_start3A_1094 = tpu.memref_slice %arg2[%select_n3A_1019, %add3A_1082, %select_n3A_1035, %dma_start3A_1093] : memref<25x32x8x128xi32, #tpu.memory_space<hbm>> -> memref<1x1x1x128xi32, #tpu.memory_space<hbm>>
        %dma_start3A_1095 = tpu.memref_squeeze %dma_start3A_1094 : memref<1x1x1x128xi32, #tpu.memory_space<hbm>> -> memref<128xi32, #tpu.memory_space<hbm>>
        tpu.enqueue_dma source(%dma_start3A_1095 : memref<128xi32, #tpu.memory_space<hbm>>) target(%dma_start3A_1092 : memref<128xi32, #tpu.memory_space<vmem>>) target_semaphore(%arg13 : memref<!tpu.dma_semaphore, #tpu.memory_space<semaphore_mem>>)
      } else {
      }
      %gt3A = arith.constant 0 : i32
      %gt3A_515 = arith.cmpi sgt, %scan3A_456, %gt3A : i32
      %convert_element_type3A_516 = arith.extui %gt3A_515 : i1 to i32
      %cond3A_517 = arith.constant 0 : i32
      %cond3A_518 = arith.cmpi ne, %convert_element_type3A_516, %cond3A_517 : i32
      scf.if %cond3A_518 {
        %dma_wait3A_954 = arith.constant 0 : i32
        %dma_wait3A_955 = arith.constant 0 : i32
        %dma_wait3A_956 = arith.constant 0 : i32
        %dma_wait3A_957 = arith.constant 0 : i32
        %dma_wait3A_958 = arith.constant 0 : i32
        %dma_wait3A_959 = arith.constant 0 : i32
        %dma_wait3A_960 = tpu.memref_slice %arg11[%dma_wait3A_954, %dma_wait3A_957, %dma_wait3A_958, %dma_wait3A_959] : memref<4x4x8x128xf32, #tpu.memory_space<vmem>> -> memref<1x4x8x128xf32, #tpu.memory_space<vmem>>
        %dma_wait3A_961 = tpu.memref_squeeze %dma_wait3A_960 : memref<1x4x8x128xf32, #tpu.memory_space<vmem>> -> memref<4x8x128xf32, #tpu.memory_space<vmem>>
        %dma_wait3A_962 = arith.constant 0 : i32
        %dma_wait3A_963 = arith.constant 0 : i32
        %dma_wait3A_964 = arith.constant 0 : i32
        %dma_wait3A_965 = tpu.memref_slice %arg4[%dma_wait3A_955, %dma_wait3A_956, %dma_wait3A_962, %dma_wait3A_963, %dma_wait3A_964] : memref<200x4x32x8x128xf32, #tpu.memory_space<hbm>> -> memref<1x1x4x8x128xf32, #tpu.memory_space<hbm>>
        %dma_wait3A_966 = tpu.memref_squeeze %dma_wait3A_965 : memref<1x1x4x8x128xf32, #tpu.memory_space<hbm>> -> memref<4x8x128xf32, #tpu.memory_space<hbm>>
        %dma_wait3A_967 = arith.constant 0 : i32
        %dma_wait3A_968 = arith.constant 0 : i32
        %dma_wait3A_969 = arith.constant 0 : i32
        %dma_wait3A_970 = tpu.memref_slice %arg4[%dma_wait3A_955, %dma_wait3A_956, %dma_wait3A_967, %dma_wait3A_968, %dma_wait3A_969] : memref<200x4x32x8x128xf32, #tpu.memory_space<hbm>> -> memref<1x1x4x8x128xf32, #tpu.memory_space<hbm>>
        %dma_wait3A_971 = tpu.memref_squeeze %dma_wait3A_970 : memref<1x1x4x8x128xf32, #tpu.memory_space<hbm>> -> memref<4x8x128xf32, #tpu.memory_space<hbm>>
        %dma_wait3A_972 = arith.constant 0 : i32
        %dma_wait3A_973 = arith.constant 0 : i32
        %dma_wait3A_974 = arith.constant 0 : i32
        %dma_wait3A_975 = tpu.memref_slice %arg11[%dma_wait3A_954, %dma_wait3A_972, %dma_wait3A_973, %dma_wait3A_974] : memref<4x4x8x128xf32, #tpu.memory_space<vmem>> -> memref<1x4x8x128xf32, #tpu.memory_space<vmem>>
        %dma_wait3A_976 = tpu.memref_squeeze %dma_wait3A_975 : memref<1x4x8x128xf32, #tpu.memory_space<vmem>> -> memref<4x8x128xf32, #tpu.memory_space<vmem>>
        tpu.wait_dma2 semaphore(%arg17 : memref<!tpu.dma_semaphore, #tpu.memory_space<semaphore_mem>>) src(%dma_wait3A_976 : memref<4x8x128xf32, #tpu.memory_space<vmem>>) dst(%dma_wait3A_971 : memref<4x8x128xf32, #tpu.memory_space<hbm>>)
        %dma_wait3A_977 = arith.constant 1 : i32
        %dma_wait3A_978 = arith.constant 0 : i32
        %dma_wait3A_979 = arith.constant 1 : i32
        %dma_wait3A_980 = arith.constant 0 : i32
        %dma_wait3A_981 = arith.constant 0 : i32
        %dma_wait3A_982 = arith.constant 0 : i32
        %dma_wait3A_983 = tpu.memref_slice %arg11[%dma_wait3A_977, %dma_wait3A_980, %dma_wait3A_981, %dma_wait3A_982] : memref<4x4x8x128xf32, #tpu.memory_space<vmem>> -> memref<1x4x8x128xf32, #tpu.memory_space<vmem>>
        %dma_wait3A_984 = tpu.memref_squeeze %dma_wait3A_983 : memref<1x4x8x128xf32, #tpu.memory_space<vmem>> -> memref<4x8x128xf32, #tpu.memory_space<vmem>>
        %dma_wait3A_985 = arith.constant 0 : i32
        %dma_wait3A_986 = arith.constant 0 : i32
        %dma_wait3A_987 = arith.constant 0 : i32
        %dma_wait3A_988 = tpu.memref_slice %arg4[%dma_wait3A_978, %dma_wait3A_979, %dma_wait3A_985, %dma_wait3A_986, %dma_wait3A_987] : memref<200x4x32x8x128xf32, #tpu.memory_space<hbm>> -> memref<1x1x4x8x128xf32, #tpu.memory_space<hbm>>
        %dma_wait3A_989 = tpu.memref_squeeze %dma_wait3A_988 : memref<1x1x4x8x128xf32, #tpu.memory_space<hbm>> -> memref<4x8x128xf32, #tpu.memory_space<hbm>>
        %dma_wait3A_990 = arith.constant 0 : i32
        %dma_wait3A_991 = arith.constant 0 : i32
        %dma_wait3A_992 = arith.constant 0 : i32
        %dma_wait3A_993 = tpu.memref_slice %arg4[%dma_wait3A_978, %dma_wait3A_979, %dma_wait3A_990, %dma_wait3A_991, %dma_wait3A_992] : memref<200x4x32x8x128xf32, #tpu.memory_space<hbm>> -> memref<1x1x4x8x128xf32, #tpu.memory_space<hbm>>
        %dma_wait3A_994 = tpu.memref_squeeze %dma_wait3A_993 : memref<1x1x4x8x128xf32, #tpu.memory_space<hbm>> -> memref<4x8x128xf32, #tpu.memory_space<hbm>>
        %dma_wait3A_995 = arith.constant 0 : i32
        %dma_wait3A_996 = arith.constant 0 : i32
        %dma_wait3A_997 = arith.constant 0 : i32
        %dma_wait3A_998 = tpu.memref_slice %arg11[%dma_wait3A_977, %dma_wait3A_995, %dma_wait3A_996, %dma_wait3A_997] : memref<4x4x8x128xf32, #tpu.memory_space<vmem>> -> memref<1x4x8x128xf32, #tpu.memory_space<vmem>>
        %dma_wait3A_999 = tpu.memref_squeeze %dma_wait3A_998 : memref<1x4x8x128xf32, #tpu.memory_space<vmem>> -> memref<4x8x128xf32, #tpu.memory_space<vmem>>
        tpu.wait_dma2 semaphore(%arg17 : memref<!tpu.dma_semaphore, #tpu.memory_space<semaphore_mem>>) src(%dma_wait3A_999 : memref<4x8x128xf32, #tpu.memory_space<vmem>>) dst(%dma_wait3A_994 : memref<4x8x128xf32, #tpu.memory_space<hbm>>)
        %dma_wait3A_1000 = arith.constant 2 : i32
        %dma_wait3A_1001 = arith.constant 0 : i32
        %dma_wait3A_1002 = arith.constant 2 : i32
        %dma_wait3A_1003 = arith.constant 0 : i32
        %dma_wait3A_1004 = arith.constant 0 : i32
        %dma_wait3A_1005 = arith.constant 0 : i32
        %dma_wait3A_1006 = tpu.memref_slice %arg11[%dma_wait3A_1000, %dma_wait3A_1003, %dma_wait3A_1004, %dma_wait3A_1005] : memref<4x4x8x128xf32, #tpu.memory_space<vmem>> -> memref<1x4x8x128xf32, #tpu.memory_space<vmem>>
        %dma_wait3A_1007 = tpu.memref_squeeze %dma_wait3A_1006 : memref<1x4x8x128xf32, #tpu.memory_space<vmem>> -> memref<4x8x128xf32, #tpu.memory_space<vmem>>
        %dma_wait3A_1008 = arith.constant 0 : i32
        %dma_wait3A_1009 = arith.constant 0 : i32
        %dma_wait3A_1010 = arith.constant 0 : i32
        %dma_wait3A_1011 = tpu.memref_slice %arg4[%dma_wait3A_1001, %dma_wait3A_1002, %dma_wait3A_1008, %dma_wait3A_1009, %dma_wait3A_1010] : memref<200x4x32x8x128xf32, #tpu.memory_space<hbm>> -> memref<1x1x4x8x128xf32, #tpu.memory_space<hbm>>
        %dma_wait3A_1012 = tpu.memref_squeeze %dma_wait3A_1011 : memref<1x1x4x8x128xf32, #tpu.memory_space<hbm>> -> memref<4x8x128xf32, #tpu.memory_space<hbm>>
        %dma_wait3A_1013 = arith.constant 0 : i32
        %dma_wait3A_1014 = arith.constant 0 : i32
        %dma_wait3A_1015 = arith.constant 0 : i32
        %dma_wait3A_1016 = tpu.memref_slice %arg4[%dma_wait3A_1001, %dma_wait3A_1002, %dma_wait3A_1013, %dma_wait3A_1014, %dma_wait3A_1015] : memref<200x4x32x8x128xf32, #tpu.memory_space<hbm>> -> memref<1x1x4x8x128xf32, #tpu.memory_space<hbm>>
        %dma_wait3A_1017 = tpu.memref_squeeze %dma_wait3A_1016 : memref<1x1x4x8x128xf32, #tpu.memory_space<hbm>> -> memref<4x8x128xf32, #tpu.memory_space<hbm>>
        %dma_wait3A_1018 = arith.constant 0 : i32
        %dma_wait3A_1019 = arith.constant 0 : i32
        %dma_wait3A_1020 = arith.constant 0 : i32
        %dma_wait3A_1021 = tpu.memref_slice %arg11[%dma_wait3A_1000, %dma_wait3A_1018, %dma_wait3A_1019, %dma_wait3A_1020] : memref<4x4x8x128xf32, #tpu.memory_space<vmem>> -> memref<1x4x8x128xf32, #tpu.memory_space<vmem>>
        %dma_wait3A_1022 = tpu.memref_squeeze %dma_wait3A_1021 : memref<1x4x8x128xf32, #tpu.memory_space<vmem>> -> memref<4x8x128xf32, #tpu.memory_space<vmem>>
        tpu.wait_dma2 semaphore(%arg17 : memref<!tpu.dma_semaphore, #tpu.memory_space<semaphore_mem>>) src(%dma_wait3A_1022 : memref<4x8x128xf32, #tpu.memory_space<vmem>>) dst(%dma_wait3A_1017 : memref<4x8x128xf32, #tpu.memory_space<hbm>>)
        %dma_wait3A_1023 = arith.constant 3 : i32
        %dma_wait3A_1024 = arith.constant 0 : i32
        %dma_wait3A_1025 = arith.constant 3 : i32
        %dma_wait3A_1026 = arith.constant 0 : i32
        %dma_wait3A_1027 = arith.constant 0 : i32
        %dma_wait3A_1028 = arith.constant 0 : i32
        %dma_wait3A_1029 = tpu.memref_slice %arg11[%dma_wait3A_1023, %dma_wait3A_1026, %dma_wait3A_1027, %dma_wait3A_1028] : memref<4x4x8x128xf32, #tpu.memory_space<vmem>> -> memref<1x4x8x128xf32, #tpu.memory_space<vmem>>
        %dma_wait3A_1030 = tpu.memref_squeeze %dma_wait3A_1029 : memref<1x4x8x128xf32, #tpu.memory_space<vmem>> -> memref<4x8x128xf32, #tpu.memory_space<vmem>>
        %dma_wait3A_1031 = arith.constant 0 : i32
        %dma_wait3A_1032 = arith.constant 0 : i32
        %dma_wait3A_1033 = arith.constant 0 : i32
        %dma_wait3A_1034 = tpu.memref_slice %arg4[%dma_wait3A_1024, %dma_wait3A_1025, %dma_wait3A_1031, %dma_wait3A_1032, %dma_wait3A_1033] : memref<200x4x32x8x128xf32, #tpu.memory_space<hbm>> -> memref<1x1x4x8x128xf32, #tpu.memory_space<hbm>>
        %dma_wait3A_1035 = tpu.memref_squeeze %dma_wait3A_1034 : memref<1x1x4x8x128xf32, #tpu.memory_space<hbm>> -> memref<4x8x128xf32, #tpu.memory_space<hbm>>
        %dma_wait3A_1036 = arith.constant 0 : i32
        %dma_wait3A_1037 = arith.constant 0 : i32
        %dma_wait3A_1038 = arith.constant 0 : i32
        %dma_wait3A_1039 = tpu.memref_slice %arg4[%dma_wait3A_1024, %dma_wait3A_1025, %dma_wait3A_1036, %dma_wait3A_1037, %dma_wait3A_1038] : memref<200x4x32x8x128xf32, #tpu.memory_space<hbm>> -> memref<1x1x4x8x128xf32, #tpu.memory_space<hbm>>
        %dma_wait3A_1040 = tpu.memref_squeeze %dma_wait3A_1039 : memref<1x1x4x8x128xf32, #tpu.memory_space<hbm>> -> memref<4x8x128xf32, #tpu.memory_space<hbm>>
        %dma_wait3A_1041 = arith.constant 0 : i32
        %dma_wait3A_1042 = arith.constant 0 : i32
        %dma_wait3A_1043 = arith.constant 0 : i32
        %dma_wait3A_1044 = tpu.memref_slice %arg11[%dma_wait3A_1023, %dma_wait3A_1041, %dma_wait3A_1042, %dma_wait3A_1043] : memref<4x4x8x128xf32, #tpu.memory_space<vmem>> -> memref<1x4x8x128xf32, #tpu.memory_space<vmem>>
        %dma_wait3A_1045 = tpu.memref_squeeze %dma_wait3A_1044 : memref<1x4x8x128xf32, #tpu.memory_space<vmem>> -> memref<4x8x128xf32, #tpu.memory_space<vmem>>
        tpu.wait_dma2 semaphore(%arg17 : memref<!tpu.dma_semaphore, #tpu.memory_space<semaphore_mem>>) src(%dma_wait3A_1045 : memref<4x8x128xf32, #tpu.memory_space<vmem>>) dst(%dma_wait3A_1040 : memref<4x8x128xf32, #tpu.memory_space<hbm>>)
      } else {
      }
      %scan3A_519 = arith.constant 0 : i32
      %scan3A_520 = arith.constant 0 : i32
      %scan3A_521 = arith.constant 128 : i32
      %scan3A_522 = arith.addi %scan3A_520, %scan3A_521 : i32
      %scan3A_523 = arith.constant 1 : i32
      scf.for %scan3A_954 = %scan3A_520 to %scan3A_522 step %scan3A_523  : i32 {
        %mul3A_955 = arith.constant 4 : i32
        %mul3A_956 = arith.muli %scan3A_954, %mul3A_955 : i32
        %add3A_957 = arith.constant 0 : i32
        %add3A_958 = arith.addi %mul3A_956, %add3A_957 : i32
        %mul3A_959 = arith.constant 33 : i32
        %mul3A_960 = arith.muli %add3A_958, %mul3A_959 : i32
        %get3A = arith.index_cast %add3A_958 : i32 to index
        %get3A_961 = arith.constant 0 : index
        %get3A_962 = tpu.vector_load %arg7[%get3A, %get3A_961] {strides = array<i32>} : memref<512x32xf32, #tpu.memory_space<vmem>>, vector<16xf32>,
        %swap3A = arith.index_cast %mul3A_960 : i32 to index
        %swap3A_963 = tpu.vector_load %arg9[%swap3A] {strides = array<i32>} : memref<16896xf32, #tpu.memory_space<vmem>>, vector<16xf32>,
        tpu.vector_store %arg9[%swap3A], %get3A_962 {strides = array<i32>} : memref<16896xf32, #tpu.memory_space<vmem>>, vector<16xf32>,
        %get3A_964 = arith.index_cast %add3A_958 : i32 to index
        %get3A_965 = arith.constant 16 : index
        %get3A_966 = tpu.vector_load %arg7[%get3A_964, %get3A_965] {strides = array<i32>} : memref<512x32xf32, #tpu.memory_space<vmem>>, vector<16xf32>,
        %add3A_967 = arith.constant 16 : i32
        %add3A_968 = arith.addi %mul3A_960, %add3A_967 : i32
        %swap3A_969 = arith.index_cast %add3A_968 : i32 to index
        %swap3A_970 = tpu.vector_load %arg9[%swap3A_969] {strides = array<i32>} : memref<16896xf32, #tpu.memory_space<vmem>>, vector<16xf32>,
        tpu.vector_store %arg9[%swap3A_969], %get3A_966 {strides = array<i32>} : memref<16896xf32, #tpu.memory_space<vmem>>, vector<16xf32>,
        %mul3A_971 = arith.constant 4 : i32
        %mul3A_972 = arith.muli %scan3A_954, %mul3A_971 : i32
        %add3A_973 = arith.constant 1 : i32
        %add3A_974 = arith.addi %mul3A_972, %add3A_973 : i32
        %mul3A_975 = arith.constant 33 : i32
        %mul3A_976 = arith.muli %add3A_974, %mul3A_975 : i32
        %get3A_977 = arith.index_cast %add3A_974 : i32 to index
        %get3A_978 = arith.constant 0 : index
        %get3A_979 = tpu.vector_load %arg7[%get3A_977, %get3A_978] {strides = array<i32>} : memref<512x32xf32, #tpu.memory_space<vmem>>, vector<16xf32>,
        %swap3A_980 = arith.index_cast %mul3A_976 : i32 to index
        %swap3A_981 = tpu.vector_load %arg9[%swap3A_980] {strides = array<i32>} : memref<16896xf32, #tpu.memory_space<vmem>>, vector<16xf32>,
        tpu.vector_store %arg9[%swap3A_980], %get3A_979 {strides = array<i32>} : memref<16896xf32, #tpu.memory_space<vmem>>, vector<16xf32>,
        %get3A_982 = arith.index_cast %add3A_974 : i32 to index
        %get3A_983 = arith.constant 16 : index
        %get3A_984 = tpu.vector_load %arg7[%get3A_982, %get3A_983] {strides = array<i32>} : memref<512x32xf32, #tpu.memory_space<vmem>>, vector<16xf32>,
        %add3A_985 = arith.constant 16 : i32
        %add3A_986 = arith.addi %mul3A_976, %add3A_985 : i32
        %swap3A_987 = arith.index_cast %add3A_986 : i32 to index
        %swap3A_988 = tpu.vector_load %arg9[%swap3A_987] {strides = array<i32>} : memref<16896xf32, #tpu.memory_space<vmem>>, vector<16xf32>,
        tpu.vector_store %arg9[%swap3A_987], %get3A_984 {strides = array<i32>} : memref<16896xf32, #tpu.memory_space<vmem>>, vector<16xf32>,
        %mul3A_989 = arith.constant 4 : i32
        %mul3A_990 = arith.muli %scan3A_954, %mul3A_989 : i32
        %add3A_991 = arith.constant 2 : i32
        %add3A_992 = arith.addi %mul3A_990, %add3A_991 : i32
        %mul3A_993 = arith.constant 33 : i32
        %mul3A_994 = arith.muli %add3A_992, %mul3A_993 : i32
        %get3A_995 = arith.index_cast %add3A_992 : i32 to index
        %get3A_996 = arith.constant 0 : index
        %get3A_997 = tpu.vector_load %arg7[%get3A_995, %get3A_996] {strides = array<i32>} : memref<512x32xf32, #tpu.memory_space<vmem>>, vector<16xf32>,
        %swap3A_998 = arith.index_cast %mul3A_994 : i32 to index
        %swap3A_999 = tpu.vector_load %arg9[%swap3A_998] {strides = array<i32>} : memref<16896xf32, #tpu.memory_space<vmem>>, vector<16xf32>,
        tpu.vector_store %arg9[%swap3A_998], %get3A_997 {strides = array<i32>} : memref<16896xf32, #tpu.memory_space<vmem>>, vector<16xf32>,
        %get3A_1000 = arith.index_cast %add3A_992 : i32 to index
        %get3A_1001 = arith.constant 16 : index
        %get3A_1002 = tpu.vector_load %arg7[%get3A_1000, %get3A_1001] {strides = array<i32>} : memref<512x32xf32, #tpu.memory_space<vmem>>, vector<16xf32>,
        %add3A_1003 = arith.constant 16 : i32
        %add3A_1004 = arith.addi %mul3A_994, %add3A_1003 : i32
        %swap3A_1005 = arith.index_cast %add3A_1004 : i32 to index
        %swap3A_1006 = tpu.vector_load %arg9[%swap3A_1005] {strides = array<i32>} : memref<16896xf32, #tpu.memory_space<vmem>>, vector<16xf32>,
        tpu.vector_store %arg9[%swap3A_1005], %get3A_1002 {strides = array<i32>} : memref<16896xf32, #tpu.memory_space<vmem>>, vector<16xf32>,
        %mul3A_1007 = arith.constant 4 : i32
        %mul3A_1008 = arith.muli %scan3A_954, %mul3A_1007 : i32
        %add3A_1009 = arith.constant 3 : i32
        %add3A_1010 = arith.addi %mul3A_1008, %add3A_1009 : i32
        %mul3A_1011 = arith.constant 33 : i32
        %mul3A_1012 = arith.muli %add3A_1010, %mul3A_1011 : i32
        %get3A_1013 = arith.index_cast %add3A_1010 : i32 to index
        %get3A_1014 = arith.constant 0 : index
        %get3A_1015 = tpu.vector_load %arg7[%get3A_1013, %get3A_1014] {strides = array<i32>} : memref<512x32xf32, #tpu.memory_space<vmem>>, vector<16xf32>,
        %swap3A_1016 = arith.index_cast %mul3A_1012 : i32 to index
        %swap3A_1017 = tpu.vector_load %arg9[%swap3A_1016] {strides = array<i32>} : memref<16896xf32, #tpu.memory_space<vmem>>, vector<16xf32>,
        tpu.vector_store %arg9[%swap3A_1016], %get3A_1015 {strides = array<i32>} : memref<16896xf32, #tpu.memory_space<vmem>>, vector<16xf32>,
        %get3A_1018 = arith.index_cast %add3A_1010 : i32 to index
        %get3A_1019 = arith.constant 16 : index
        %get3A_1020 = tpu.vector_load %arg7[%get3A_1018, %get3A_1019] {strides = array<i32>} : memref<512x32xf32, #tpu.memory_space<vmem>>, vector<16xf32>,
        %add3A_1021 = arith.constant 16 : i32
        %add3A_1022 = arith.addi %mul3A_1012, %add3A_1021 : i32
        %swap3A_1023 = arith.index_cast %add3A_1022 : i32 to index
        %swap3A_1024 = tpu.vector_load %arg9[%swap3A_1023] {strides = array<i32>} : memref<16896xf32, #tpu.memory_space<vmem>>, vector<16xf32>,
        tpu.vector_store %arg9[%swap3A_1023], %get3A_1020 {strides = array<i32>} : memref<16896xf32, #tpu.memory_space<vmem>>, vector<16xf32>,
      }
      %scan3A_524 = arith.constant 128 : i32
      %scan3A_525 = arith.constant 0 : i32
      %scan3A_526 = arith.constant 0 : i32
      %scan3A_527 = arith.constant 64 : i32
      %scan3A_528 = arith.addi %scan3A_526, %scan3A_527 : i32
      %scan3A_529 = arith.constant 1 : i32
      scf.for %scan3A_954 = %scan3A_526 to %scan3A_528 step %scan3A_529  : i32 {
        %jit3A_955 = arith.constant 8 : i32
        %div3A_956 = arith.divsi %scan3A_954, %jit3A_955 : i32
        %sign3A_957 = arith.constant 0 : i32
        %sign3A_958 = arith.cmpi sgt, %scan3A_954, %sign3A_957 : i32
        %sign3A_959 = arith.extui %sign3A_958 : i1 to i32
        %sign3A_960 = arith.constant 0 : i32
        %sign3A_961 = arith.cmpi slt, %scan3A_954, %sign3A_960 : i32
        %sign3A_962 = arith.extui %sign3A_961 : i1 to i32
        %sign3A_963 = arith.subi %sign3A_959, %sign3A_962 : i32
        %sign3A_964 = arith.constant 0 : i32
        %sign3A_965 = arith.cmpi sgt, %jit3A_955, %sign3A_964 : i32
        %sign3A_966 = arith.extui %sign3A_965 : i1 to i32
        %sign3A_967 = arith.constant 0 : i32
        %sign3A_968 = arith.cmpi slt, %jit3A_955, %sign3A_967 : i32
        %sign3A_969 = arith.extui %sign3A_968 : i1 to i32
        %sign3A_970 = arith.subi %sign3A_966, %sign3A_969 : i32
        %ne3A_971 = arith.cmpi ne, %sign3A_963, %sign3A_970 : i32
        %rem3A_972 = arith.remsi %scan3A_954, %jit3A_955 : i32
        %ne3A_973 = arith.constant 0 : i32
        %ne3A_974 = arith.cmpi ne, %rem3A_972, %ne3A_973 : i32
        %and3A_975 = arith.andi %ne3A_971, %ne3A_974 : i1
        %sub3A_976 = arith.constant 1 : i32
        %sub3A_977 = arith.subi %div3A_956, %sub3A_976 : i32
        %select_n3A_978 = arith.select %and3A_975, %sub3A_977, %div3A_956 : i32
        %jit3A_979 = arith.constant 8 : i32
        %eq3A_980 = arith.constant 0 : i32
        %eq3A_981 = arith.cmpi eq, %jit3A_979, %eq3A_980 : i32
        %jit3A_982 = arith.constant 1 : i32
        %select_n3A_983 = arith.select %eq3A_981, %jit3A_982, %jit3A_979 : i32
        %rem3A_984 = arith.remsi %scan3A_954, %select_n3A_983 : i32
        %ne3A_985 = arith.constant 0 : i32
        %ne3A_986 = arith.cmpi ne, %rem3A_984, %ne3A_985 : i32
        %lt3A_987 = arith.constant 0 : i32
        %lt3A_988 = arith.cmpi slt, %rem3A_984, %lt3A_987 : i32
        %lt3A_989 = arith.constant 0 : i32
        %lt3A_990 = arith.cmpi slt, %select_n3A_983, %lt3A_989 : i32
        %ne3A_991 = arith.xori %lt3A_988, %lt3A_990 : i1
        %and3A_992 = arith.andi %ne3A_991, %ne3A_986 : i1
        %add3A_993 = arith.addi %rem3A_984, %select_n3A_983 : i32
        %select_n3A_994 = arith.select %and3A_992, %add3A_993, %rem3A_984 : i32
        %mul3A_995 = arith.constant 16 : i32
        %mul3A_996 = arith.muli %select_n3A_994, %mul3A_995 : i32
        %add3A_997 = arith.constant 0 : i32
        %add3A_998 = arith.addi %add3A_997, %mul3A_996 : i32
        %mul3A_999 = arith.constant 33 : i32
        %mul3A_1000 = arith.muli %add3A_998, %mul3A_999 : i32
        %add3A_1001 = arith.addi %mul3A_1000, %select_n3A_978 : i32
        %add3A_1002 = arith.constant 0 : i32
        %add3A_1003 = arith.addi %add3A_1001, %add3A_1002 : i32
        %add3A_1004 = vector.broadcast %add3A_1003 : i32 to vector<16xi32>
        %add3A_1005 = arith.addi %add3A_1004, %mul3A_3 : vector<16xi32>
        %gather3A = tpu.vector_load_idx %arg9[%add3A_1005] : memref<16896xf32, #tpu.memory_space<vmem>>[vector<16xi32>], vector<16xf32>,
        %swap3A = arith.constant 0 : i32
        %swap3A_1006 = arith.constant 0 : i32
        %swap3A_1007 = arith.index_cast %swap3A : i32 to index
        %swap3A_1008 = arith.index_cast %swap3A_1006 : i32 to index
        %swap3A_1009 = arith.index_cast %select_n3A_978 : i32 to index
        %swap3A_1010 = arith.index_cast %mul3A_996 : i32 to index
        %swap3A_1011 = tpu.vector_load %arg11[%swap3A_1007, %swap3A_1008, %swap3A_1009, %swap3A_1010] {strides = array<i32>} : memref<4x4x8x128xf32, #tpu.memory_space<vmem>>, vector<16xf32>,
        tpu.vector_store %arg11[%swap3A_1007, %swap3A_1008, %swap3A_1009, %swap3A_1010], %gather3A {strides = array<i32>} : memref<4x4x8x128xf32, #tpu.memory_space<vmem>>, vector<16xf32>,
        %add3A_1012 = arith.constant 8 : i32
        %add3A_1013 = arith.addi %add3A_1001, %add3A_1012 : i32
        %add3A_1014 = vector.broadcast %add3A_1013 : i32 to vector<16xi32>
        %add3A_1015 = arith.addi %add3A_1014, %mul3A_3 : vector<16xi32>
        %gather3A_1016 = tpu.vector_load_idx %arg9[%add3A_1015] : memref<16896xf32, #tpu.memory_space<vmem>>[vector<16xi32>], vector<16xf32>,
        %swap3A_1017 = arith.constant 1 : i32
        %swap3A_1018 = arith.constant 0 : i32
        %swap3A_1019 = arith.index_cast %swap3A_1017 : i32 to index
        %swap3A_1020 = arith.index_cast %swap3A_1018 : i32 to index
        %swap3A_1021 = arith.index_cast %select_n3A_978 : i32 to index
        %swap3A_1022 = arith.index_cast %mul3A_996 : i32 to index
        %swap3A_1023 = tpu.vector_load %arg11[%swap3A_1019, %swap3A_1020, %swap3A_1021, %swap3A_1022] {strides = array<i32>} : memref<4x4x8x128xf32, #tpu.memory_space<vmem>>, vector<16xf32>,
        tpu.vector_store %arg11[%swap3A_1019, %swap3A_1020, %swap3A_1021, %swap3A_1022], %gather3A_1016 {strides = array<i32>} : memref<4x4x8x128xf32, #tpu.memory_space<vmem>>, vector<16xf32>,
        %add3A_1024 = arith.constant 16 : i32
        %add3A_1025 = arith.addi %add3A_1001, %add3A_1024 : i32
        %add3A_1026 = vector.broadcast %add3A_1025 : i32 to vector<16xi32>
        %add3A_1027 = arith.addi %add3A_1026, %mul3A_3 : vector<16xi32>
        %gather3A_1028 = tpu.vector_load_idx %arg9[%add3A_1027] : memref<16896xf32, #tpu.memory_space<vmem>>[vector<16xi32>], vector<16xf32>,
        %swap3A_1029 = arith.constant 2 : i32
        %swap3A_1030 = arith.constant 0 : i32
        %swap3A_1031 = arith.index_cast %swap3A_1029 : i32 to index
        %swap3A_1032 = arith.index_cast %swap3A_1030 : i32 to index
        %swap3A_1033 = arith.index_cast %select_n3A_978 : i32 to index
        %swap3A_1034 = arith.index_cast %mul3A_996 : i32 to index
        %swap3A_1035 = tpu.vector_load %arg11[%swap3A_1031, %swap3A_1032, %swap3A_1033, %swap3A_1034] {strides = array<i32>} : memref<4x4x8x128xf32, #tpu.memory_space<vmem>>, vector<16xf32>,
        tpu.vector_store %arg11[%swap3A_1031, %swap3A_1032, %swap3A_1033, %swap3A_1034], %gather3A_1028 {strides = array<i32>} : memref<4x4x8x128xf32, #tpu.memory_space<vmem>>, vector<16xf32>,
        %add3A_1036 = arith.constant 24 : i32
        %add3A_1037 = arith.addi %add3A_1001, %add3A_1036 : i32
        %add3A_1038 = vector.broadcast %add3A_1037 : i32 to vector<16xi32>
        %add3A_1039 = arith.addi %add3A_1038, %mul3A_3 : vector<16xi32>
        %gather3A_1040 = tpu.vector_load_idx %arg9[%add3A_1039] : memref<16896xf32, #tpu.memory_space<vmem>>[vector<16xi32>], vector<16xf32>,
        %swap3A_1041 = arith.constant 3 : i32
        %swap3A_1042 = arith.constant 0 : i32
        %swap3A_1043 = arith.index_cast %swap3A_1041 : i32 to index
        %swap3A_1044 = arith.index_cast %swap3A_1042 : i32 to index
        %swap3A_1045 = arith.index_cast %select_n3A_978 : i32 to index
        %swap3A_1046 = arith.index_cast %mul3A_996 : i32 to index
        %swap3A_1047 = tpu.vector_load %arg11[%swap3A_1043, %swap3A_1044, %swap3A_1045, %swap3A_1046] {strides = array<i32>} : memref<4x4x8x128xf32, #tpu.memory_space<vmem>>, vector<16xf32>,
        tpu.vector_store %arg11[%swap3A_1043, %swap3A_1044, %swap3A_1045, %swap3A_1046], %gather3A_1040 {strides = array<i32>} : memref<4x4x8x128xf32, #tpu.memory_space<vmem>>, vector<16xf32>,
        %add3A_1048 = arith.constant 128 : i32
        %add3A_1049 = arith.addi %add3A_1048, %mul3A_996 : i32
        %mul3A_1050 = arith.constant 33 : i32
        %mul3A_1051 = arith.muli %add3A_1049, %mul3A_1050 : i32
        %add3A_1052 = arith.addi %mul3A_1051, %select_n3A_978 : i32
        %add3A_1053 = arith.constant 0 : i32
        %add3A_1054 = arith.addi %add3A_1052, %add3A_1053 : i32
        %add3A_1055 = vector.broadcast %add3A_1054 : i32 to vector<16xi32>
        %add3A_1056 = arith.addi %add3A_1055, %mul3A_3 : vector<16xi32>
        %gather3A_1057 = tpu.vector_load_idx %arg9[%add3A_1056] : memref<16896xf32, #tpu.memory_space<vmem>>[vector<16xi32>], vector<16xf32>,
        %swap3A_1058 = arith.constant 0 : i32
        %swap3A_1059 = arith.constant 1 : i32
        %swap3A_1060 = arith.index_cast %swap3A_1058 : i32 to index
        %swap3A_1061 = arith.index_cast %swap3A_1059 : i32 to index
        %swap3A_1062 = arith.index_cast %select_n3A_978 : i32 to index
        %swap3A_1063 = arith.index_cast %mul3A_996 : i32 to index
        %swap3A_1064 = tpu.vector_load %arg11[%swap3A_1060, %swap3A_1061, %swap3A_1062, %swap3A_1063] {strides = array<i32>} : memref<4x4x8x128xf32, #tpu.memory_space<vmem>>, vector<16xf32>,
        tpu.vector_store %arg11[%swap3A_1060, %swap3A_1061, %swap3A_1062, %swap3A_1063], %gather3A_1057 {strides = array<i32>} : memref<4x4x8x128xf32, #tpu.memory_space<vmem>>, vector<16xf32>,
        %add3A_1065 = arith.constant 8 : i32
        %add3A_1066 = arith.addi %add3A_1052, %add3A_1065 : i32
        %add3A_1067 = vector.broadcast %add3A_1066 : i32 to vector<16xi32>
        %add3A_1068 = arith.addi %add3A_1067, %mul3A_3 : vector<16xi32>
        %gather3A_1069 = tpu.vector_load_idx %arg9[%add3A_1068] : memref<16896xf32, #tpu.memory_space<vmem>>[vector<16xi32>], vector<16xf32>,
        %swap3A_1070 = arith.constant 1 : i32
        %swap3A_1071 = arith.constant 1 : i32
        %swap3A_1072 = arith.index_cast %swap3A_1070 : i32 to index
        %swap3A_1073 = arith.index_cast %swap3A_1071 : i32 to index
        %swap3A_1074 = arith.index_cast %select_n3A_978 : i32 to index
        %swap3A_1075 = arith.index_cast %mul3A_996 : i32 to index
        %swap3A_1076 = tpu.vector_load %arg11[%swap3A_1072, %swap3A_1073, %swap3A_1074, %swap3A_1075] {strides = array<i32>} : memref<4x4x8x128xf32, #tpu.memory_space<vmem>>, vector<16xf32>,
        tpu.vector_store %arg11[%swap3A_1072, %swap3A_1073, %swap3A_1074, %swap3A_1075], %gather3A_1069 {strides = array<i32>} : memref<4x4x8x128xf32, #tpu.memory_space<vmem>>, vector<16xf32>,
        %add3A_1077 = arith.constant 16 : i32
        %add3A_1078 = arith.addi %add3A_1052, %add3A_1077 : i32
        %add3A_1079 = vector.broadcast %add3A_1078 : i32 to vector<16xi32>
        %add3A_1080 = arith.addi %add3A_1079, %mul3A_3 : vector<16xi32>
        %gather3A_1081 = tpu.vector_load_idx %arg9[%add3A_1080] : memref<16896xf32, #tpu.memory_space<vmem>>[vector<16xi32>], vector<16xf32>,
        %swap3A_1082 = arith.constant 2 : i32
        %swap3A_1083 = arith.constant 1 : i32
        %swap3A_1084 = arith.index_cast %swap3A_1082 : i32 to index
        %swap3A_1085 = arith.index_cast %swap3A_1083 : i32 to index
        %swap3A_1086 = arith.index_cast %select_n3A_978 : i32 to index
        %swap3A_1087 = arith.index_cast %mul3A_996 : i32 to index
        %swap3A_1088 = tpu.vector_load %arg11[%swap3A_1084, %swap3A_1085, %swap3A_1086, %swap3A_1087] {strides = array<i32>} : memref<4x4x8x128xf32, #tpu.memory_space<vmem>>, vector<16xf32>,
        tpu.vector_store %arg11[%swap3A_1084, %swap3A_1085, %swap3A_1086, %swap3A_1087], %gather3A_1081 {strides = array<i32>} : memref<4x4x8x128xf32, #tpu.memory_space<vmem>>, vector<16xf32>,
        %add3A_1089 = arith.constant 24 : i32
        %add3A_1090 = arith.addi %add3A_1052, %add3A_1089 : i32
        %add3A_1091 = vector.broadcast %add3A_1090 : i32 to vector<16xi32>
        %add3A_1092 = arith.addi %add3A_1091, %mul3A_3 : vector<16xi32>
        %gather3A_1093 = tpu.vector_load_idx %arg9[%add3A_1092] : memref<16896xf32, #tpu.memory_space<vmem>>[vector<16xi32>], vector<16xf32>,
        %swap3A_1094 = arith.constant 3 : i32
        %swap3A_1095 = arith.constant 1 : i32
        %swap3A_1096 = arith.index_cast %swap3A_1094 : i32 to index
        %swap3A_1097 = arith.index_cast %swap3A_1095 : i32 to index
        %swap3A_1098 = arith.index_cast %select_n3A_978 : i32 to index
        %swap3A_1099 = arith.index_cast %mul3A_996 : i32 to index
        %swap3A_1100 = tpu.vector_load %arg11[%swap3A_1096, %swap3A_1097, %swap3A_1098, %swap3A_1099] {strides = array<i32>} : memref<4x4x8x128xf32, #tpu.memory_space<vmem>>, vector<16xf32>,
        tpu.vector_store %arg11[%swap3A_1096, %swap3A_1097, %swap3A_1098, %swap3A_1099], %gather3A_1093 {strides = array<i32>} : memref<4x4x8x128xf32, #tpu.memory_space<vmem>>, vector<16xf32>,
        %add3A_1101 = arith.constant 256 : i32
        %add3A_1102 = arith.addi %add3A_1101, %mul3A_996 : i32
        %mul3A_1103 = arith.constant 33 : i32
        %mul3A_1104 = arith.muli %add3A_1102, %mul3A_1103 : i32
        %add3A_1105 = arith.addi %mul3A_1104, %select_n3A_978 : i32
        %add3A_1106 = arith.constant 0 : i32
        %add3A_1107 = arith.addi %add3A_1105, %add3A_1106 : i32
        %add3A_1108 = vector.broadcast %add3A_1107 : i32 to vector<16xi32>
        %add3A_1109 = arith.addi %add3A_1108, %mul3A_3 : vector<16xi32>
        %gather3A_1110 = tpu.vector_load_idx %arg9[%add3A_1109] : memref<16896xf32, #tpu.memory_space<vmem>>[vector<16xi32>], vector<16xf32>,
        %swap3A_1111 = arith.constant 0 : i32
        %swap3A_1112 = arith.constant 2 : i32
        %swap3A_1113 = arith.index_cast %swap3A_1111 : i32 to index
        %swap3A_1114 = arith.index_cast %swap3A_1112 : i32 to index
        %swap3A_1115 = arith.index_cast %select_n3A_978 : i32 to index
        %swap3A_1116 = arith.index_cast %mul3A_996 : i32 to index
        %swap3A_1117 = tpu.vector_load %arg11[%swap3A_1113, %swap3A_1114, %swap3A_1115, %swap3A_1116] {strides = array<i32>} : memref<4x4x8x128xf32, #tpu.memory_space<vmem>>, vector<16xf32>,
        tpu.vector_store %arg11[%swap3A_1113, %swap3A_1114, %swap3A_1115, %swap3A_1116], %gather3A_1110 {strides = array<i32>} : memref<4x4x8x128xf32, #tpu.memory_space<vmem>>, vector<16xf32>,
        %add3A_1118 = arith.constant 8 : i32
        %add3A_1119 = arith.addi %add3A_1105, %add3A_1118 : i32
        %add3A_1120 = vector.broadcast %add3A_1119 : i32 to vector<16xi32>
        %add3A_1121 = arith.addi %add3A_1120, %mul3A_3 : vector<16xi32>
        %gather3A_1122 = tpu.vector_load_idx %arg9[%add3A_1121] : memref<16896xf32, #tpu.memory_space<vmem>>[vector<16xi32>], vector<16xf32>,
        %swap3A_1123 = arith.constant 1 : i32
        %swap3A_1124 = arith.constant 2 : i32
        %swap3A_1125 = arith.index_cast %swap3A_1123 : i32 to index
        %swap3A_1126 = arith.index_cast %swap3A_1124 : i32 to index
        %swap3A_1127 = arith.index_cast %select_n3A_978 : i32 to index
        %swap3A_1128 = arith.index_cast %mul3A_996 : i32 to index
        %swap3A_1129 = tpu.vector_load %arg11[%swap3A_1125, %swap3A_1126, %swap3A_1127, %swap3A_1128] {strides = array<i32>} : memref<4x4x8x128xf32, #tpu.memory_space<vmem>>, vector<16xf32>,
        tpu.vector_store %arg11[%swap3A_1125, %swap3A_1126, %swap3A_1127, %swap3A_1128], %gather3A_1122 {strides = array<i32>} : memref<4x4x8x128xf32, #tpu.memory_space<vmem>>, vector<16xf32>,
        %add3A_1130 = arith.constant 16 : i32
        %add3A_1131 = arith.addi %add3A_1105, %add3A_1130 : i32
        %add3A_1132 = vector.broadcast %add3A_1131 : i32 to vector<16xi32>
        %add3A_1133 = arith.addi %add3A_1132, %mul3A_3 : vector<16xi32>
        %gather3A_1134 = tpu.vector_load_idx %arg9[%add3A_1133] : memref<16896xf32, #tpu.memory_space<vmem>>[vector<16xi32>], vector<16xf32>,
        %swap3A_1135 = arith.constant 2 : i32
        %swap3A_1136 = arith.constant 2 : i32
        %swap3A_1137 = arith.index_cast %swap3A_1135 : i32 to index
        %swap3A_1138 = arith.index_cast %swap3A_1136 : i32 to index
        %swap3A_1139 = arith.index_cast %select_n3A_978 : i32 to index
        %swap3A_1140 = arith.index_cast %mul3A_996 : i32 to index
        %swap3A_1141 = tpu.vector_load %arg11[%swap3A_1137, %swap3A_1138, %swap3A_1139, %swap3A_1140] {strides = array<i32>} : memref<4x4x8x128xf32, #tpu.memory_space<vmem>>, vector<16xf32>,
        tpu.vector_store %arg11[%swap3A_1137, %swap3A_1138, %swap3A_1139, %swap3A_1140], %gather3A_1134 {strides = array<i32>} : memref<4x4x8x128xf32, #tpu.memory_space<vmem>>, vector<16xf32>,
        %add3A_1142 = arith.constant 24 : i32
        %add3A_1143 = arith.addi %add3A_1105, %add3A_1142 : i32
        %add3A_1144 = vector.broadcast %add3A_1143 : i32 to vector<16xi32>
        %add3A_1145 = arith.addi %add3A_1144, %mul3A_3 : vector<16xi32>
        %gather3A_1146 = tpu.vector_load_idx %arg9[%add3A_1145] : memref<16896xf32, #tpu.memory_space<vmem>>[vector<16xi32>], vector<16xf32>,
        %swap3A_1147 = arith.constant 3 : i32
        %swap3A_1148 = arith.constant 2 : i32
        %swap3A_1149 = arith.index_cast %swap3A_1147 : i32 to index
        %swap3A_1150 = arith.index_cast %swap3A_1148 : i32 to index
        %swap3A_1151 = arith.index_cast %select_n3A_978 : i32 to index
        %swap3A_1152 = arith.index_cast %mul3A_996 : i32 to index
        %swap3A_1153 = tpu.vector_load %arg11[%swap3A_1149, %swap3A_1150, %swap3A_1151, %swap3A_1152] {strides = array<i32>} : memref<4x4x8x128xf32, #tpu.memory_space<vmem>>, vector<16xf32>,
        tpu.vector_store %arg11[%swap3A_1149, %swap3A_1150, %swap3A_1151, %swap3A_1152], %gather3A_1146 {strides = array<i32>} : memref<4x4x8x128xf32, #tpu.memory_space<vmem>>, vector<16xf32>,
        %add3A_1154 = arith.constant 384 : i32
        %add3A_1155 = arith.addi %add3A_1154, %mul3A_996 : i32
        %mul3A_1156 = arith.constant 33 : i32
        %mul3A_1157 = arith.muli %add3A_1155, %mul3A_1156 : i32
        %add3A_1158 = arith.addi %mul3A_1157, %select_n3A_978 : i32
        %add3A_1159 = arith.constant 0 : i32
        %add3A_1160 = arith.addi %add3A_1158, %add3A_1159 : i32
        %add3A_1161 = vector.broadcast %add3A_1160 : i32 to vector<16xi32>
        %add3A_1162 = arith.addi %add3A_1161, %mul3A_3 : vector<16xi32>
        %gather3A_1163 = tpu.vector_load_idx %arg9[%add3A_1162] : memref<16896xf32, #tpu.memory_space<vmem>>[vector<16xi32>], vector<16xf32>,
        %swap3A_1164 = arith.constant 0 : i32
        %swap3A_1165 = arith.constant 3 : i32
        %swap3A_1166 = arith.index_cast %swap3A_1164 : i32 to index
        %swap3A_1167 = arith.index_cast %swap3A_1165 : i32 to index
        %swap3A_1168 = arith.index_cast %select_n3A_978 : i32 to index
        %swap3A_1169 = arith.index_cast %mul3A_996 : i32 to index
        %swap3A_1170 = tpu.vector_load %arg11[%swap3A_1166, %swap3A_1167, %swap3A_1168, %swap3A_1169] {strides = array<i32>} : memref<4x4x8x128xf32, #tpu.memory_space<vmem>>, vector<16xf32>,
        tpu.vector_store %arg11[%swap3A_1166, %swap3A_1167, %swap3A_1168, %swap3A_1169], %gather3A_1163 {strides = array<i32>} : memref<4x4x8x128xf32, #tpu.memory_space<vmem>>, vector<16xf32>,
        %add3A_1171 = arith.constant 8 : i32
        %add3A_1172 = arith.addi %add3A_1158, %add3A_1171 : i32
        %add3A_1173 = vector.broadcast %add3A_1172 : i32 to vector<16xi32>
        %add3A_1174 = arith.addi %add3A_1173, %mul3A_3 : vector<16xi32>
        %gather3A_1175 = tpu.vector_load_idx %arg9[%add3A_1174] : memref<16896xf32, #tpu.memory_space<vmem>>[vector<16xi32>], vector<16xf32>,
        %swap3A_1176 = arith.constant 1 : i32
        %swap3A_1177 = arith.constant 3 : i32
        %swap3A_1178 = arith.index_cast %swap3A_1176 : i32 to index
        %swap3A_1179 = arith.index_cast %swap3A_1177 : i32 to index
        %swap3A_1180 = arith.index_cast %select_n3A_978 : i32 to index
        %swap3A_1181 = arith.index_cast %mul3A_996 : i32 to index
        %swap3A_1182 = tpu.vector_load %arg11[%swap3A_1178, %swap3A_1179, %swap3A_1180, %swap3A_1181] {strides = array<i32>} : memref<4x4x8x128xf32, #tpu.memory_space<vmem>>, vector<16xf32>,
        tpu.vector_store %arg11[%swap3A_1178, %swap3A_1179, %swap3A_1180, %swap3A_1181], %gather3A_1175 {strides = array<i32>} : memref<4x4x8x128xf32, #tpu.memory_space<vmem>>, vector<16xf32>,
        %add3A_1183 = arith.constant 16 : i32
        %add3A_1184 = arith.addi %add3A_1158, %add3A_1183 : i32
        %add3A_1185 = vector.broadcast %add3A_1184 : i32 to vector<16xi32>
        %add3A_1186 = arith.addi %add3A_1185, %mul3A_3 : vector<16xi32>
        %gather3A_1187 = tpu.vector_load_idx %arg9[%add3A_1186] : memref<16896xf32, #tpu.memory_space<vmem>>[vector<16xi32>], vector<16xf32>,
        %swap3A_1188 = arith.constant 2 : i32
        %swap3A_1189 = arith.constant 3 : i32
        %swap3A_1190 = arith.index_cast %swap3A_1188 : i32 to index
        %swap3A_1191 = arith.index_cast %swap3A_1189 : i32 to index
        %swap3A_1192 = arith.index_cast %select_n3A_978 : i32 to index
        %swap3A_1193 = arith.index_cast %mul3A_996 : i32 to index
        %swap3A_1194 = tpu.vector_load %arg11[%swap3A_1190, %swap3A_1191, %swap3A_1192, %swap3A_1193] {strides = array<i32>} : memref<4x4x8x128xf32, #tpu.memory_space<vmem>>, vector<16xf32>,
        tpu.vector_store %arg11[%swap3A_1190, %swap3A_1191, %swap3A_1192, %swap3A_1193], %gather3A_1187 {strides = array<i32>} : memref<4x4x8x128xf32, #tpu.memory_space<vmem>>, vector<16xf32>,
        %add3A_1195 = arith.constant 24 : i32
        %add3A_1196 = arith.addi %add3A_1158, %add3A_1195 : i32
        %add3A_1197 = vector.broadcast %add3A_1196 : i32 to vector<16xi32>
        %add3A_1198 = arith.addi %add3A_1197, %mul3A_3 : vector<16xi32>
        %gather3A_1199 = tpu.vector_load_idx %arg9[%add3A_1198] : memref<16896xf32, #tpu.memory_space<vmem>>[vector<16xi32>], vector<16xf32>,
        %swap3A_1200 = arith.constant 3 : i32
        %swap3A_1201 = arith.constant 3 : i32
        %swap3A_1202 = arith.index_cast %swap3A_1200 : i32 to index
        %swap3A_1203 = arith.index_cast %swap3A_1201 : i32 to index
        %swap3A_1204 = arith.index_cast %select_n3A_978 : i32 to index
        %swap3A_1205 = arith.index_cast %mul3A_996 : i32 to index
        %swap3A_1206 = tpu.vector_load %arg11[%swap3A_1202, %swap3A_1203, %swap3A_1204, %swap3A_1205] {strides = array<i32>} : memref<4x4x8x128xf32, #tpu.memory_space<vmem>>, vector<16xf32>,
        tpu.vector_store %arg11[%swap3A_1202, %swap3A_1203, %swap3A_1204, %swap3A_1205], %gather3A_1199 {strides = array<i32>} : memref<4x4x8x128xf32, #tpu.memory_space<vmem>>, vector<16xf32>,
      }
      %scan3A_530 = arith.constant 64 : i32
      %jit3A_531 = arith.constant 8 : i32
      %div3A_532 = arith.divsi %add3A_463, %jit3A_531 : i32
      %sign3A_533 = arith.constant 0 : i32
      %sign3A_534 = arith.cmpi sgt, %add3A_463, %sign3A_533 : i32
      %sign3A_535 = arith.extui %sign3A_534 : i1 to i32
      %sign3A_536 = arith.constant 0 : i32
      %sign3A_537 = arith.cmpi slt, %add3A_463, %sign3A_536 : i32
      %sign3A_538 = arith.extui %sign3A_537 : i1 to i32
      %sign3A_539 = arith.subi %sign3A_535, %sign3A_538 : i32
      %sign3A_540 = arith.constant 0 : i32
      %sign3A_541 = arith.cmpi sgt, %jit3A_531, %sign3A_540 : i32
      %sign3A_542 = arith.extui %sign3A_541 : i1 to i32
      %sign3A_543 = arith.constant 0 : i32
      %sign3A_544 = arith.cmpi slt, %jit3A_531, %sign3A_543 : i32
      %sign3A_545 = arith.extui %sign3A_544 : i1 to i32
      %sign3A_546 = arith.subi %sign3A_542, %sign3A_545 : i32
      %ne3A_547 = arith.cmpi ne, %sign3A_539, %sign3A_546 : i32
      %rem3A_548 = arith.remsi %add3A_463, %jit3A_531 : i32
      %ne3A_549 = arith.constant 0 : i32
      %ne3A_550 = arith.cmpi ne, %rem3A_548, %ne3A_549 : i32
      %and3A_551 = arith.andi %ne3A_547, %ne3A_550 : i1
      %sub3A_552 = arith.constant 1 : i32
      %sub3A_553 = arith.subi %div3A_532, %sub3A_552 : i32
      %select_n3A_554 = arith.select %and3A_551, %sub3A_553, %div3A_532 : i32
      %jit3A_555 = arith.constant 8 : i32
      %eq3A_556 = arith.constant 0 : i32
      %eq3A_557 = arith.cmpi eq, %jit3A_555, %eq3A_556 : i32
      %jit3A_558 = arith.constant 1 : i32
      %select_n3A_559 = arith.select %eq3A_557, %jit3A_558, %jit3A_555 : i32
      %rem3A_560 = arith.remsi %add3A_463, %select_n3A_559 : i32
      %ne3A_561 = arith.constant 0 : i32
      %ne3A_562 = arith.cmpi ne, %rem3A_560, %ne3A_561 : i32
      %lt3A_563 = arith.constant 0 : i32
      %lt3A_564 = arith.cmpi slt, %rem3A_560, %lt3A_563 : i32
      %lt3A_565 = arith.constant 0 : i32
      %lt3A_566 = arith.cmpi slt, %select_n3A_559, %lt3A_565 : i32
      %ne3A_567 = arith.xori %lt3A_564, %lt3A_566 : i1
      %and3A_568 = arith.andi %ne3A_567, %ne3A_562 : i1
      %add3A_569 = arith.addi %rem3A_560, %select_n3A_559 : i32
      %select_n3A_570 = arith.select %and3A_568, %add3A_569, %rem3A_560 : i32
      %mul3A_571 = arith.constant 4 : i32
      %mul3A_572 = arith.muli %select_n3A_570, %mul3A_571 : i32
      %jit3A_573 = arith.constant 8 : i32
      %div3A_574 = arith.divsi %select_n3A_554, %jit3A_573 : i32
      %sign3A_575 = arith.constant 0 : i32
      %sign3A_576 = arith.cmpi sgt, %select_n3A_554, %sign3A_575 : i32
      %sign3A_577 = arith.extui %sign3A_576 : i1 to i32
      %sign3A_578 = arith.constant 0 : i32
      %sign3A_579 = arith.cmpi slt, %select_n3A_554, %sign3A_578 : i32
      %sign3A_580 = arith.extui %sign3A_579 : i1 to i32
      %sign3A_581 = arith.subi %sign3A_577, %sign3A_580 : i32
      %sign3A_582 = arith.constant 0 : i32
      %sign3A_583 = arith.cmpi sgt, %jit3A_573, %sign3A_582 : i32
      %sign3A_584 = arith.extui %sign3A_583 : i1 to i32
      %sign3A_585 = arith.constant 0 : i32
      %sign3A_586 = arith.cmpi slt, %jit3A_573, %sign3A_585 : i32
      %sign3A_587 = arith.extui %sign3A_586 : i1 to i32
      %sign3A_588 = arith.subi %sign3A_584, %sign3A_587 : i32
      %ne3A_589 = arith.cmpi ne, %sign3A_581, %sign3A_588 : i32
      %rem3A_590 = arith.remsi %select_n3A_554, %jit3A_573 : i32
      %ne3A_591 = arith.constant 0 : i32
      %ne3A_592 = arith.cmpi ne, %rem3A_590, %ne3A_591 : i32
      %and3A_593 = arith.andi %ne3A_589, %ne3A_592 : i1
      %sub3A_594 = arith.constant 1 : i32
      %sub3A_595 = arith.subi %div3A_574, %sub3A_594 : i32
      %select_n3A_596 = arith.select %and3A_593, %sub3A_595, %div3A_574 : i32
      %jit3A_597 = arith.constant 8 : i32
      %eq3A_598 = arith.constant 0 : i32
      %eq3A_599 = arith.cmpi eq, %jit3A_597, %eq3A_598 : i32
      %jit3A_600 = arith.constant 1 : i32
      %select_n3A_601 = arith.select %eq3A_599, %jit3A_600, %jit3A_597 : i32
      %rem3A_602 = arith.remsi %select_n3A_554, %select_n3A_601 : i32
      %ne3A_603 = arith.constant 0 : i32
      %ne3A_604 = arith.cmpi ne, %rem3A_602, %ne3A_603 : i32
      %lt3A_605 = arith.constant 0 : i32
      %lt3A_606 = arith.cmpi slt, %rem3A_602, %lt3A_605 : i32
      %lt3A_607 = arith.constant 0 : i32
      %lt3A_608 = arith.cmpi slt, %select_n3A_601, %lt3A_607 : i32
      %ne3A_609 = arith.xori %lt3A_606, %lt3A_608 : i1
      %and3A_610 = arith.andi %ne3A_609, %ne3A_604 : i1
      %add3A_611 = arith.addi %rem3A_602, %select_n3A_601 : i32
      %select_n3A_612 = arith.select %and3A_610, %add3A_611, %rem3A_602 : i32
      %dma_start3A_613 = arith.constant 0 : i32
      %dma_start3A_614 = arith.constant 0 : i32
      %dma_start3A_615 = arith.constant 0 : i32
      %dma_start3A_616 = arith.constant 0 : i32
      %dma_start3A_617 = arith.constant 0 : i32
      %dma_start3A_618 = tpu.memref_slice %arg11[%dma_start3A_613, %dma_start3A_615, %dma_start3A_616, %dma_start3A_617] : memref<4x4x8x128xf32, #tpu.memory_space<vmem>> -> memref<1x4x8x128xf32, #tpu.memory_space<vmem>>
      %dma_start3A_619 = tpu.memref_squeeze %dma_start3A_618 : memref<1x4x8x128xf32, #tpu.memory_space<vmem>> -> memref<4x8x128xf32, #tpu.memory_space<vmem>>
      %dma_start3A_620 = arith.constant 0 : i32
      %dma_start3A_621 = arith.constant 0 : i32
      %dma_start3A_622 = tpu.memref_slice %arg4[%select_n3A_554, %dma_start3A_614, %mul3A_572, %dma_start3A_620, %dma_start3A_621] : memref<200x4x32x8x128xf32, #tpu.memory_space<hbm>> -> memref<1x1x4x8x128xf32, #tpu.memory_space<hbm>>
      %dma_start3A_623 = tpu.memref_squeeze %dma_start3A_622 : memref<1x1x4x8x128xf32, #tpu.memory_space<hbm>> -> memref<4x8x128xf32, #tpu.memory_space<hbm>>
      %dma_start3A_624 = arith.constant 0 : i32
      %dma_start3A_625 = arith.constant 0 : i32
      %dma_start3A_626 = tpu.memref_slice %arg4[%select_n3A_554, %dma_start3A_614, %mul3A_572, %dma_start3A_624, %dma_start3A_625] : memref<200x4x32x8x128xf32, #tpu.memory_space<hbm>> -> memref<1x1x4x8x128xf32, #tpu.memory_space<hbm>>
      %dma_start3A_627 = tpu.memref_squeeze %dma_start3A_626 : memref<1x1x4x8x128xf32, #tpu.memory_space<hbm>> -> memref<4x8x128xf32, #tpu.memory_space<hbm>>
      %dma_start3A_628 = arith.constant 0 : i32
      %dma_start3A_629 = arith.constant 0 : i32
      %dma_start3A_630 = arith.constant 0 : i32
      %dma_start3A_631 = tpu.memref_slice %arg11[%dma_start3A_613, %dma_start3A_628, %dma_start3A_629, %dma_start3A_630] : memref<4x4x8x128xf32, #tpu.memory_space<vmem>> -> memref<1x4x8x128xf32, #tpu.memory_space<vmem>>
      %dma_start3A_632 = tpu.memref_squeeze %dma_start3A_631 : memref<1x4x8x128xf32, #tpu.memory_space<vmem>> -> memref<4x8x128xf32, #tpu.memory_space<vmem>>
      tpu.enqueue_dma source(%dma_start3A_632 : memref<4x8x128xf32, #tpu.memory_space<vmem>>) target(%dma_start3A_627 : memref<4x8x128xf32, #tpu.memory_space<hbm>>) target_semaphore(%arg17 : memref<!tpu.dma_semaphore, #tpu.memory_space<semaphore_mem>>)
      %dma_start3A_633 = arith.constant 1 : i32
      %dma_start3A_634 = arith.constant 1 : i32
      %dma_start3A_635 = arith.constant 0 : i32
      %dma_start3A_636 = arith.constant 0 : i32
      %dma_start3A_637 = arith.constant 0 : i32
      %dma_start3A_638 = tpu.memref_slice %arg11[%dma_start3A_633, %dma_start3A_635, %dma_start3A_636, %dma_start3A_637] : memref<4x4x8x128xf32, #tpu.memory_space<vmem>> -> memref<1x4x8x128xf32, #tpu.memory_space<vmem>>
      %dma_start3A_639 = tpu.memref_squeeze %dma_start3A_638 : memref<1x4x8x128xf32, #tpu.memory_space<vmem>> -> memref<4x8x128xf32, #tpu.memory_space<vmem>>
      %dma_start3A_640 = arith.constant 0 : i32
      %dma_start3A_641 = arith.constant 0 : i32
      %dma_start3A_642 = tpu.memref_slice %arg4[%select_n3A_554, %dma_start3A_634, %mul3A_572, %dma_start3A_640, %dma_start3A_641] : memref<200x4x32x8x128xf32, #tpu.memory_space<hbm>> -> memref<1x1x4x8x128xf32, #tpu.memory_space<hbm>>
      %dma_start3A_643 = tpu.memref_squeeze %dma_start3A_642 : memref<1x1x4x8x128xf32, #tpu.memory_space<hbm>> -> memref<4x8x128xf32, #tpu.memory_space<hbm>>
      %dma_start3A_644 = arith.constant 0 : i32
      %dma_start3A_645 = arith.constant 0 : i32
      %dma_start3A_646 = tpu.memref_slice %arg4[%select_n3A_554, %dma_start3A_634, %mul3A_572, %dma_start3A_644, %dma_start3A_645] : memref<200x4x32x8x128xf32, #tpu.memory_space<hbm>> -> memref<1x1x4x8x128xf32, #tpu.memory_space<hbm>>
      %dma_start3A_647 = tpu.memref_squeeze %dma_start3A_646 : memref<1x1x4x8x128xf32, #tpu.memory_space<hbm>> -> memref<4x8x128xf32, #tpu.memory_space<hbm>>
      %dma_start3A_648 = arith.constant 0 : i32
      %dma_start3A_649 = arith.constant 0 : i32
      %dma_start3A_650 = arith.constant 0 : i32
      %dma_start3A_651 = tpu.memref_slice %arg11[%dma_start3A_633, %dma_start3A_648, %dma_start3A_649, %dma_start3A_650] : memref<4x4x8x128xf32, #tpu.memory_space<vmem>> -> memref<1x4x8x128xf32, #tpu.memory_space<vmem>>
      %dma_start3A_652 = tpu.memref_squeeze %dma_start3A_651 : memref<1x4x8x128xf32, #tpu.memory_space<vmem>> -> memref<4x8x128xf32, #tpu.memory_space<vmem>>
      tpu.enqueue_dma source(%dma_start3A_652 : memref<4x8x128xf32, #tpu.memory_space<vmem>>) target(%dma_start3A_647 : memref<4x8x128xf32, #tpu.memory_space<hbm>>) target_semaphore(%arg17 : memref<!tpu.dma_semaphore, #tpu.memory_space<semaphore_mem>>)
      %dma_start3A_653 = arith.constant 2 : i32
      %dma_start3A_654 = arith.constant 2 : i32
      %dma_start3A_655 = arith.constant 0 : i32
      %dma_start3A_656 = arith.constant 0 : i32
      %dma_start3A_657 = arith.constant 0 : i32
      %dma_start3A_658 = tpu.memref_slice %arg11[%dma_start3A_653, %dma_start3A_655, %dma_start3A_656, %dma_start3A_657] : memref<4x4x8x128xf32, #tpu.memory_space<vmem>> -> memref<1x4x8x128xf32, #tpu.memory_space<vmem>>
      %dma_start3A_659 = tpu.memref_squeeze %dma_start3A_658 : memref<1x4x8x128xf32, #tpu.memory_space<vmem>> -> memref<4x8x128xf32, #tpu.memory_space<vmem>>
      %dma_start3A_660 = arith.constant 0 : i32
      %dma_start3A_661 = arith.constant 0 : i32
      %dma_start3A_662 = tpu.memref_slice %arg4[%select_n3A_554, %dma_start3A_654, %mul3A_572, %dma_start3A_660, %dma_start3A_661] : memref<200x4x32x8x128xf32, #tpu.memory_space<hbm>> -> memref<1x1x4x8x128xf32, #tpu.memory_space<hbm>>
      %dma_start3A_663 = tpu.memref_squeeze %dma_start3A_662 : memref<1x1x4x8x128xf32, #tpu.memory_space<hbm>> -> memref<4x8x128xf32, #tpu.memory_space<hbm>>
      %dma_start3A_664 = arith.constant 0 : i32
      %dma_start3A_665 = arith.constant 0 : i32
      %dma_start3A_666 = tpu.memref_slice %arg4[%select_n3A_554, %dma_start3A_654, %mul3A_572, %dma_start3A_664, %dma_start3A_665] : memref<200x4x32x8x128xf32, #tpu.memory_space<hbm>> -> memref<1x1x4x8x128xf32, #tpu.memory_space<hbm>>
      %dma_start3A_667 = tpu.memref_squeeze %dma_start3A_666 : memref<1x1x4x8x128xf32, #tpu.memory_space<hbm>> -> memref<4x8x128xf32, #tpu.memory_space<hbm>>
      %dma_start3A_668 = arith.constant 0 : i32
      %dma_start3A_669 = arith.constant 0 : i32
      %dma_start3A_670 = arith.constant 0 : i32
      %dma_start3A_671 = tpu.memref_slice %arg11[%dma_start3A_653, %dma_start3A_668, %dma_start3A_669, %dma_start3A_670] : memref<4x4x8x128xf32, #tpu.memory_space<vmem>> -> memref<1x4x8x128xf32, #tpu.memory_space<vmem>>
      %dma_start3A_672 = tpu.memref_squeeze %dma_start3A_671 : memref<1x4x8x128xf32, #tpu.memory_space<vmem>> -> memref<4x8x128xf32, #tpu.memory_space<vmem>>
      tpu.enqueue_dma source(%dma_start3A_672 : memref<4x8x128xf32, #tpu.memory_space<vmem>>) target(%dma_start3A_667 : memref<4x8x128xf32, #tpu.memory_space<hbm>>) target_semaphore(%arg17 : memref<!tpu.dma_semaphore, #tpu.memory_space<semaphore_mem>>)
      %dma_start3A_673 = arith.constant 3 : i32
      %dma_start3A_674 = arith.constant 3 : i32
      %dma_start3A_675 = arith.constant 0 : i32
      %dma_start3A_676 = arith.constant 0 : i32
      %dma_start3A_677 = arith.constant 0 : i32
      %dma_start3A_678 = tpu.memref_slice %arg11[%dma_start3A_673, %dma_start3A_675, %dma_start3A_676, %dma_start3A_677] : memref<4x4x8x128xf32, #tpu.memory_space<vmem>> -> memref<1x4x8x128xf32, #tpu.memory_space<vmem>>
      %dma_start3A_679 = tpu.memref_squeeze %dma_start3A_678 : memref<1x4x8x128xf32, #tpu.memory_space<vmem>> -> memref<4x8x128xf32, #tpu.memory_space<vmem>>
      %dma_start3A_680 = arith.constant 0 : i32
      %dma_start3A_681 = arith.constant 0 : i32
      %dma_start3A_682 = tpu.memref_slice %arg4[%select_n3A_554, %dma_start3A_674, %mul3A_572, %dma_start3A_680, %dma_start3A_681] : memref<200x4x32x8x128xf32, #tpu.memory_space<hbm>> -> memref<1x1x4x8x128xf32, #tpu.memory_space<hbm>>
      %dma_start3A_683 = tpu.memref_squeeze %dma_start3A_682 : memref<1x1x4x8x128xf32, #tpu.memory_space<hbm>> -> memref<4x8x128xf32, #tpu.memory_space<hbm>>
      %dma_start3A_684 = arith.constant 0 : i32
      %dma_start3A_685 = arith.constant 0 : i32
      %dma_start3A_686 = tpu.memref_slice %arg4[%select_n3A_554, %dma_start3A_674, %mul3A_572, %dma_start3A_684, %dma_start3A_685] : memref<200x4x32x8x128xf32, #tpu.memory_space<hbm>> -> memref<1x1x4x8x128xf32, #tpu.memory_space<hbm>>
      %dma_start3A_687 = tpu.memref_squeeze %dma_start3A_686 : memref<1x1x4x8x128xf32, #tpu.memory_space<hbm>> -> memref<4x8x128xf32, #tpu.memory_space<hbm>>
      %dma_start3A_688 = arith.constant 0 : i32
      %dma_start3A_689 = arith.constant 0 : i32
      %dma_start3A_690 = arith.constant 0 : i32
      %dma_start3A_691 = tpu.memref_slice %arg11[%dma_start3A_673, %dma_start3A_688, %dma_start3A_689, %dma_start3A_690] : memref<4x4x8x128xf32, #tpu.memory_space<vmem>> -> memref<1x4x8x128xf32, #tpu.memory_space<vmem>>
      %dma_start3A_692 = tpu.memref_squeeze %dma_start3A_691 : memref<1x4x8x128xf32, #tpu.memory_space<vmem>> -> memref<4x8x128xf32, #tpu.memory_space<vmem>>
      tpu.enqueue_dma source(%dma_start3A_692 : memref<4x8x128xf32, #tpu.memory_space<vmem>>) target(%dma_start3A_687 : memref<4x8x128xf32, #tpu.memory_space<hbm>>) target_semaphore(%arg17 : memref<!tpu.dma_semaphore, #tpu.memory_space<semaphore_mem>>)
      %mul3A_693 = arith.constant 2 : i32
      %mul3A_694 = arith.muli %mul3A_693, %scan3A_456 : i32
      %add3A_695 = arith.constant 0 : i32
      %add3A_696 = arith.addi %mul3A_694, %add3A_695 : i32
      %add3A_697 = arith.constant 2 : i32
      %add3A_698 = arith.addi %add3A_696, %add3A_697 : i32
      %lt3A_699 = arith.constant 50 : i32
      %lt3A_700 = arith.cmpi slt, %add3A_698, %lt3A_699 : i32
      %convert_element_type3A_701 = arith.extui %lt3A_700 : i1 to i32
      %cond3A_702 = arith.constant 0 : i32
      %cond3A_703 = arith.cmpi ne, %convert_element_type3A_701, %cond3A_702 : i32
      scf.if %cond3A_703 {
        %dma_wait3A_954 = arith.constant 0 : i32
        %dma_wait3A_955 = arith.constant 0 : i32
        %dma_wait3A_956 = arith.constant 0 : i32
        %dma_wait3A_957 = arith.constant 0 : i32
        %dma_wait3A_958 = arith.constant 0 : i32
        %dma_wait3A_959 = tpu.memref_slice %arg5[%dma_wait3A_957, %dma_wait3A_958] : memref<4x128xi32, #tpu.memory_space<vmem>> -> memref<1x128xi32, #tpu.memory_space<vmem>>
        %dma_wait3A_960 = tpu.memref_squeeze %dma_wait3A_959 : memref<1x128xi32, #tpu.memory_space<vmem>> -> memref<128xi32, #tpu.memory_space<vmem>>
        %dma_wait3A_961 = arith.constant 0 : i32
        %dma_wait3A_962 = tpu.memref_slice %arg2[%dma_wait3A_954, %dma_wait3A_955, %dma_wait3A_956, %dma_wait3A_961] : memref<25x32x8x128xi32, #tpu.memory_space<hbm>> -> memref<1x1x1x128xi32, #tpu.memory_space<hbm>>
        %dma_wait3A_963 = tpu.memref_squeeze %dma_wait3A_962 : memref<1x1x1x128xi32, #tpu.memory_space<hbm>> -> memref<128xi32, #tpu.memory_space<hbm>>
        %dma_wait3A_964 = arith.constant 0 : i32
        %dma_wait3A_965 = tpu.memref_slice %arg5[%dma_wait3A_957, %dma_wait3A_964] : memref<4x128xi32, #tpu.memory_space<vmem>> -> memref<1x128xi32, #tpu.memory_space<vmem>>
        %dma_wait3A_966 = tpu.memref_squeeze %dma_wait3A_965 : memref<1x128xi32, #tpu.memory_space<vmem>> -> memref<128xi32, #tpu.memory_space<vmem>>
        %dma_wait3A_967 = arith.constant 0 : i32
        %dma_wait3A_968 = tpu.memref_slice %arg2[%dma_wait3A_954, %dma_wait3A_955, %dma_wait3A_956, %dma_wait3A_967] : memref<25x32x8x128xi32, #tpu.memory_space<hbm>> -> memref<1x1x1x128xi32, #tpu.memory_space<hbm>>
        %dma_wait3A_969 = tpu.memref_squeeze %dma_wait3A_968 : memref<1x1x1x128xi32, #tpu.memory_space<hbm>> -> memref<128xi32, #tpu.memory_space<hbm>>
        tpu.wait_dma2 semaphore(%arg13 : memref<!tpu.dma_semaphore, #tpu.memory_space<semaphore_mem>>) src(%dma_wait3A_969 : memref<128xi32, #tpu.memory_space<hbm>>) dst(%dma_wait3A_966 : memref<128xi32, #tpu.memory_space<vmem>>)
        %dma_wait3A_970 = arith.constant 0 : i32
        %dma_wait3A_971 = arith.constant 1 : i32
        %dma_wait3A_972 = arith.constant 0 : i32
        %dma_wait3A_973 = arith.constant 1 : i32
        %dma_wait3A_974 = arith.constant 0 : i32
        %dma_wait3A_975 = tpu.memref_slice %arg5[%dma_wait3A_973, %dma_wait3A_974] : memref<4x128xi32, #tpu.memory_space<vmem>> -> memref<1x128xi32, #tpu.memory_space<vmem>>
        %dma_wait3A_976 = tpu.memref_squeeze %dma_wait3A_975 : memref<1x128xi32, #tpu.memory_space<vmem>> -> memref<128xi32, #tpu.memory_space<vmem>>
        %dma_wait3A_977 = arith.constant 0 : i32
        %dma_wait3A_978 = tpu.memref_slice %arg2[%dma_wait3A_970, %dma_wait3A_971, %dma_wait3A_972, %dma_wait3A_977] : memref<25x32x8x128xi32, #tpu.memory_space<hbm>> -> memref<1x1x1x128xi32, #tpu.memory_space<hbm>>
        %dma_wait3A_979 = tpu.memref_squeeze %dma_wait3A_978 : memref<1x1x1x128xi32, #tpu.memory_space<hbm>> -> memref<128xi32, #tpu.memory_space<hbm>>
        %dma_wait3A_980 = arith.constant 0 : i32
        %dma_wait3A_981 = tpu.memref_slice %arg5[%dma_wait3A_973, %dma_wait3A_980] : memref<4x128xi32, #tpu.memory_space<vmem>> -> memref<1x128xi32, #tpu.memory_space<vmem>>
        %dma_wait3A_982 = tpu.memref_squeeze %dma_wait3A_981 : memref<1x128xi32, #tpu.memory_space<vmem>> -> memref<128xi32, #tpu.memory_space<vmem>>
        %dma_wait3A_983 = arith.constant 0 : i32
        %dma_wait3A_984 = tpu.memref_slice %arg2[%dma_wait3A_970, %dma_wait3A_971, %dma_wait3A_972, %dma_wait3A_983] : memref<25x32x8x128xi32, #tpu.memory_space<hbm>> -> memref<1x1x1x128xi32, #tpu.memory_space<hbm>>
        %dma_wait3A_985 = tpu.memref_squeeze %dma_wait3A_984 : memref<1x1x1x128xi32, #tpu.memory_space<hbm>> -> memref<128xi32, #tpu.memory_space<hbm>>
        tpu.wait_dma2 semaphore(%arg13 : memref<!tpu.dma_semaphore, #tpu.memory_space<semaphore_mem>>) src(%dma_wait3A_985 : memref<128xi32, #tpu.memory_space<hbm>>) dst(%dma_wait3A_982 : memref<128xi32, #tpu.memory_space<vmem>>)
        %dma_wait3A_986 = arith.constant 0 : i32
        %dma_wait3A_987 = arith.constant 2 : i32
        %dma_wait3A_988 = arith.constant 0 : i32
        %dma_wait3A_989 = arith.constant 2 : i32
        %dma_wait3A_990 = arith.constant 0 : i32
        %dma_wait3A_991 = tpu.memref_slice %arg5[%dma_wait3A_989, %dma_wait3A_990] : memref<4x128xi32, #tpu.memory_space<vmem>> -> memref<1x128xi32, #tpu.memory_space<vmem>>
        %dma_wait3A_992 = tpu.memref_squeeze %dma_wait3A_991 : memref<1x128xi32, #tpu.memory_space<vmem>> -> memref<128xi32, #tpu.memory_space<vmem>>
        %dma_wait3A_993 = arith.constant 0 : i32
        %dma_wait3A_994 = tpu.memref_slice %arg2[%dma_wait3A_986, %dma_wait3A_987, %dma_wait3A_988, %dma_wait3A_993] : memref<25x32x8x128xi32, #tpu.memory_space<hbm>> -> memref<1x1x1x128xi32, #tpu.memory_space<hbm>>
        %dma_wait3A_995 = tpu.memref_squeeze %dma_wait3A_994 : memref<1x1x1x128xi32, #tpu.memory_space<hbm>> -> memref<128xi32, #tpu.memory_space<hbm>>
        %dma_wait3A_996 = arith.constant 0 : i32
        %dma_wait3A_997 = tpu.memref_slice %arg5[%dma_wait3A_989, %dma_wait3A_996] : memref<4x128xi32, #tpu.memory_space<vmem>> -> memref<1x128xi32, #tpu.memory_space<vmem>>
        %dma_wait3A_998 = tpu.memref_squeeze %dma_wait3A_997 : memref<1x128xi32, #tpu.memory_space<vmem>> -> memref<128xi32, #tpu.memory_space<vmem>>
        %dma_wait3A_999 = arith.constant 0 : i32
        %dma_wait3A_1000 = tpu.memref_slice %arg2[%dma_wait3A_986, %dma_wait3A_987, %dma_wait3A_988, %dma_wait3A_999] : memref<25x32x8x128xi32, #tpu.memory_space<hbm>> -> memref<1x1x1x128xi32, #tpu.memory_space<hbm>>
        %dma_wait3A_1001 = tpu.memref_squeeze %dma_wait3A_1000 : memref<1x1x1x128xi32, #tpu.memory_space<hbm>> -> memref<128xi32, #tpu.memory_space<hbm>>
        tpu.wait_dma2 semaphore(%arg13 : memref<!tpu.dma_semaphore, #tpu.memory_space<semaphore_mem>>) src(%dma_wait3A_1001 : memref<128xi32, #tpu.memory_space<hbm>>) dst(%dma_wait3A_998 : memref<128xi32, #tpu.memory_space<vmem>>)
        %dma_wait3A_1002 = arith.constant 0 : i32
        %dma_wait3A_1003 = arith.constant 3 : i32
        %dma_wait3A_1004 = arith.constant 0 : i32
        %dma_wait3A_1005 = arith.constant 3 : i32
        %dma_wait3A_1006 = arith.constant 0 : i32
        %dma_wait3A_1007 = tpu.memref_slice %arg5[%dma_wait3A_1005, %dma_wait3A_1006] : memref<4x128xi32, #tpu.memory_space<vmem>> -> memref<1x128xi32, #tpu.memory_space<vmem>>
        %dma_wait3A_1008 = tpu.memref_squeeze %dma_wait3A_1007 : memref<1x128xi32, #tpu.memory_space<vmem>> -> memref<128xi32, #tpu.memory_space<vmem>>
        %dma_wait3A_1009 = arith.constant 0 : i32
        %dma_wait3A_1010 = tpu.memref_slice %arg2[%dma_wait3A_1002, %dma_wait3A_1003, %dma_wait3A_1004, %dma_wait3A_1009] : memref<25x32x8x128xi32, #tpu.memory_space<hbm>> -> memref<1x1x1x128xi32, #tpu.memory_space<hbm>>
        %dma_wait3A_1011 = tpu.memref_squeeze %dma_wait3A_1010 : memref<1x1x1x128xi32, #tpu.memory_space<hbm>> -> memref<128xi32, #tpu.memory_space<hbm>>
        %dma_wait3A_1012 = arith.constant 0 : i32
        %dma_wait3A_1013 = tpu.memref_slice %arg5[%dma_wait3A_1005, %dma_wait3A_1012] : memref<4x128xi32, #tpu.memory_space<vmem>> -> memref<1x128xi32, #tpu.memory_space<vmem>>
        %dma_wait3A_1014 = tpu.memref_squeeze %dma_wait3A_1013 : memref<1x128xi32, #tpu.memory_space<vmem>> -> memref<128xi32, #tpu.memory_space<vmem>>
        %dma_wait3A_1015 = arith.constant 0 : i32
        %dma_wait3A_1016 = tpu.memref_slice %arg2[%dma_wait3A_1002, %dma_wait3A_1003, %dma_wait3A_1004, %dma_wait3A_1015] : memref<25x32x8x128xi32, #tpu.memory_space<hbm>> -> memref<1x1x1x128xi32, #tpu.memory_space<hbm>>
        %dma_wait3A_1017 = tpu.memref_squeeze %dma_wait3A_1016 : memref<1x1x1x128xi32, #tpu.memory_space<hbm>> -> memref<128xi32, #tpu.memory_space<hbm>>
        tpu.wait_dma2 semaphore(%arg13 : memref<!tpu.dma_semaphore, #tpu.memory_space<semaphore_mem>>) src(%dma_wait3A_1017 : memref<128xi32, #tpu.memory_space<hbm>>) dst(%dma_wait3A_1014 : memref<128xi32, #tpu.memory_space<vmem>>)
        %dma_start3A_1018 = arith.constant 0 : i32
        %dma_start3A_1019 = arith.constant 0 : i32
        %dma_start3A_1020 = arith.constant 0 : i32
        %dma_start3A_1021 = tpu.memref_slice %arg7[%dma_start3A_1019, %dma_start3A_1020] : memref<512x32xf32, #tpu.memory_space<vmem>> -> memref<128x32xf32, #tpu.memory_space<vmem>>
        %dma_start3A_1022 = arith.constant 0 : i32
        %dma_start3A_1023 = tpu.memref_slice %arg5[%dma_start3A_1018, %dma_start3A_1022] : memref<4x128xi32, #tpu.memory_space<vmem>> -> memref<1x128xi32, #tpu.memory_space<vmem>>
        %dma_start3A_1024 = tpu.memref_squeeze %dma_start3A_1023 : memref<1x128xi32, #tpu.memory_space<vmem>> -> memref<128xi32, #tpu.memory_space<vmem>>
        %dma_start3A_1025 = arith.constant 0 : i32
        %dma_start3A_1026 = arith.constant 0 : i32
        %dma_start3A_1027 = tpu.memref_slice %arg3[%dma_start3A_1025, %dma_start3A_1026] : memref<1000000x32xf32, #tpu.memory_space<hbm>> -> memref<1000000x32xf32, #tpu.memory_space<hbm>>
        tpu.enqueue_indirect_dma source(%dma_start3A_1027 : memref<1000000x32xf32, #tpu.memory_space<hbm>>) target(%dma_start3A_1021 : memref<128x32xf32, #tpu.memory_space<vmem>>) offsets(%dma_start3A_1024 : memref<128xi32, #tpu.memory_space<vmem>>) semaphore(%arg15 : memref<!tpu.dma_semaphore, #tpu.memory_space<semaphore_mem>>)
        %dma_start3A_1028 = arith.constant 1 : i32
        %dma_start3A_1029 = arith.constant 128 : i32
        %dma_start3A_1030 = arith.constant 0 : i32
        %dma_start3A_1031 = tpu.memref_slice %arg7[%dma_start3A_1029, %dma_start3A_1030] : memref<512x32xf32, #tpu.memory_space<vmem>> -> memref<128x32xf32, #tpu.memory_space<vmem>>
        %dma_start3A_1032 = arith.constant 0 : i32
        %dma_start3A_1033 = tpu.memref_slice %arg5[%dma_start3A_1028, %dma_start3A_1032] : memref<4x128xi32, #tpu.memory_space<vmem>> -> memref<1x128xi32, #tpu.memory_space<vmem>>
        %dma_start3A_1034 = tpu.memref_squeeze %dma_start3A_1033 : memref<1x128xi32, #tpu.memory_space<vmem>> -> memref<128xi32, #tpu.memory_space<vmem>>
        %dma_start3A_1035 = arith.constant 0 : i32
        %dma_start3A_1036 = arith.constant 0 : i32
        %dma_start3A_1037 = tpu.memref_slice %arg3[%dma_start3A_1035, %dma_start3A_1036] : memref<1000000x32xf32, #tpu.memory_space<hbm>> -> memref<1000000x32xf32, #tpu.memory_space<hbm>>
        tpu.enqueue_indirect_dma source(%dma_start3A_1037 : memref<1000000x32xf32, #tpu.memory_space<hbm>>) target(%dma_start3A_1031 : memref<128x32xf32, #tpu.memory_space<vmem>>) offsets(%dma_start3A_1034 : memref<128xi32, #tpu.memory_space<vmem>>) semaphore(%arg15 : memref<!tpu.dma_semaphore, #tpu.memory_space<semaphore_mem>>)
        %dma_start3A_1038 = arith.constant 2 : i32
        %dma_start3A_1039 = arith.constant 256 : i32
        %dma_start3A_1040 = arith.constant 0 : i32
        %dma_start3A_1041 = tpu.memref_slice %arg7[%dma_start3A_1039, %dma_start3A_1040] : memref<512x32xf32, #tpu.memory_space<vmem>> -> memref<128x32xf32, #tpu.memory_space<vmem>>
        %dma_start3A_1042 = arith.constant 0 : i32
        %dma_start3A_1043 = tpu.memref_slice %arg5[%dma_start3A_1038, %dma_start3A_1042] : memref<4x128xi32, #tpu.memory_space<vmem>> -> memref<1x128xi32, #tpu.memory_space<vmem>>
        %dma_start3A_1044 = tpu.memref_squeeze %dma_start3A_1043 : memref<1x128xi32, #tpu.memory_space<vmem>> -> memref<128xi32, #tpu.memory_space<vmem>>
        %dma_start3A_1045 = arith.constant 0 : i32
        %dma_start3A_1046 = arith.constant 0 : i32
        %dma_start3A_1047 = tpu.memref_slice %arg3[%dma_start3A_1045, %dma_start3A_1046] : memref<1000000x32xf32, #tpu.memory_space<hbm>> -> memref<1000000x32xf32, #tpu.memory_space<hbm>>
        tpu.enqueue_indirect_dma source(%dma_start3A_1047 : memref<1000000x32xf32, #tpu.memory_space<hbm>>) target(%dma_start3A_1041 : memref<128x32xf32, #tpu.memory_space<vmem>>) offsets(%dma_start3A_1044 : memref<128xi32, #tpu.memory_space<vmem>>) semaphore(%arg15 : memref<!tpu.dma_semaphore, #tpu.memory_space<semaphore_mem>>)
        %dma_start3A_1048 = arith.constant 3 : i32
        %dma_start3A_1049 = arith.constant 384 : i32
        %dma_start3A_1050 = arith.constant 0 : i32
        %dma_start3A_1051 = tpu.memref_slice %arg7[%dma_start3A_1049, %dma_start3A_1050] : memref<512x32xf32, #tpu.memory_space<vmem>> -> memref<128x32xf32, #tpu.memory_space<vmem>>
        %dma_start3A_1052 = arith.constant 0 : i32
        %dma_start3A_1053 = tpu.memref_slice %arg5[%dma_start3A_1048, %dma_start3A_1052] : memref<4x128xi32, #tpu.memory_space<vmem>> -> memref<1x128xi32, #tpu.memory_space<vmem>>
        %dma_start3A_1054 = tpu.memref_squeeze %dma_start3A_1053 : memref<1x128xi32, #tpu.memory_space<vmem>> -> memref<128xi32, #tpu.memory_space<vmem>>
        %dma_start3A_1055 = arith.constant 0 : i32
        %dma_start3A_1056 = arith.constant 0 : i32
        %dma_start3A_1057 = tpu.memref_slice %arg3[%dma_start3A_1055, %dma_start3A_1056] : memref<1000000x32xf32, #tpu.memory_space<hbm>> -> memref<1000000x32xf32, #tpu.memory_space<hbm>>
        tpu.enqueue_indirect_dma source(%dma_start3A_1057 : memref<1000000x32xf32, #tpu.memory_space<hbm>>) target(%dma_start3A_1051 : memref<128x32xf32, #tpu.memory_space<vmem>>) offsets(%dma_start3A_1054 : memref<128xi32, #tpu.memory_space<vmem>>) semaphore(%arg15 : memref<!tpu.dma_semaphore, #tpu.memory_space<semaphore_mem>>)
      } else {
      }
      %mul3A_704 = arith.constant 50 : i32
      %mul3A_705 = arith.muli %add3A, %mul3A_704 : i32
      %mul3A_706 = arith.constant 2 : i32
      %mul3A_707 = arith.muli %mul3A_706, %scan3A_456 : i32
      %add3A_708 = arith.addi %mul3A_705, %mul3A_707 : i32
      %add3A_709 = arith.constant 1 : i32
      %add3A_710 = arith.addi %add3A_708, %add3A_709 : i32
      %add3A_711 = arith.constant 2 : i32
      %add3A_712 = arith.addi %add3A_710, %add3A_711 : i32
      %dma_wait3A_713 = arith.constant 0 : i32
      %dma_wait3A_714 = arith.constant 0 : i32
      %dma_wait3A_715 = arith.constant 0 : i32
      %dma_wait3A_716 = tpu.memref_slice %arg8[%dma_wait3A_714, %dma_wait3A_715] : memref<512x32xf32, #tpu.memory_space<vmem>> -> memref<128x32xf32, #tpu.memory_space<vmem>>
      %dma_wait3A_717 = arith.constant 0 : i32
      %dma_wait3A_718 = tpu.memref_slice %arg6[%dma_wait3A_713, %dma_wait3A_717] : memref<4x128xi32, #tpu.memory_space<vmem>> -> memref<1x128xi32, #tpu.memory_space<vmem>>
      %dma_wait3A_719 = tpu.memref_squeeze %dma_wait3A_718 : memref<1x128xi32, #tpu.memory_space<vmem>> -> memref<128xi32, #tpu.memory_space<vmem>>
      %dma_wait3A_720 = arith.constant 0 : i32
      %dma_wait3A_721 = arith.constant 0 : i32
      %dma_wait3A_722 = tpu.memref_slice %arg3[%dma_wait3A_720, %dma_wait3A_721] : memref<1000000x32xf32, #tpu.memory_space<hbm>> -> memref<1000000x32xf32, #tpu.memory_space<hbm>>
      tpu.wait_indirect_dma semaphore(%arg16 : memref<!tpu.dma_semaphore, #tpu.memory_space<semaphore_mem>>) src(%dma_wait3A_722 : memref<1000000x32xf32, #tpu.memory_space<hbm>>) dst(%dma_wait3A_716 : memref<128x32xf32, #tpu.memory_space<vmem>>)
      %dma_wait3A_723 = arith.constant 1 : i32
      %dma_wait3A_724 = arith.constant 128 : i32
      %dma_wait3A_725 = arith.constant 0 : i32
      %dma_wait3A_726 = tpu.memref_slice %arg8[%dma_wait3A_724, %dma_wait3A_725] : memref<512x32xf32, #tpu.memory_space<vmem>> -> memref<128x32xf32, #tpu.memory_space<vmem>>
      %dma_wait3A_727 = arith.constant 0 : i32
      %dma_wait3A_728 = tpu.memref_slice %arg6[%dma_wait3A_723, %dma_wait3A_727] : memref<4x128xi32, #tpu.memory_space<vmem>> -> memref<1x128xi32, #tpu.memory_space<vmem>>
      %dma_wait3A_729 = tpu.memref_squeeze %dma_wait3A_728 : memref<1x128xi32, #tpu.memory_space<vmem>> -> memref<128xi32, #tpu.memory_space<vmem>>
      %dma_wait3A_730 = arith.constant 0 : i32
      %dma_wait3A_731 = arith.constant 0 : i32
      %dma_wait3A_732 = tpu.memref_slice %arg3[%dma_wait3A_730, %dma_wait3A_731] : memref<1000000x32xf32, #tpu.memory_space<hbm>> -> memref<1000000x32xf32, #tpu.memory_space<hbm>>
      tpu.wait_indirect_dma semaphore(%arg16 : memref<!tpu.dma_semaphore, #tpu.memory_space<semaphore_mem>>) src(%dma_wait3A_732 : memref<1000000x32xf32, #tpu.memory_space<hbm>>) dst(%dma_wait3A_726 : memref<128x32xf32, #tpu.memory_space<vmem>>)
      %dma_wait3A_733 = arith.constant 2 : i32
      %dma_wait3A_734 = arith.constant 256 : i32
      %dma_wait3A_735 = arith.constant 0 : i32
      %dma_wait3A_736 = tpu.memref_slice %arg8[%dma_wait3A_734, %dma_wait3A_735] : memref<512x32xf32, #tpu.memory_space<vmem>> -> memref<128x32xf32, #tpu.memory_space<vmem>>
      %dma_wait3A_737 = arith.constant 0 : i32
      %dma_wait3A_738 = tpu.memref_slice %arg6[%dma_wait3A_733, %dma_wait3A_737] : memref<4x128xi32, #tpu.memory_space<vmem>> -> memref<1x128xi32, #tpu.memory_space<vmem>>
      %dma_wait3A_739 = tpu.memref_squeeze %dma_wait3A_738 : memref<1x128xi32, #tpu.memory_space<vmem>> -> memref<128xi32, #tpu.memory_space<vmem>>
      %dma_wait3A_740 = arith.constant 0 : i32
      %dma_wait3A_741 = arith.constant 0 : i32
      %dma_wait3A_742 = tpu.memref_slice %arg3[%dma_wait3A_740, %dma_wait3A_741] : memref<1000000x32xf32, #tpu.memory_space<hbm>> -> memref<1000000x32xf32, #tpu.memory_space<hbm>>
      tpu.wait_indirect_dma semaphore(%arg16 : memref<!tpu.dma_semaphore, #tpu.memory_space<semaphore_mem>>) src(%dma_wait3A_742 : memref<1000000x32xf32, #tpu.memory_space<hbm>>) dst(%dma_wait3A_736 : memref<128x32xf32, #tpu.memory_space<vmem>>)
      %dma_wait3A_743 = arith.constant 3 : i32
      %dma_wait3A_744 = arith.constant 384 : i32
      %dma_wait3A_745 = arith.constant 0 : i32
      %dma_wait3A_746 = tpu.memref_slice %arg8[%dma_wait3A_744, %dma_wait3A_745] : memref<512x32xf32, #tpu.memory_space<vmem>> -> memref<128x32xf32, #tpu.memory_space<vmem>>
      %dma_wait3A_747 = arith.constant 0 : i32
      %dma_wait3A_748 = tpu.memref_slice %arg6[%dma_wait3A_743, %dma_wait3A_747] : memref<4x128xi32, #tpu.memory_space<vmem>> -> memref<1x128xi32, #tpu.memory_space<vmem>>
      %dma_wait3A_749 = tpu.memref_squeeze %dma_wait3A_748 : memref<1x128xi32, #tpu.memory_space<vmem>> -> memref<128xi32, #tpu.memory_space<vmem>>
      %dma_wait3A_750 = arith.constant 0 : i32
      %dma_wait3A_751 = arith.constant 0 : i32
      %dma_wait3A_752 = tpu.memref_slice %arg3[%dma_wait3A_750, %dma_wait3A_751] : memref<1000000x32xf32, #tpu.memory_space<hbm>> -> memref<1000000x32xf32, #tpu.memory_space<hbm>>
      tpu.wait_indirect_dma semaphore(%arg16 : memref<!tpu.dma_semaphore, #tpu.memory_space<semaphore_mem>>) src(%dma_wait3A_752 : memref<1000000x32xf32, #tpu.memory_space<hbm>>) dst(%dma_wait3A_746 : memref<128x32xf32, #tpu.memory_space<vmem>>)
      %mul3A_753 = arith.constant 2 : i32
      %mul3A_754 = arith.muli %mul3A_753, %scan3A_456 : i32
      %add3A_755 = arith.constant 1 : i32
      %add3A_756 = arith.addi %mul3A_754, %add3A_755 : i32
      %add3A_757 = arith.constant 2 : i32
      %add3A_758 = arith.addi %add3A_756, %add3A_757 : i32
      %lt3A_759 = arith.constant 50 : i32
      %lt3A_760 = arith.cmpi slt, %add3A_758, %lt3A_759 : i32
      %convert_element_type3A_761 = arith.extui %lt3A_760 : i1 to i32
      %cond3A_762 = arith.constant 0 : i32
      %cond3A_763 = arith.cmpi ne, %convert_element_type3A_761, %cond3A_762 : i32
      scf.if %cond3A_763 {
        %jit3A_954 = arith.constant 8 : i32
        %div3A_955 = arith.divsi %add3A_712, %jit3A_954 : i32
        %sign3A_956 = arith.constant 0 : i32
        %sign3A_957 = arith.cmpi sgt, %add3A_712, %sign3A_956 : i32
        %sign3A_958 = arith.extui %sign3A_957 : i1 to i32
        %sign3A_959 = arith.constant 0 : i32
        %sign3A_960 = arith.cmpi slt, %add3A_712, %sign3A_959 : i32
        %sign3A_961 = arith.extui %sign3A_960 : i1 to i32
        %sign3A_962 = arith.subi %sign3A_958, %sign3A_961 : i32
        %sign3A_963 = arith.constant 0 : i32
        %sign3A_964 = arith.cmpi sgt, %jit3A_954, %sign3A_963 : i32
        %sign3A_965 = arith.extui %sign3A_964 : i1 to i32
        %sign3A_966 = arith.constant 0 : i32
        %sign3A_967 = arith.cmpi slt, %jit3A_954, %sign3A_966 : i32
        %sign3A_968 = arith.extui %sign3A_967 : i1 to i32
        %sign3A_969 = arith.subi %sign3A_965, %sign3A_968 : i32
        %ne3A_970 = arith.cmpi ne, %sign3A_962, %sign3A_969 : i32
        %rem3A_971 = arith.remsi %add3A_712, %jit3A_954 : i32
        %ne3A_972 = arith.constant 0 : i32
        %ne3A_973 = arith.cmpi ne, %rem3A_971, %ne3A_972 : i32
        %and3A_974 = arith.andi %ne3A_970, %ne3A_973 : i1
        %sub3A_975 = arith.constant 1 : i32
        %sub3A_976 = arith.subi %div3A_955, %sub3A_975 : i32
        %select_n3A_977 = arith.select %and3A_974, %sub3A_976, %div3A_955 : i32
        %jit3A_978 = arith.constant 8 : i32
        %eq3A_979 = arith.constant 0 : i32
        %eq3A_980 = arith.cmpi eq, %jit3A_978, %eq3A_979 : i32
        %jit3A_981 = arith.constant 1 : i32
        %select_n3A_982 = arith.select %eq3A_980, %jit3A_981, %jit3A_978 : i32
        %rem3A_983 = arith.remsi %add3A_712, %select_n3A_982 : i32
        %ne3A_984 = arith.constant 0 : i32
        %ne3A_985 = arith.cmpi ne, %rem3A_983, %ne3A_984 : i32
        %lt3A_986 = arith.constant 0 : i32
        %lt3A_987 = arith.cmpi slt, %rem3A_983, %lt3A_986 : i32
        %lt3A_988 = arith.constant 0 : i32
        %lt3A_989 = arith.cmpi slt, %select_n3A_982, %lt3A_988 : i32
        %ne3A_990 = arith.xori %lt3A_987, %lt3A_989 : i1
        %and3A_991 = arith.andi %ne3A_990, %ne3A_985 : i1
        %add3A_992 = arith.addi %rem3A_983, %select_n3A_982 : i32
        %select_n3A_993 = arith.select %and3A_991, %add3A_992, %rem3A_983 : i32
        %mul3A_994 = arith.constant 4 : i32
        %mul3A_995 = arith.muli %select_n3A_993, %mul3A_994 : i32
        %jit3A_996 = arith.constant 8 : i32
        %div3A_997 = arith.divsi %select_n3A_977, %jit3A_996 : i32
        %sign3A_998 = arith.constant 0 : i32
        %sign3A_999 = arith.cmpi sgt, %select_n3A_977, %sign3A_998 : i32
        %sign3A_1000 = arith.extui %sign3A_999 : i1 to i32
        %sign3A_1001 = arith.constant 0 : i32
        %sign3A_1002 = arith.cmpi slt, %select_n3A_977, %sign3A_1001 : i32
        %sign3A_1003 = arith.extui %sign3A_1002 : i1 to i32
        %sign3A_1004 = arith.subi %sign3A_1000, %sign3A_1003 : i32
        %sign3A_1005 = arith.constant 0 : i32
        %sign3A_1006 = arith.cmpi sgt, %jit3A_996, %sign3A_1005 : i32
        %sign3A_1007 = arith.extui %sign3A_1006 : i1 to i32
        %sign3A_1008 = arith.constant 0 : i32
        %sign3A_1009 = arith.cmpi slt, %jit3A_996, %sign3A_1008 : i32
        %sign3A_1010 = arith.extui %sign3A_1009 : i1 to i32
        %sign3A_1011 = arith.subi %sign3A_1007, %sign3A_1010 : i32
        %ne3A_1012 = arith.cmpi ne, %sign3A_1004, %sign3A_1011 : i32
        %rem3A_1013 = arith.remsi %select_n3A_977, %jit3A_996 : i32
        %ne3A_1014 = arith.constant 0 : i32
        %ne3A_1015 = arith.cmpi ne, %rem3A_1013, %ne3A_1014 : i32
        %and3A_1016 = arith.andi %ne3A_1012, %ne3A_1015 : i1
        %sub3A_1017 = arith.constant 1 : i32
        %sub3A_1018 = arith.subi %div3A_997, %sub3A_1017 : i32
        %select_n3A_1019 = arith.select %and3A_1016, %sub3A_1018, %div3A_997 : i32
        %jit3A_1020 = arith.constant 8 : i32
        %eq3A_1021 = arith.constant 0 : i32
        %eq3A_1022 = arith.cmpi eq, %jit3A_1020, %eq3A_1021 : i32
        %jit3A_1023 = arith.constant 1 : i32
        %select_n3A_1024 = arith.select %eq3A_1022, %jit3A_1023, %jit3A_1020 : i32
        %rem3A_1025 = arith.remsi %select_n3A_977, %select_n3A_1024 : i32
        %ne3A_1026 = arith.constant 0 : i32
        %ne3A_1027 = arith.cmpi ne, %rem3A_1025, %ne3A_1026 : i32
        %lt3A_1028 = arith.constant 0 : i32
        %lt3A_1029 = arith.cmpi slt, %rem3A_1025, %lt3A_1028 : i32
        %lt3A_1030 = arith.constant 0 : i32
        %lt3A_1031 = arith.cmpi slt, %select_n3A_1024, %lt3A_1030 : i32
        %ne3A_1032 = arith.xori %lt3A_1029, %lt3A_1031 : i1
        %and3A_1033 = arith.andi %ne3A_1032, %ne3A_1027 : i1
        %add3A_1034 = arith.addi %rem3A_1025, %select_n3A_1024 : i32
        %select_n3A_1035 = arith.select %and3A_1033, %add3A_1034, %rem3A_1025 : i32
        %add3A_1036 = arith.constant 0 : i32
        %add3A_1037 = arith.addi %mul3A_995, %add3A_1036 : i32
        %dma_start3A_1038 = arith.constant 0 : i32
        %dma_start3A_1039 = arith.constant 0 : i32
        %dma_start3A_1040 = tpu.memref_slice %arg6[%dma_start3A_1038, %dma_start3A_1039] : memref<4x128xi32, #tpu.memory_space<vmem>> -> memref<1x128xi32, #tpu.memory_space<vmem>>
        %dma_start3A_1041 = tpu.memref_squeeze %dma_start3A_1040 : memref<1x128xi32, #tpu.memory_space<vmem>> -> memref<128xi32, #tpu.memory_space<vmem>>
        %dma_start3A_1042 = arith.constant 0 : i32
        %dma_start3A_1043 = tpu.memref_slice %arg2[%select_n3A_1019, %add3A_1037, %select_n3A_1035, %dma_start3A_1042] : memref<25x32x8x128xi32, #tpu.memory_space<hbm>> -> memref<1x1x1x128xi32, #tpu.memory_space<hbm>>
        %dma_start3A_1044 = tpu.memref_squeeze %dma_start3A_1043 : memref<1x1x1x128xi32, #tpu.memory_space<hbm>> -> memref<128xi32, #tpu.memory_space<hbm>>
        %dma_start3A_1045 = arith.constant 0 : i32
        %dma_start3A_1046 = tpu.memref_slice %arg6[%dma_start3A_1038, %dma_start3A_1045] : memref<4x128xi32, #tpu.memory_space<vmem>> -> memref<1x128xi32, #tpu.memory_space<vmem>>
        %dma_start3A_1047 = tpu.memref_squeeze %dma_start3A_1046 : memref<1x128xi32, #tpu.memory_space<vmem>> -> memref<128xi32, #tpu.memory_space<vmem>>
        %dma_start3A_1048 = arith.constant 0 : i32
        %dma_start3A_1049 = tpu.memref_slice %arg2[%select_n3A_1019, %add3A_1037, %select_n3A_1035, %dma_start3A_1048] : memref<25x32x8x128xi32, #tpu.memory_space<hbm>> -> memref<1x1x1x128xi32, #tpu.memory_space<hbm>>
        %dma_start3A_1050 = tpu.memref_squeeze %dma_start3A_1049 : memref<1x1x1x128xi32, #tpu.memory_space<hbm>> -> memref<128xi32, #tpu.memory_space<hbm>>
        tpu.enqueue_dma source(%dma_start3A_1050 : memref<128xi32, #tpu.memory_space<hbm>>) target(%dma_start3A_1047 : memref<128xi32, #tpu.memory_space<vmem>>) target_semaphore(%arg14 : memref<!tpu.dma_semaphore, #tpu.memory_space<semaphore_mem>>)
        %add3A_1051 = arith.constant 1 : i32
        %add3A_1052 = arith.addi %mul3A_995, %add3A_1051 : i32
        %dma_start3A_1053 = arith.constant 1 : i32
        %dma_start3A_1054 = arith.constant 0 : i32
        %dma_start3A_1055 = tpu.memref_slice %arg6[%dma_start3A_1053, %dma_start3A_1054] : memref<4x128xi32, #tpu.memory_space<vmem>> -> memref<1x128xi32, #tpu.memory_space<vmem>>
        %dma_start3A_1056 = tpu.memref_squeeze %dma_start3A_1055 : memref<1x128xi32, #tpu.memory_space<vmem>> -> memref<128xi32, #tpu.memory_space<vmem>>
        %dma_start3A_1057 = arith.constant 0 : i32
        %dma_start3A_1058 = tpu.memref_slice %arg2[%select_n3A_1019, %add3A_1052, %select_n3A_1035, %dma_start3A_1057] : memref<25x32x8x128xi32, #tpu.memory_space<hbm>> -> memref<1x1x1x128xi32, #tpu.memory_space<hbm>>
        %dma_start3A_1059 = tpu.memref_squeeze %dma_start3A_1058 : memref<1x1x1x128xi32, #tpu.memory_space<hbm>> -> memref<128xi32, #tpu.memory_space<hbm>>
        %dma_start3A_1060 = arith.constant 0 : i32
        %dma_start3A_1061 = tpu.memref_slice %arg6[%dma_start3A_1053, %dma_start3A_1060] : memref<4x128xi32, #tpu.memory_space<vmem>> -> memref<1x128xi32, #tpu.memory_space<vmem>>
        %dma_start3A_1062 = tpu.memref_squeeze %dma_start3A_1061 : memref<1x128xi32, #tpu.memory_space<vmem>> -> memref<128xi32, #tpu.memory_space<vmem>>
        %dma_start3A_1063 = arith.constant 0 : i32
        %dma_start3A_1064 = tpu.memref_slice %arg2[%select_n3A_1019, %add3A_1052, %select_n3A_1035, %dma_start3A_1063] : memref<25x32x8x128xi32, #tpu.memory_space<hbm>> -> memref<1x1x1x128xi32, #tpu.memory_space<hbm>>
        %dma_start3A_1065 = tpu.memref_squeeze %dma_start3A_1064 : memref<1x1x1x128xi32, #tpu.memory_space<hbm>> -> memref<128xi32, #tpu.memory_space<hbm>>
        tpu.enqueue_dma source(%dma_start3A_1065 : memref<128xi32, #tpu.memory_space<hbm>>) target(%dma_start3A_1062 : memref<128xi32, #tpu.memory_space<vmem>>) target_semaphore(%arg14 : memref<!tpu.dma_semaphore, #tpu.memory_space<semaphore_mem>>)
        %add3A_1066 = arith.constant 2 : i32
        %add3A_1067 = arith.addi %mul3A_995, %add3A_1066 : i32
        %dma_start3A_1068 = arith.constant 2 : i32
        %dma_start3A_1069 = arith.constant 0 : i32
        %dma_start3A_1070 = tpu.memref_slice %arg6[%dma_start3A_1068, %dma_start3A_1069] : memref<4x128xi32, #tpu.memory_space<vmem>> -> memref<1x128xi32, #tpu.memory_space<vmem>>
        %dma_start3A_1071 = tpu.memref_squeeze %dma_start3A_1070 : memref<1x128xi32, #tpu.memory_space<vmem>> -> memref<128xi32, #tpu.memory_space<vmem>>
        %dma_start3A_1072 = arith.constant 0 : i32
        %dma_start3A_1073 = tpu.memref_slice %arg2[%select_n3A_1019, %add3A_1067, %select_n3A_1035, %dma_start3A_1072] : memref<25x32x8x128xi32, #tpu.memory_space<hbm>> -> memref<1x1x1x128xi32, #tpu.memory_space<hbm>>
        %dma_start3A_1074 = tpu.memref_squeeze %dma_start3A_1073 : memref<1x1x1x128xi32, #tpu.memory_space<hbm>> -> memref<128xi32, #tpu.memory_space<hbm>>
        %dma_start3A_1075 = arith.constant 0 : i32
        %dma_start3A_1076 = tpu.memref_slice %arg6[%dma_start3A_1068, %dma_start3A_1075] : memref<4x128xi32, #tpu.memory_space<vmem>> -> memref<1x128xi32, #tpu.memory_space<vmem>>
        %dma_start3A_1077 = tpu.memref_squeeze %dma_start3A_1076 : memref<1x128xi32, #tpu.memory_space<vmem>> -> memref<128xi32, #tpu.memory_space<vmem>>
        %dma_start3A_1078 = arith.constant 0 : i32
        %dma_start3A_1079 = tpu.memref_slice %arg2[%select_n3A_1019, %add3A_1067, %select_n3A_1035, %dma_start3A_1078] : memref<25x32x8x128xi32, #tpu.memory_space<hbm>> -> memref<1x1x1x128xi32, #tpu.memory_space<hbm>>
        %dma_start3A_1080 = tpu.memref_squeeze %dma_start3A_1079 : memref<1x1x1x128xi32, #tpu.memory_space<hbm>> -> memref<128xi32, #tpu.memory_space<hbm>>
        tpu.enqueue_dma source(%dma_start3A_1080 : memref<128xi32, #tpu.memory_space<hbm>>) target(%dma_start3A_1077 : memref<128xi32, #tpu.memory_space<vmem>>) target_semaphore(%arg14 : memref<!tpu.dma_semaphore, #tpu.memory_space<semaphore_mem>>)
        %add3A_1081 = arith.constant 3 : i32
        %add3A_1082 = arith.addi %mul3A_995, %add3A_1081 : i32
        %dma_start3A_1083 = arith.constant 3 : i32
        %dma_start3A_1084 = arith.constant 0 : i32
        %dma_start3A_1085 = tpu.memref_slice %arg6[%dma_start3A_1083, %dma_start3A_1084] : memref<4x128xi32, #tpu.memory_space<vmem>> -> memref<1x128xi32, #tpu.memory_space<vmem>>
        %dma_start3A_1086 = tpu.memref_squeeze %dma_start3A_1085 : memref<1x128xi32, #tpu.memory_space<vmem>> -> memref<128xi32, #tpu.memory_space<vmem>>
        %dma_start3A_1087 = arith.constant 0 : i32
        %dma_start3A_1088 = tpu.memref_slice %arg2[%select_n3A_1019, %add3A_1082, %select_n3A_1035, %dma_start3A_1087] : memref<25x32x8x128xi32, #tpu.memory_space<hbm>> -> memref<1x1x1x128xi32, #tpu.memory_space<hbm>>
        %dma_start3A_1089 = tpu.memref_squeeze %dma_start3A_1088 : memref<1x1x1x128xi32, #tpu.memory_space<hbm>> -> memref<128xi32, #tpu.memory_space<hbm>>
        %dma_start3A_1090 = arith.constant 0 : i32
        %dma_start3A_1091 = tpu.memref_slice %arg6[%dma_start3A_1083, %dma_start3A_1090] : memref<4x128xi32, #tpu.memory_space<vmem>> -> memref<1x128xi32, #tpu.memory_space<vmem>>
        %dma_start3A_1092 = tpu.memref_squeeze %dma_start3A_1091 : memref<1x128xi32, #tpu.memory_space<vmem>> -> memref<128xi32, #tpu.memory_space<vmem>>
        %dma_start3A_1093 = arith.constant 0 : i32
        %dma_start3A_1094 = tpu.memref_slice %arg2[%select_n3A_1019, %add3A_1082, %select_n3A_1035, %dma_start3A_1093] : memref<25x32x8x128xi32, #tpu.memory_space<hbm>> -> memref<1x1x1x128xi32, #tpu.memory_space<hbm>>
        %dma_start3A_1095 = tpu.memref_squeeze %dma_start3A_1094 : memref<1x1x1x128xi32, #tpu.memory_space<hbm>> -> memref<128xi32, #tpu.memory_space<hbm>>
        tpu.enqueue_dma source(%dma_start3A_1095 : memref<128xi32, #tpu.memory_space<hbm>>) target(%dma_start3A_1092 : memref<128xi32, #tpu.memory_space<vmem>>) target_semaphore(%arg14 : memref<!tpu.dma_semaphore, #tpu.memory_space<semaphore_mem>>)
      } else {
      }
      %gt3A_764 = arith.constant 0 : i32
      %gt3A_765 = arith.cmpi sgt, %scan3A_456, %gt3A_764 : i32
      %convert_element_type3A_766 = arith.extui %gt3A_765 : i1 to i32
      %cond3A_767 = arith.constant 0 : i32
      %cond3A_768 = arith.cmpi ne, %convert_element_type3A_766, %cond3A_767 : i32
      scf.if %cond3A_768 {
        %dma_wait3A_954 = arith.constant 0 : i32
        %dma_wait3A_955 = arith.constant 0 : i32
        %dma_wait3A_956 = arith.constant 0 : i32
        %dma_wait3A_957 = arith.constant 0 : i32
        %dma_wait3A_958 = arith.constant 0 : i32
        %dma_wait3A_959 = arith.constant 0 : i32
        %dma_wait3A_960 = tpu.memref_slice %arg12[%dma_wait3A_954, %dma_wait3A_957, %dma_wait3A_958, %dma_wait3A_959] : memref<4x4x8x128xf32, #tpu.memory_space<vmem>> -> memref<1x4x8x128xf32, #tpu.memory_space<vmem>>
        %dma_wait3A_961 = tpu.memref_squeeze %dma_wait3A_960 : memref<1x4x8x128xf32, #tpu.memory_space<vmem>> -> memref<4x8x128xf32, #tpu.memory_space<vmem>>
        %dma_wait3A_962 = arith.constant 0 : i32
        %dma_wait3A_963 = arith.constant 0 : i32
        %dma_wait3A_964 = arith.constant 0 : i32
        %dma_wait3A_965 = tpu.memref_slice %arg4[%dma_wait3A_955, %dma_wait3A_956, %dma_wait3A_962, %dma_wait3A_963, %dma_wait3A_964] : memref<200x4x32x8x128xf32, #tpu.memory_space<hbm>> -> memref<1x1x4x8x128xf32, #tpu.memory_space<hbm>>
        %dma_wait3A_966 = tpu.memref_squeeze %dma_wait3A_965 : memref<1x1x4x8x128xf32, #tpu.memory_space<hbm>> -> memref<4x8x128xf32, #tpu.memory_space<hbm>>
        %dma_wait3A_967 = arith.constant 0 : i32
        %dma_wait3A_968 = arith.constant 0 : i32
        %dma_wait3A_969 = arith.constant 0 : i32
        %dma_wait3A_970 = tpu.memref_slice %arg4[%dma_wait3A_955, %dma_wait3A_956, %dma_wait3A_967, %dma_wait3A_968, %dma_wait3A_969] : memref<200x4x32x8x128xf32, #tpu.memory_space<hbm>> -> memref<1x1x4x8x128xf32, #tpu.memory_space<hbm>>
        %dma_wait3A_971 = tpu.memref_squeeze %dma_wait3A_970 : memref<1x1x4x8x128xf32, #tpu.memory_space<hbm>> -> memref<4x8x128xf32, #tpu.memory_space<hbm>>
        %dma_wait3A_972 = arith.constant 0 : i32
        %dma_wait3A_973 = arith.constant 0 : i32
        %dma_wait3A_974 = arith.constant 0 : i32
        %dma_wait3A_975 = tpu.memref_slice %arg12[%dma_wait3A_954, %dma_wait3A_972, %dma_wait3A_973, %dma_wait3A_974] : memref<4x4x8x128xf32, #tpu.memory_space<vmem>> -> memref<1x4x8x128xf32, #tpu.memory_space<vmem>>
        %dma_wait3A_976 = tpu.memref_squeeze %dma_wait3A_975 : memref<1x4x8x128xf32, #tpu.memory_space<vmem>> -> memref<4x8x128xf32, #tpu.memory_space<vmem>>
        tpu.wait_dma2 semaphore(%arg18 : memref<!tpu.dma_semaphore, #tpu.memory_space<semaphore_mem>>) src(%dma_wait3A_976 : memref<4x8x128xf32, #tpu.memory_space<vmem>>) dst(%dma_wait3A_971 : memref<4x8x128xf32, #tpu.memory_space<hbm>>)
        %dma_wait3A_977 = arith.constant 1 : i32
        %dma_wait3A_978 = arith.constant 0 : i32
        %dma_wait3A_979 = arith.constant 1 : i32
        %dma_wait3A_980 = arith.constant 0 : i32
        %dma_wait3A_981 = arith.constant 0 : i32
        %dma_wait3A_982 = arith.constant 0 : i32
        %dma_wait3A_983 = tpu.memref_slice %arg12[%dma_wait3A_977, %dma_wait3A_980, %dma_wait3A_981, %dma_wait3A_982] : memref<4x4x8x128xf32, #tpu.memory_space<vmem>> -> memref<1x4x8x128xf32, #tpu.memory_space<vmem>>
        %dma_wait3A_984 = tpu.memref_squeeze %dma_wait3A_983 : memref<1x4x8x128xf32, #tpu.memory_space<vmem>> -> memref<4x8x128xf32, #tpu.memory_space<vmem>>
        %dma_wait3A_985 = arith.constant 0 : i32
        %dma_wait3A_986 = arith.constant 0 : i32
        %dma_wait3A_987 = arith.constant 0 : i32
        %dma_wait3A_988 = tpu.memref_slice %arg4[%dma_wait3A_978, %dma_wait3A_979, %dma_wait3A_985, %dma_wait3A_986, %dma_wait3A_987] : memref<200x4x32x8x128xf32, #tpu.memory_space<hbm>> -> memref<1x1x4x8x128xf32, #tpu.memory_space<hbm>>
        %dma_wait3A_989 = tpu.memref_squeeze %dma_wait3A_988 : memref<1x1x4x8x128xf32, #tpu.memory_space<hbm>> -> memref<4x8x128xf32, #tpu.memory_space<hbm>>
        %dma_wait3A_990 = arith.constant 0 : i32
        %dma_wait3A_991 = arith.constant 0 : i32
        %dma_wait3A_992 = arith.constant 0 : i32
        %dma_wait3A_993 = tpu.memref_slice %arg4[%dma_wait3A_978, %dma_wait3A_979, %dma_wait3A_990, %dma_wait3A_991, %dma_wait3A_992] : memref<200x4x32x8x128xf32, #tpu.memory_space<hbm>> -> memref<1x1x4x8x128xf32, #tpu.memory_space<hbm>>
        %dma_wait3A_994 = tpu.memref_squeeze %dma_wait3A_993 : memref<1x1x4x8x128xf32, #tpu.memory_space<hbm>> -> memref<4x8x128xf32, #tpu.memory_space<hbm>>
        %dma_wait3A_995 = arith.constant 0 : i32
        %dma_wait3A_996 = arith.constant 0 : i32
        %dma_wait3A_997 = arith.constant 0 : i32
        %dma_wait3A_998 = tpu.memref_slice %arg12[%dma_wait3A_977, %dma_wait3A_995, %dma_wait3A_996, %dma_wait3A_997] : memref<4x4x8x128xf32, #tpu.memory_space<vmem>> -> memref<1x4x8x128xf32, #tpu.memory_space<vmem>>
        %dma_wait3A_999 = tpu.memref_squeeze %dma_wait3A_998 : memref<1x4x8x128xf32, #tpu.memory_space<vmem>> -> memref<4x8x128xf32, #tpu.memory_space<vmem>>
        tpu.wait_dma2 semaphore(%arg18 : memref<!tpu.dma_semaphore, #tpu.memory_space<semaphore_mem>>) src(%dma_wait3A_999 : memref<4x8x128xf32, #tpu.memory_space<vmem>>) dst(%dma_wait3A_994 : memref<4x8x128xf32, #tpu.memory_space<hbm>>)
        %dma_wait3A_1000 = arith.constant 2 : i32
        %dma_wait3A_1001 = arith.constant 0 : i32
        %dma_wait3A_1002 = arith.constant 2 : i32
        %dma_wait3A_1003 = arith.constant 0 : i32
        %dma_wait3A_1004 = arith.constant 0 : i32
        %dma_wait3A_1005 = arith.constant 0 : i32
        %dma_wait3A_1006 = tpu.memref_slice %arg12[%dma_wait3A_1000, %dma_wait3A_1003, %dma_wait3A_1004, %dma_wait3A_1005] : memref<4x4x8x128xf32, #tpu.memory_space<vmem>> -> memref<1x4x8x128xf32, #tpu.memory_space<vmem>>
        %dma_wait3A_1007 = tpu.memref_squeeze %dma_wait3A_1006 : memref<1x4x8x128xf32, #tpu.memory_space<vmem>> -> memref<4x8x128xf32, #tpu.memory_space<vmem>>
        %dma_wait3A_1008 = arith.constant 0 : i32
        %dma_wait3A_1009 = arith.constant 0 : i32
        %dma_wait3A_1010 = arith.constant 0 : i32
        %dma_wait3A_1011 = tpu.memref_slice %arg4[%dma_wait3A_1001, %dma_wait3A_1002, %dma_wait3A_1008, %dma_wait3A_1009, %dma_wait3A_1010] : memref<200x4x32x8x128xf32, #tpu.memory_space<hbm>> -> memref<1x1x4x8x128xf32, #tpu.memory_space<hbm>>
        %dma_wait3A_1012 = tpu.memref_squeeze %dma_wait3A_1011 : memref<1x1x4x8x128xf32, #tpu.memory_space<hbm>> -> memref<4x8x128xf32, #tpu.memory_space<hbm>>
        %dma_wait3A_1013 = arith.constant 0 : i32
        %dma_wait3A_1014 = arith.constant 0 : i32
        %dma_wait3A_1015 = arith.constant 0 : i32
        %dma_wait3A_1016 = tpu.memref_slice %arg4[%dma_wait3A_1001, %dma_wait3A_1002, %dma_wait3A_1013, %dma_wait3A_1014, %dma_wait3A_1015] : memref<200x4x32x8x128xf32, #tpu.memory_space<hbm>> -> memref<1x1x4x8x128xf32, #tpu.memory_space<hbm>>
        %dma_wait3A_1017 = tpu.memref_squeeze %dma_wait3A_1016 : memref<1x1x4x8x128xf32, #tpu.memory_space<hbm>> -> memref<4x8x128xf32, #tpu.memory_space<hbm>>
        %dma_wait3A_1018 = arith.constant 0 : i32
        %dma_wait3A_1019 = arith.constant 0 : i32
        %dma_wait3A_1020 = arith.constant 0 : i32
        %dma_wait3A_1021 = tpu.memref_slice %arg12[%dma_wait3A_1000, %dma_wait3A_1018, %dma_wait3A_1019, %dma_wait3A_1020] : memref<4x4x8x128xf32, #tpu.memory_space<vmem>> -> memref<1x4x8x128xf32, #tpu.memory_space<vmem>>
        %dma_wait3A_1022 = tpu.memref_squeeze %dma_wait3A_1021 : memref<1x4x8x128xf32, #tpu.memory_space<vmem>> -> memref<4x8x128xf32, #tpu.memory_space<vmem>>
        tpu.wait_dma2 semaphore(%arg18 : memref<!tpu.dma_semaphore, #tpu.memory_space<semaphore_mem>>) src(%dma_wait3A_1022 : memref<4x8x128xf32, #tpu.memory_space<vmem>>) dst(%dma_wait3A_1017 : memref<4x8x128xf32, #tpu.memory_space<hbm>>)
        %dma_wait3A_1023 = arith.constant 3 : i32
        %dma_wait3A_1024 = arith.constant 0 : i32
        %dma_wait3A_1025 = arith.constant 3 : i32
        %dma_wait3A_1026 = arith.constant 0 : i32
        %dma_wait3A_1027 = arith.constant 0 : i32
        %dma_wait3A_1028 = arith.constant 0 : i32
        %dma_wait3A_1029 = tpu.memref_slice %arg12[%dma_wait3A_1023, %dma_wait3A_1026, %dma_wait3A_1027, %dma_wait3A_1028] : memref<4x4x8x128xf32, #tpu.memory_space<vmem>> -> memref<1x4x8x128xf32, #tpu.memory_space<vmem>>
        %dma_wait3A_1030 = tpu.memref_squeeze %dma_wait3A_1029 : memref<1x4x8x128xf32, #tpu.memory_space<vmem>> -> memref<4x8x128xf32, #tpu.memory_space<vmem>>
        %dma_wait3A_1031 = arith.constant 0 : i32
        %dma_wait3A_1032 = arith.constant 0 : i32
        %dma_wait3A_1033 = arith.constant 0 : i32
        %dma_wait3A_1034 = tpu.memref_slice %arg4[%dma_wait3A_1024, %dma_wait3A_1025, %dma_wait3A_1031, %dma_wait3A_1032, %dma_wait3A_1033] : memref<200x4x32x8x128xf32, #tpu.memory_space<hbm>> -> memref<1x1x4x8x128xf32, #tpu.memory_space<hbm>>
        %dma_wait3A_1035 = tpu.memref_squeeze %dma_wait3A_1034 : memref<1x1x4x8x128xf32, #tpu.memory_space<hbm>> -> memref<4x8x128xf32, #tpu.memory_space<hbm>>
        %dma_wait3A_1036 = arith.constant 0 : i32
        %dma_wait3A_1037 = arith.constant 0 : i32
        %dma_wait3A_1038 = arith.constant 0 : i32
        %dma_wait3A_1039 = tpu.memref_slice %arg4[%dma_wait3A_1024, %dma_wait3A_1025, %dma_wait3A_1036, %dma_wait3A_1037, %dma_wait3A_1038] : memref<200x4x32x8x128xf32, #tpu.memory_space<hbm>> -> memref<1x1x4x8x128xf32, #tpu.memory_space<hbm>>
        %dma_wait3A_1040 = tpu.memref_squeeze %dma_wait3A_1039 : memref<1x1x4x8x128xf32, #tpu.memory_space<hbm>> -> memref<4x8x128xf32, #tpu.memory_space<hbm>>
        %dma_wait3A_1041 = arith.constant 0 : i32
        %dma_wait3A_1042 = arith.constant 0 : i32
        %dma_wait3A_1043 = arith.constant 0 : i32
        %dma_wait3A_1044 = tpu.memref_slice %arg12[%dma_wait3A_1023, %dma_wait3A_1041, %dma_wait3A_1042, %dma_wait3A_1043] : memref<4x4x8x128xf32, #tpu.memory_space<vmem>> -> memref<1x4x8x128xf32, #tpu.memory_space<vmem>>
        %dma_wait3A_1045 = tpu.memref_squeeze %dma_wait3A_1044 : memref<1x4x8x128xf32, #tpu.memory_space<vmem>> -> memref<4x8x128xf32, #tpu.memory_space<vmem>>
        tpu.wait_dma2 semaphore(%arg18 : memref<!tpu.dma_semaphore, #tpu.memory_space<semaphore_mem>>) src(%dma_wait3A_1045 : memref<4x8x128xf32, #tpu.memory_space<vmem>>) dst(%dma_wait3A_1040 : memref<4x8x128xf32, #tpu.memory_space<hbm>>)
      } else {
      }
      %scan3A_769 = arith.constant 0 : i32
      %scan3A_770 = arith.constant 0 : i32
      %scan3A_771 = arith.constant 128 : i32
      %scan3A_772 = arith.addi %scan3A_770, %scan3A_771 : i32
      %scan3A_773 = arith.constant 1 : i32
      scf.for %scan3A_954 = %scan3A_770 to %scan3A_772 step %scan3A_773  : i32 {
        %mul3A_955 = arith.constant 4 : i32
        %mul3A_956 = arith.muli %scan3A_954, %mul3A_955 : i32
        %add3A_957 = arith.constant 0 : i32
        %add3A_958 = arith.addi %mul3A_956, %add3A_957 : i32
        %mul3A_959 = arith.constant 33 : i32
        %mul3A_960 = arith.muli %add3A_958, %mul3A_959 : i32
        %get3A = arith.index_cast %add3A_958 : i32 to index
        %get3A_961 = arith.constant 0 : index
        %get3A_962 = tpu.vector_load %arg8[%get3A, %get3A_961] {strides = array<i32>} : memref<512x32xf32, #tpu.memory_space<vmem>>, vector<16xf32>,
        %swap3A = arith.index_cast %mul3A_960 : i32 to index
        %swap3A_963 = tpu.vector_load %arg10[%swap3A] {strides = array<i32>} : memref<16896xf32, #tpu.memory_space<vmem>>, vector<16xf32>,
        tpu.vector_store %arg10[%swap3A], %get3A_962 {strides = array<i32>} : memref<16896xf32, #tpu.memory_space<vmem>>, vector<16xf32>,
        %get3A_964 = arith.index_cast %add3A_958 : i32 to index
        %get3A_965 = arith.constant 16 : index
        %get3A_966 = tpu.vector_load %arg8[%get3A_964, %get3A_965] {strides = array<i32>} : memref<512x32xf32, #tpu.memory_space<vmem>>, vector<16xf32>,
        %add3A_967 = arith.constant 16 : i32
        %add3A_968 = arith.addi %mul3A_960, %add3A_967 : i32
        %swap3A_969 = arith.index_cast %add3A_968 : i32 to index
        %swap3A_970 = tpu.vector_load %arg10[%swap3A_969] {strides = array<i32>} : memref<16896xf32, #tpu.memory_space<vmem>>, vector<16xf32>,
        tpu.vector_store %arg10[%swap3A_969], %get3A_966 {strides = array<i32>} : memref<16896xf32, #tpu.memory_space<vmem>>, vector<16xf32>,
        %mul3A_971 = arith.constant 4 : i32
        %mul3A_972 = arith.muli %scan3A_954, %mul3A_971 : i32
        %add3A_973 = arith.constant 1 : i32
        %add3A_974 = arith.addi %mul3A_972, %add3A_973 : i32
        %mul3A_975 = arith.constant 33 : i32
        %mul3A_976 = arith.muli %add3A_974, %mul3A_975 : i32
        %get3A_977 = arith.index_cast %add3A_974 : i32 to index
        %get3A_978 = arith.constant 0 : index
        %get3A_979 = tpu.vector_load %arg8[%get3A_977, %get3A_978] {strides = array<i32>} : memref<512x32xf32, #tpu.memory_space<vmem>>, vector<16xf32>,
        %swap3A_980 = arith.index_cast %mul3A_976 : i32 to index
        %swap3A_981 = tpu.vector_load %arg10[%swap3A_980] {strides = array<i32>} : memref<16896xf32, #tpu.memory_space<vmem>>, vector<16xf32>,
        tpu.vector_store %arg10[%swap3A_980], %get3A_979 {strides = array<i32>} : memref<16896xf32, #tpu.memory_space<vmem>>, vector<16xf32>,
        %get3A_982 = arith.index_cast %add3A_974 : i32 to index
        %get3A_983 = arith.constant 16 : index
        %get3A_984 = tpu.vector_load %arg8[%get3A_982, %get3A_983] {strides = array<i32>} : memref<512x32xf32, #tpu.memory_space<vmem>>, vector<16xf32>,
        %add3A_985 = arith.constant 16 : i32
        %add3A_986 = arith.addi %mul3A_976, %add3A_985 : i32
        %swap3A_987 = arith.index_cast %add3A_986 : i32 to index
        %swap3A_988 = tpu.vector_load %arg10[%swap3A_987] {strides = array<i32>} : memref<16896xf32, #tpu.memory_space<vmem>>, vector<16xf32>,
        tpu.vector_store %arg10[%swap3A_987], %get3A_984 {strides = array<i32>} : memref<16896xf32, #tpu.memory_space<vmem>>, vector<16xf32>,
        %mul3A_989 = arith.constant 4 : i32
        %mul3A_990 = arith.muli %scan3A_954, %mul3A_989 : i32
        %add3A_991 = arith.constant 2 : i32
        %add3A_992 = arith.addi %mul3A_990, %add3A_991 : i32
        %mul3A_993 = arith.constant 33 : i32
        %mul3A_994 = arith.muli %add3A_992, %mul3A_993 : i32
        %get3A_995 = arith.index_cast %add3A_992 : i32 to index
        %get3A_996 = arith.constant 0 : index
        %get3A_997 = tpu.vector_load %arg8[%get3A_995, %get3A_996] {strides = array<i32>} : memref<512x32xf32, #tpu.memory_space<vmem>>, vector<16xf32>,
        %swap3A_998 = arith.index_cast %mul3A_994 : i32 to index
        %swap3A_999 = tpu.vector_load %arg10[%swap3A_998] {strides = array<i32>} : memref<16896xf32, #tpu.memory_space<vmem>>, vector<16xf32>,
        tpu.vector_store %arg10[%swap3A_998], %get3A_997 {strides = array<i32>} : memref<16896xf32, #tpu.memory_space<vmem>>, vector<16xf32>,
        %get3A_1000 = arith.index_cast %add3A_992 : i32 to index
        %get3A_1001 = arith.constant 16 : index
        %get3A_1002 = tpu.vector_load %arg8[%get3A_1000, %get3A_1001] {strides = array<i32>} : memref<512x32xf32, #tpu.memory_space<vmem>>, vector<16xf32>,
        %add3A_1003 = arith.constant 16 : i32
        %add3A_1004 = arith.addi %mul3A_994, %add3A_1003 : i32
        %swap3A_1005 = arith.index_cast %add3A_1004 : i32 to index
        %swap3A_1006 = tpu.vector_load %arg10[%swap3A_1005] {strides = array<i32>} : memref<16896xf32, #tpu.memory_space<vmem>>, vector<16xf32>,
        tpu.vector_store %arg10[%swap3A_1005], %get3A_1002 {strides = array<i32>} : memref<16896xf32, #tpu.memory_space<vmem>>, vector<16xf32>,
        %mul3A_1007 = arith.constant 4 : i32
        %mul3A_1008 = arith.muli %scan3A_954, %mul3A_1007 : i32
        %add3A_1009 = arith.constant 3 : i32
        %add3A_1010 = arith.addi %mul3A_1008, %add3A_1009 : i32
        %mul3A_1011 = arith.constant 33 : i32
        %mul3A_1012 = arith.muli %add3A_1010, %mul3A_1011 : i32
        %get3A_1013 = arith.index_cast %add3A_1010 : i32 to index
        %get3A_1014 = arith.constant 0 : index
        %get3A_1015 = tpu.vector_load %arg8[%get3A_1013, %get3A_1014] {strides = array<i32>} : memref<512x32xf32, #tpu.memory_space<vmem>>, vector<16xf32>,
        %swap3A_1016 = arith.index_cast %mul3A_1012 : i32 to index
        %swap3A_1017 = tpu.vector_load %arg10[%swap3A_1016] {strides = array<i32>} : memref<16896xf32, #tpu.memory_space<vmem>>, vector<16xf32>,
        tpu.vector_store %arg10[%swap3A_1016], %get3A_1015 {strides = array<i32>} : memref<16896xf32, #tpu.memory_space<vmem>>, vector<16xf32>,
        %get3A_1018 = arith.index_cast %add3A_1010 : i32 to index
        %get3A_1019 = arith.constant 16 : index
        %get3A_1020 = tpu.vector_load %arg8[%get3A_1018, %get3A_1019] {strides = array<i32>} : memref<512x32xf32, #tpu.memory_space<vmem>>, vector<16xf32>,
        %add3A_1021 = arith.constant 16 : i32
        %add3A_1022 = arith.addi %mul3A_1012, %add3A_1021 : i32
        %swap3A_1023 = arith.index_cast %add3A_1022 : i32 to index
        %swap3A_1024 = tpu.vector_load %arg10[%swap3A_1023] {strides = array<i32>} : memref<16896xf32, #tpu.memory_space<vmem>>, vector<16xf32>,
        tpu.vector_store %arg10[%swap3A_1023], %get3A_1020 {strides = array<i32>} : memref<16896xf32, #tpu.memory_space<vmem>>, vector<16xf32>,
      }
      %scan3A_774 = arith.constant 128 : i32
      %scan3A_775 = arith.constant 0 : i32
      %scan3A_776 = arith.constant 0 : i32
      %scan3A_777 = arith.constant 64 : i32
      %scan3A_778 = arith.addi %scan3A_776, %scan3A_777 : i32
      %scan3A_779 = arith.constant 1 : i32
      scf.for %scan3A_954 = %scan3A_776 to %scan3A_778 step %scan3A_779  : i32 {
        %jit3A_955 = arith.constant 8 : i32
        %div3A_956 = arith.divsi %scan3A_954, %jit3A_955 : i32
        %sign3A_957 = arith.constant 0 : i32
        %sign3A_958 = arith.cmpi sgt, %scan3A_954, %sign3A_957 : i32
        %sign3A_959 = arith.extui %sign3A_958 : i1 to i32
        %sign3A_960 = arith.constant 0 : i32
        %sign3A_961 = arith.cmpi slt, %scan3A_954, %sign3A_960 : i32
        %sign3A_962 = arith.extui %sign3A_961 : i1 to i32
        %sign3A_963 = arith.subi %sign3A_959, %sign3A_962 : i32
        %sign3A_964 = arith.constant 0 : i32
        %sign3A_965 = arith.cmpi sgt, %jit3A_955, %sign3A_964 : i32
        %sign3A_966 = arith.extui %sign3A_965 : i1 to i32
        %sign3A_967 = arith.constant 0 : i32
        %sign3A_968 = arith.cmpi slt, %jit3A_955, %sign3A_967 : i32
        %sign3A_969 = arith.extui %sign3A_968 : i1 to i32
        %sign3A_970 = arith.subi %sign3A_966, %sign3A_969 : i32
        %ne3A_971 = arith.cmpi ne, %sign3A_963, %sign3A_970 : i32
        %rem3A_972 = arith.remsi %scan3A_954, %jit3A_955 : i32
        %ne3A_973 = arith.constant 0 : i32
        %ne3A_974 = arith.cmpi ne, %rem3A_972, %ne3A_973 : i32
        %and3A_975 = arith.andi %ne3A_971, %ne3A_974 : i1
        %sub3A_976 = arith.constant 1 : i32
        %sub3A_977 = arith.subi %div3A_956, %sub3A_976 : i32
        %select_n3A_978 = arith.select %and3A_975, %sub3A_977, %div3A_956 : i32
        %jit3A_979 = arith.constant 8 : i32
        %eq3A_980 = arith.constant 0 : i32
        %eq3A_981 = arith.cmpi eq, %jit3A_979, %eq3A_980 : i32
        %jit3A_982 = arith.constant 1 : i32
        %select_n3A_983 = arith.select %eq3A_981, %jit3A_982, %jit3A_979 : i32
        %rem3A_984 = arith.remsi %scan3A_954, %select_n3A_983 : i32
        %ne3A_985 = arith.constant 0 : i32
        %ne3A_986 = arith.cmpi ne, %rem3A_984, %ne3A_985 : i32
        %lt3A_987 = arith.constant 0 : i32
        %lt3A_988 = arith.cmpi slt, %rem3A_984, %lt3A_987 : i32
        %lt3A_989 = arith.constant 0 : i32
        %lt3A_990 = arith.cmpi slt, %select_n3A_983, %lt3A_989 : i32
        %ne3A_991 = arith.xori %lt3A_988, %lt3A_990 : i1
        %and3A_992 = arith.andi %ne3A_991, %ne3A_986 : i1
        %add3A_993 = arith.addi %rem3A_984, %select_n3A_983 : i32
        %select_n3A_994 = arith.select %and3A_992, %add3A_993, %rem3A_984 : i32
        %mul3A_995 = arith.constant 16 : i32
        %mul3A_996 = arith.muli %select_n3A_994, %mul3A_995 : i32
        %add3A_997 = arith.constant 0 : i32
        %add3A_998 = arith.addi %add3A_997, %mul3A_996 : i32
        %mul3A_999 = arith.constant 33 : i32
        %mul3A_1000 = arith.muli %add3A_998, %mul3A_999 : i32
        %add3A_1001 = arith.addi %mul3A_1000, %select_n3A_978 : i32
        %add3A_1002 = arith.constant 0 : i32
        %add3A_1003 = arith.addi %add3A_1001, %add3A_1002 : i32
        %add3A_1004 = vector.broadcast %add3A_1003 : i32 to vector<16xi32>
        %add3A_1005 = arith.addi %add3A_1004, %mul3A_3 : vector<16xi32>
        %gather3A = tpu.vector_load_idx %arg10[%add3A_1005] : memref<16896xf32, #tpu.memory_space<vmem>>[vector<16xi32>], vector<16xf32>,
        %swap3A = arith.constant 0 : i32
        %swap3A_1006 = arith.constant 0 : i32
        %swap3A_1007 = arith.index_cast %swap3A : i32 to index
        %swap3A_1008 = arith.index_cast %swap3A_1006 : i32 to index
        %swap3A_1009 = arith.index_cast %select_n3A_978 : i32 to index
        %swap3A_1010 = arith.index_cast %mul3A_996 : i32 to index
        %swap3A_1011 = tpu.vector_load %arg12[%swap3A_1007, %swap3A_1008, %swap3A_1009, %swap3A_1010] {strides = array<i32>} : memref<4x4x8x128xf32, #tpu.memory_space<vmem>>, vector<16xf32>,
        tpu.vector_store %arg12[%swap3A_1007, %swap3A_1008, %swap3A_1009, %swap3A_1010], %gather3A {strides = array<i32>} : memref<4x4x8x128xf32, #tpu.memory_space<vmem>>, vector<16xf32>,
        %add3A_1012 = arith.constant 8 : i32
        %add3A_1013 = arith.addi %add3A_1001, %add3A_1012 : i32
        %add3A_1014 = vector.broadcast %add3A_1013 : i32 to vector<16xi32>
        %add3A_1015 = arith.addi %add3A_1014, %mul3A_3 : vector<16xi32>
        %gather3A_1016 = tpu.vector_load_idx %arg10[%add3A_1015] : memref<16896xf32, #tpu.memory_space<vmem>>[vector<16xi32>], vector<16xf32>,
        %swap3A_1017 = arith.constant 1 : i32
        %swap3A_1018 = arith.constant 0 : i32
        %swap3A_1019 = arith.index_cast %swap3A_1017 : i32 to index
        %swap3A_1020 = arith.index_cast %swap3A_1018 : i32 to index
        %swap3A_1021 = arith.index_cast %select_n3A_978 : i32 to index
        %swap3A_1022 = arith.index_cast %mul3A_996 : i32 to index
        %swap3A_1023 = tpu.vector_load %arg12[%swap3A_1019, %swap3A_1020, %swap3A_1021, %swap3A_1022] {strides = array<i32>} : memref<4x4x8x128xf32, #tpu.memory_space<vmem>>, vector<16xf32>,
        tpu.vector_store %arg12[%swap3A_1019, %swap3A_1020, %swap3A_1021, %swap3A_1022], %gather3A_1016 {strides = array<i32>} : memref<4x4x8x128xf32, #tpu.memory_space<vmem>>, vector<16xf32>,
        %add3A_1024 = arith.constant 16 : i32
        %add3A_1025 = arith.addi %add3A_1001, %add3A_1024 : i32
        %add3A_1026 = vector.broadcast %add3A_1025 : i32 to vector<16xi32>
        %add3A_1027 = arith.addi %add3A_1026, %mul3A_3 : vector<16xi32>
        %gather3A_1028 = tpu.vector_load_idx %arg10[%add3A_1027] : memref<16896xf32, #tpu.memory_space<vmem>>[vector<16xi32>], vector<16xf32>,
        %swap3A_1029 = arith.constant 2 : i32
        %swap3A_1030 = arith.constant 0 : i32
        %swap3A_1031 = arith.index_cast %swap3A_1029 : i32 to index
        %swap3A_1032 = arith.index_cast %swap3A_1030 : i32 to index
        %swap3A_1033 = arith.index_cast %select_n3A_978 : i32 to index
        %swap3A_1034 = arith.index_cast %mul3A_996 : i32 to index
        %swap3A_1035 = tpu.vector_load %arg12[%swap3A_1031, %swap3A_1032, %swap3A_1033, %swap3A_1034] {strides = array<i32>} : memref<4x4x8x128xf32, #tpu.memory_space<vmem>>, vector<16xf32>,
        tpu.vector_store %arg12[%swap3A_1031, %swap3A_1032, %swap3A_1033, %swap3A_1034], %gather3A_1028 {strides = array<i32>} : memref<4x4x8x128xf32, #tpu.memory_space<vmem>>, vector<16xf32>,
        %add3A_1036 = arith.constant 24 : i32
        %add3A_1037 = arith.addi %add3A_1001, %add3A_1036 : i32
        %add3A_1038 = vector.broadcast %add3A_1037 : i32 to vector<16xi32>
        %add3A_1039 = arith.addi %add3A_1038, %mul3A_3 : vector<16xi32>
        %gather3A_1040 = tpu.vector_load_idx %arg10[%add3A_1039] : memref<16896xf32, #tpu.memory_space<vmem>>[vector<16xi32>], vector<16xf32>,
        %swap3A_1041 = arith.constant 3 : i32
        %swap3A_1042 = arith.constant 0 : i32
        %swap3A_1043 = arith.index_cast %swap3A_1041 : i32 to index
        %swap3A_1044 = arith.index_cast %swap3A_1042 : i32 to index
        %swap3A_1045 = arith.index_cast %select_n3A_978 : i32 to index
        %swap3A_1046 = arith.index_cast %mul3A_996 : i32 to index
        %swap3A_1047 = tpu.vector_load %arg12[%swap3A_1043, %swap3A_1044, %swap3A_1045, %swap3A_1046] {strides = array<i32>} : memref<4x4x8x128xf32, #tpu.memory_space<vmem>>, vector<16xf32>,
        tpu.vector_store %arg12[%swap3A_1043, %swap3A_1044, %swap3A_1045, %swap3A_1046], %gather3A_1040 {strides = array<i32>} : memref<4x4x8x128xf32, #tpu.memory_space<vmem>>, vector<16xf32>,
        %add3A_1048 = arith.constant 128 : i32
        %add3A_1049 = arith.addi %add3A_1048, %mul3A_996 : i32
        %mul3A_1050 = arith.constant 33 : i32
        %mul3A_1051 = arith.muli %add3A_1049, %mul3A_1050 : i32
        %add3A_1052 = arith.addi %mul3A_1051, %select_n3A_978 : i32
        %add3A_1053 = arith.constant 0 : i32
        %add3A_1054 = arith.addi %add3A_1052, %add3A_1053 : i32
        %add3A_1055 = vector.broadcast %add3A_1054 : i32 to vector<16xi32>
        %add3A_1056 = arith.addi %add3A_1055, %mul3A_3 : vector<16xi32>
        %gather3A_1057 = tpu.vector_load_idx %arg10[%add3A_1056] : memref<16896xf32, #tpu.memory_space<vmem>>[vector<16xi32>], vector<16xf32>,
        %swap3A_1058 = arith.constant 0 : i32
        %swap3A_1059 = arith.constant 1 : i32
        %swap3A_1060 = arith.index_cast %swap3A_1058 : i32 to index
        %swap3A_1061 = arith.index_cast %swap3A_1059 : i32 to index
        %swap3A_1062 = arith.index_cast %select_n3A_978 : i32 to index
        %swap3A_1063 = arith.index_cast %mul3A_996 : i32 to index
        %swap3A_1064 = tpu.vector_load %arg12[%swap3A_1060, %swap3A_1061, %swap3A_1062, %swap3A_1063] {strides = array<i32>} : memref<4x4x8x128xf32, #tpu.memory_space<vmem>>, vector<16xf32>,
        tpu.vector_store %arg12[%swap3A_1060, %swap3A_1061, %swap3A_1062, %swap3A_1063], %gather3A_1057 {strides = array<i32>} : memref<4x4x8x128xf32, #tpu.memory_space<vmem>>, vector<16xf32>,
        %add3A_1065 = arith.constant 8 : i32
        %add3A_1066 = arith.addi %add3A_1052, %add3A_1065 : i32
        %add3A_1067 = vector.broadcast %add3A_1066 : i32 to vector<16xi32>
        %add3A_1068 = arith.addi %add3A_1067, %mul3A_3 : vector<16xi32>
        %gather3A_1069 = tpu.vector_load_idx %arg10[%add3A_1068] : memref<16896xf32, #tpu.memory_space<vmem>>[vector<16xi32>], vector<16xf32>,
        %swap3A_1070 = arith.constant 1 : i32
        %swap3A_1071 = arith.constant 1 : i32
        %swap3A_1072 = arith.index_cast %swap3A_1070 : i32 to index
        %swap3A_1073 = arith.index_cast %swap3A_1071 : i32 to index
        %swap3A_1074 = arith.index_cast %select_n3A_978 : i32 to index
        %swap3A_1075 = arith.index_cast %mul3A_996 : i32 to index
        %swap3A_1076 = tpu.vector_load %arg12[%swap3A_1072, %swap3A_1073, %swap3A_1074, %swap3A_1075] {strides = array<i32>} : memref<4x4x8x128xf32, #tpu.memory_space<vmem>>, vector<16xf32>,
        tpu.vector_store %arg12[%swap3A_1072, %swap3A_1073, %swap3A_1074, %swap3A_1075], %gather3A_1069 {strides = array<i32>} : memref<4x4x8x128xf32, #tpu.memory_space<vmem>>, vector<16xf32>,
        %add3A_1077 = arith.constant 16 : i32
        %add3A_1078 = arith.addi %add3A_1052, %add3A_1077 : i32
        %add3A_1079 = vector.broadcast %add3A_1078 : i32 to vector<16xi32>
        %add3A_1080 = arith.addi %add3A_1079, %mul3A_3 : vector<16xi32>
        %gather3A_1081 = tpu.vector_load_idx %arg10[%add3A_1080] : memref<16896xf32, #tpu.memory_space<vmem>>[vector<16xi32>], vector<16xf32>,
        %swap3A_1082 = arith.constant 2 : i32
        %swap3A_1083 = arith.constant 1 : i32
        %swap3A_1084 = arith.index_cast %swap3A_1082 : i32 to index
        %swap3A_1085 = arith.index_cast %swap3A_1083 : i32 to index
        %swap3A_1086 = arith.index_cast %select_n3A_978 : i32 to index
        %swap3A_1087 = arith.index_cast %mul3A_996 : i32 to index
        %swap3A_1088 = tpu.vector_load %arg12[%swap3A_1084, %swap3A_1085, %swap3A_1086, %swap3A_1087] {strides = array<i32>} : memref<4x4x8x128xf32, #tpu.memory_space<vmem>>, vector<16xf32>,
        tpu.vector_store %arg12[%swap3A_1084, %swap3A_1085, %swap3A_1086, %swap3A_1087], %gather3A_1081 {strides = array<i32>} : memref<4x4x8x128xf32, #tpu.memory_space<vmem>>, vector<16xf32>,
        %add3A_1089 = arith.constant 24 : i32
        %add3A_1090 = arith.addi %add3A_1052, %add3A_1089 : i32
        %add3A_1091 = vector.broadcast %add3A_1090 : i32 to vector<16xi32>
        %add3A_1092 = arith.addi %add3A_1091, %mul3A_3 : vector<16xi32>
        %gather3A_1093 = tpu.vector_load_idx %arg10[%add3A_1092] : memref<16896xf32, #tpu.memory_space<vmem>>[vector<16xi32>], vector<16xf32>,
        %swap3A_1094 = arith.constant 3 : i32
        %swap3A_1095 = arith.constant 1 : i32
        %swap3A_1096 = arith.index_cast %swap3A_1094 : i32 to index
        %swap3A_1097 = arith.index_cast %swap3A_1095 : i32 to index
        %swap3A_1098 = arith.index_cast %select_n3A_978 : i32 to index
        %swap3A_1099 = arith.index_cast %mul3A_996 : i32 to index
        %swap3A_1100 = tpu.vector_load %arg12[%swap3A_1096, %swap3A_1097, %swap3A_1098, %swap3A_1099] {strides = array<i32>} : memref<4x4x8x128xf32, #tpu.memory_space<vmem>>, vector<16xf32>,
        tpu.vector_store %arg12[%swap3A_1096, %swap3A_1097, %swap3A_1098, %swap3A_1099], %gather3A_1093 {strides = array<i32>} : memref<4x4x8x128xf32, #tpu.memory_space<vmem>>, vector<16xf32>,
        %add3A_1101 = arith.constant 256 : i32
        %add3A_1102 = arith.addi %add3A_1101, %mul3A_996 : i32
        %mul3A_1103 = arith.constant 33 : i32
        %mul3A_1104 = arith.muli %add3A_1102, %mul3A_1103 : i32
        %add3A_1105 = arith.addi %mul3A_1104, %select_n3A_978 : i32
        %add3A_1106 = arith.constant 0 : i32
        %add3A_1107 = arith.addi %add3A_1105, %add3A_1106 : i32
        %add3A_1108 = vector.broadcast %add3A_1107 : i32 to vector<16xi32>
        %add3A_1109 = arith.addi %add3A_1108, %mul3A_3 : vector<16xi32>
        %gather3A_1110 = tpu.vector_load_idx %arg10[%add3A_1109] : memref<16896xf32, #tpu.memory_space<vmem>>[vector<16xi32>], vector<16xf32>,
        %swap3A_1111 = arith.constant 0 : i32
        %swap3A_1112 = arith.constant 2 : i32
        %swap3A_1113 = arith.index_cast %swap3A_1111 : i32 to index
        %swap3A_1114 = arith.index_cast %swap3A_1112 : i32 to index
        %swap3A_1115 = arith.index_cast %select_n3A_978 : i32 to index
        %swap3A_1116 = arith.index_cast %mul3A_996 : i32 to index
        %swap3A_1117 = tpu.vector_load %arg12[%swap3A_1113, %swap3A_1114, %swap3A_1115, %swap3A_1116] {strides = array<i32>} : memref<4x4x8x128xf32, #tpu.memory_space<vmem>>, vector<16xf32>,
        tpu.vector_store %arg12[%swap3A_1113, %swap3A_1114, %swap3A_1115, %swap3A_1116], %gather3A_1110 {strides = array<i32>} : memref<4x4x8x128xf32, #tpu.memory_space<vmem>>, vector<16xf32>,
        %add3A_1118 = arith.constant 8 : i32
        %add3A_1119 = arith.addi %add3A_1105, %add3A_1118 : i32
        %add3A_1120 = vector.broadcast %add3A_1119 : i32 to vector<16xi32>
        %add3A_1121 = arith.addi %add3A_1120, %mul3A_3 : vector<16xi32>
        %gather3A_1122 = tpu.vector_load_idx %arg10[%add3A_1121] : memref<16896xf32, #tpu.memory_space<vmem>>[vector<16xi32>], vector<16xf32>,
        %swap3A_1123 = arith.constant 1 : i32
        %swap3A_1124 = arith.constant 2 : i32
        %swap3A_1125 = arith.index_cast %swap3A_1123 : i32 to index
        %swap3A_1126 = arith.index_cast %swap3A_1124 : i32 to index
        %swap3A_1127 = arith.index_cast %select_n3A_978 : i32 to index
        %swap3A_1128 = arith.index_cast %mul3A_996 : i32 to index
        %swap3A_1129 = tpu.vector_load %arg12[%swap3A_1125, %swap3A_1126, %swap3A_1127, %swap3A_1128] {strides = array<i32>} : memref<4x4x8x128xf32, #tpu.memory_space<vmem>>, vector<16xf32>,
        tpu.vector_store %arg12[%swap3A_1125, %swap3A_1126, %swap3A_1127, %swap3A_1128], %gather3A_1122 {strides = array<i32>} : memref<4x4x8x128xf32, #tpu.memory_space<vmem>>, vector<16xf32>,
        %add3A_1130 = arith.constant 16 : i32
        %add3A_1131 = arith.addi %add3A_1105, %add3A_1130 : i32
        %add3A_1132 = vector.broadcast %add3A_1131 : i32 to vector<16xi32>
        %add3A_1133 = arith.addi %add3A_1132, %mul3A_3 : vector<16xi32>
        %gather3A_1134 = tpu.vector_load_idx %arg10[%add3A_1133] : memref<16896xf32, #tpu.memory_space<vmem>>[vector<16xi32>], vector<16xf32>,
        %swap3A_1135 = arith.constant 2 : i32
        %swap3A_1136 = arith.constant 2 : i32
        %swap3A_1137 = arith.index_cast %swap3A_1135 : i32 to index
        %swap3A_1138 = arith.index_cast %swap3A_1136 : i32 to index
        %swap3A_1139 = arith.index_cast %select_n3A_978 : i32 to index
        %swap3A_1140 = arith.index_cast %mul3A_996 : i32 to index
        %swap3A_1141 = tpu.vector_load %arg12[%swap3A_1137, %swap3A_1138, %swap3A_1139, %swap3A_1140] {strides = array<i32>} : memref<4x4x8x128xf32, #tpu.memory_space<vmem>>, vector<16xf32>,
        tpu.vector_store %arg12[%swap3A_1137, %swap3A_1138, %swap3A_1139, %swap3A_1140], %gather3A_1134 {strides = array<i32>} : memref<4x4x8x128xf32, #tpu.memory_space<vmem>>, vector<16xf32>,
        %add3A_1142 = arith.constant 24 : i32
        %add3A_1143 = arith.addi %add3A_1105, %add3A_1142 : i32
        %add3A_1144 = vector.broadcast %add3A_1143 : i32 to vector<16xi32>
        %add3A_1145 = arith.addi %add3A_1144, %mul3A_3 : vector<16xi32>
        %gather3A_1146 = tpu.vector_load_idx %arg10[%add3A_1145] : memref<16896xf32, #tpu.memory_space<vmem>>[vector<16xi32>], vector<16xf32>,
        %swap3A_1147 = arith.constant 3 : i32
        %swap3A_1148 = arith.constant 2 : i32
        %swap3A_1149 = arith.index_cast %swap3A_1147 : i32 to index
        %swap3A_1150 = arith.index_cast %swap3A_1148 : i32 to index
        %swap3A_1151 = arith.index_cast %select_n3A_978 : i32 to index
        %swap3A_1152 = arith.index_cast %mul3A_996 : i32 to index
        %swap3A_1153 = tpu.vector_load %arg12[%swap3A_1149, %swap3A_1150, %swap3A_1151, %swap3A_1152] {strides = array<i32>} : memref<4x4x8x128xf32, #tpu.memory_space<vmem>>, vector<16xf32>,
        tpu.vector_store %arg12[%swap3A_1149, %swap3A_1150, %swap3A_1151, %swap3A_1152], %gather3A_1146 {strides = array<i32>} : memref<4x4x8x128xf32, #tpu.memory_space<vmem>>, vector<16xf32>,
        %add3A_1154 = arith.constant 384 : i32
        %add3A_1155 = arith.addi %add3A_1154, %mul3A_996 : i32
        %mul3A_1156 = arith.constant 33 : i32
        %mul3A_1157 = arith.muli %add3A_1155, %mul3A_1156 : i32
        %add3A_1158 = arith.addi %mul3A_1157, %select_n3A_978 : i32
        %add3A_1159 = arith.constant 0 : i32
        %add3A_1160 = arith.addi %add3A_1158, %add3A_1159 : i32
        %add3A_1161 = vector.broadcast %add3A_1160 : i32 to vector<16xi32>
        %add3A_1162 = arith.addi %add3A_1161, %mul3A_3 : vector<16xi32>
        %gather3A_1163 = tpu.vector_load_idx %arg10[%add3A_1162] : memref<16896xf32, #tpu.memory_space<vmem>>[vector<16xi32>], vector<16xf32>,
        %swap3A_1164 = arith.constant 0 : i32
        %swap3A_1165 = arith.constant 3 : i32
        %swap3A_1166 = arith.index_cast %swap3A_1164 : i32 to index
        %swap3A_1167 = arith.index_cast %swap3A_1165 : i32 to index
        %swap3A_1168 = arith.index_cast %select_n3A_978 : i32 to index
        %swap3A_1169 = arith.index_cast %mul3A_996 : i32 to index
        %swap3A_1170 = tpu.vector_load %arg12[%swap3A_1166, %swap3A_1167, %swap3A_1168, %swap3A_1169] {strides = array<i32>} : memref<4x4x8x128xf32, #tpu.memory_space<vmem>>, vector<16xf32>,
        tpu.vector_store %arg12[%swap3A_1166, %swap3A_1167, %swap3A_1168, %swap3A_1169], %gather3A_1163 {strides = array<i32>} : memref<4x4x8x128xf32, #tpu.memory_space<vmem>>, vector<16xf32>,
        %add3A_1171 = arith.constant 8 : i32
        %add3A_1172 = arith.addi %add3A_1158, %add3A_1171 : i32
        %add3A_1173 = vector.broadcast %add3A_1172 : i32 to vector<16xi32>
        %add3A_1174 = arith.addi %add3A_1173, %mul3A_3 : vector<16xi32>
        %gather3A_1175 = tpu.vector_load_idx %arg10[%add3A_1174] : memref<16896xf32, #tpu.memory_space<vmem>>[vector<16xi32>], vector<16xf32>,
        %swap3A_1176 = arith.constant 1 : i32
        %swap3A_1177 = arith.constant 3 : i32
        %swap3A_1178 = arith.index_cast %swap3A_1176 : i32 to index
        %swap3A_1179 = arith.index_cast %swap3A_1177 : i32 to index
        %swap3A_1180 = arith.index_cast %select_n3A_978 : i32 to index
        %swap3A_1181 = arith.index_cast %mul3A_996 : i32 to index
        %swap3A_1182 = tpu.vector_load %arg12[%swap3A_1178, %swap3A_1179, %swap3A_1180, %swap3A_1181] {strides = array<i32>} : memref<4x4x8x128xf32, #tpu.memory_space<vmem>>, vector<16xf32>,
        tpu.vector_store %arg12[%swap3A_1178, %swap3A_1179, %swap3A_1180, %swap3A_1181], %gather3A_1175 {strides = array<i32>} : memref<4x4x8x128xf32, #tpu.memory_space<vmem>>, vector<16xf32>,
        %add3A_1183 = arith.constant 16 : i32
        %add3A_1184 = arith.addi %add3A_1158, %add3A_1183 : i32
        %add3A_1185 = vector.broadcast %add3A_1184 : i32 to vector<16xi32>
        %add3A_1186 = arith.addi %add3A_1185, %mul3A_3 : vector<16xi32>
        %gather3A_1187 = tpu.vector_load_idx %arg10[%add3A_1186] : memref<16896xf32, #tpu.memory_space<vmem>>[vector<16xi32>], vector<16xf32>,
        %swap3A_1188 = arith.constant 2 : i32
        %swap3A_1189 = arith.constant 3 : i32
        %swap3A_1190 = arith.index_cast %swap3A_1188 : i32 to index
        %swap3A_1191 = arith.index_cast %swap3A_1189 : i32 to index
        %swap3A_1192 = arith.index_cast %select_n3A_978 : i32 to index
        %swap3A_1193 = arith.index_cast %mul3A_996 : i32 to index
        %swap3A_1194 = tpu.vector_load %arg12[%swap3A_1190, %swap3A_1191, %swap3A_1192, %swap3A_1193] {strides = array<i32>} : memref<4x4x8x128xf32, #tpu.memory_space<vmem>>, vector<16xf32>,
        tpu.vector_store %arg12[%swap3A_1190, %swap3A_1191, %swap3A_1192, %swap3A_1193], %gather3A_1187 {strides = array<i32>} : memref<4x4x8x128xf32, #tpu.memory_space<vmem>>, vector<16xf32>,
        %add3A_1195 = arith.constant 24 : i32
        %add3A_1196 = arith.addi %add3A_1158, %add3A_1195 : i32
        %add3A_1197 = vector.broadcast %add3A_1196 : i32 to vector<16xi32>
        %add3A_1198 = arith.addi %add3A_1197, %mul3A_3 : vector<16xi32>
        %gather3A_1199 = tpu.vector_load_idx %arg10[%add3A_1198] : memref<16896xf32, #tpu.memory_space<vmem>>[vector<16xi32>], vector<16xf32>,
        %swap3A_1200 = arith.constant 3 : i32
        %swap3A_1201 = arith.constant 3 : i32
        %swap3A_1202 = arith.index_cast %swap3A_1200 : i32 to index
        %swap3A_1203 = arith.index_cast %swap3A_1201 : i32 to index
        %swap3A_1204 = arith.index_cast %select_n3A_978 : i32 to index
        %swap3A_1205 = arith.index_cast %mul3A_996 : i32 to index
        %swap3A_1206 = tpu.vector_load %arg12[%swap3A_1202, %swap3A_1203, %swap3A_1204, %swap3A_1205] {strides = array<i32>} : memref<4x4x8x128xf32, #tpu.memory_space<vmem>>, vector<16xf32>,
        tpu.vector_store %arg12[%swap3A_1202, %swap3A_1203, %swap3A_1204, %swap3A_1205], %gather3A_1199 {strides = array<i32>} : memref<4x4x8x128xf32, #tpu.memory_space<vmem>>, vector<16xf32>,
      }
      %scan3A_780 = arith.constant 64 : i32
      %jit3A_781 = arith.constant 8 : i32
      %div3A_782 = arith.divsi %add3A_710, %jit3A_781 : i32
      %sign3A_783 = arith.constant 0 : i32
      %sign3A_784 = arith.cmpi sgt, %add3A_710, %sign3A_783 : i32
      %sign3A_785 = arith.extui %sign3A_784 : i1 to i32
      %sign3A_786 = arith.constant 0 : i32
      %sign3A_787 = arith.cmpi slt, %add3A_710, %sign3A_786 : i32
      %sign3A_788 = arith.extui %sign3A_787 : i1 to i32
      %sign3A_789 = arith.subi %sign3A_785, %sign3A_788 : i32
      %sign3A_790 = arith.constant 0 : i32
      %sign3A_791 = arith.cmpi sgt, %jit3A_781, %sign3A_790 : i32
      %sign3A_792 = arith.extui %sign3A_791 : i1 to i32
      %sign3A_793 = arith.constant 0 : i32
      %sign3A_794 = arith.cmpi slt, %jit3A_781, %sign3A_793 : i32
      %sign3A_795 = arith.extui %sign3A_794 : i1 to i32
      %sign3A_796 = arith.subi %sign3A_792, %sign3A_795 : i32
      %ne3A_797 = arith.cmpi ne, %sign3A_789, %sign3A_796 : i32
      %rem3A_798 = arith.remsi %add3A_710, %jit3A_781 : i32
      %ne3A_799 = arith.constant 0 : i32
      %ne3A_800 = arith.cmpi ne, %rem3A_798, %ne3A_799 : i32
      %and3A_801 = arith.andi %ne3A_797, %ne3A_800 : i1
      %sub3A_802 = arith.constant 1 : i32
      %sub3A_803 = arith.subi %div3A_782, %sub3A_802 : i32
      %select_n3A_804 = arith.select %and3A_801, %sub3A_803, %div3A_782 : i32
      %jit3A_805 = arith.constant 8 : i32
      %eq3A_806 = arith.constant 0 : i32
      %eq3A_807 = arith.cmpi eq, %jit3A_805, %eq3A_806 : i32
      %jit3A_808 = arith.constant 1 : i32
      %select_n3A_809 = arith.select %eq3A_807, %jit3A_808, %jit3A_805 : i32
      %rem3A_810 = arith.remsi %add3A_710, %select_n3A_809 : i32
      %ne3A_811 = arith.constant 0 : i32
      %ne3A_812 = arith.cmpi ne, %rem3A_810, %ne3A_811 : i32
      %lt3A_813 = arith.constant 0 : i32
      %lt3A_814 = arith.cmpi slt, %rem3A_810, %lt3A_813 : i32
      %lt3A_815 = arith.constant 0 : i32
      %lt3A_816 = arith.cmpi slt, %select_n3A_809, %lt3A_815 : i32
      %ne3A_817 = arith.xori %lt3A_814, %lt3A_816 : i1
      %and3A_818 = arith.andi %ne3A_817, %ne3A_812 : i1
      %add3A_819 = arith.addi %rem3A_810, %select_n3A_809 : i32
      %select_n3A_820 = arith.select %and3A_818, %add3A_819, %rem3A_810 : i32
      %mul3A_821 = arith.constant 4 : i32
      %mul3A_822 = arith.muli %select_n3A_820, %mul3A_821 : i32
      %jit3A_823 = arith.constant 8 : i32
      %div3A_824 = arith.divsi %select_n3A_804, %jit3A_823 : i32
      %sign3A_825 = arith.constant 0 : i32
      %sign3A_826 = arith.cmpi sgt, %select_n3A_804, %sign3A_825 : i32
      %sign3A_827 = arith.extui %sign3A_826 : i1 to i32
      %sign3A_828 = arith.constant 0 : i32
      %sign3A_829 = arith.cmpi slt, %select_n3A_804, %sign3A_828 : i32
      %sign3A_830 = arith.extui %sign3A_829 : i1 to i32
      %sign3A_831 = arith.subi %sign3A_827, %sign3A_830 : i32
      %sign3A_832 = arith.constant 0 : i32
      %sign3A_833 = arith.cmpi sgt, %jit3A_823, %sign3A_832 : i32
      %sign3A_834 = arith.extui %sign3A_833 : i1 to i32
      %sign3A_835 = arith.constant 0 : i32
      %sign3A_836 = arith.cmpi slt, %jit3A_823, %sign3A_835 : i32
      %sign3A_837 = arith.extui %sign3A_836 : i1 to i32
      %sign3A_838 = arith.subi %sign3A_834, %sign3A_837 : i32
      %ne3A_839 = arith.cmpi ne, %sign3A_831, %sign3A_838 : i32
      %rem3A_840 = arith.remsi %select_n3A_804, %jit3A_823 : i32
      %ne3A_841 = arith.constant 0 : i32
      %ne3A_842 = arith.cmpi ne, %rem3A_840, %ne3A_841 : i32
      %and3A_843 = arith.andi %ne3A_839, %ne3A_842 : i1
      %sub3A_844 = arith.constant 1 : i32
      %sub3A_845 = arith.subi %div3A_824, %sub3A_844 : i32
      %select_n3A_846 = arith.select %and3A_843, %sub3A_845, %div3A_824 : i32
      %jit3A_847 = arith.constant 8 : i32
      %eq3A_848 = arith.constant 0 : i32
      %eq3A_849 = arith.cmpi eq, %jit3A_847, %eq3A_848 : i32
      %jit3A_850 = arith.constant 1 : i32
      %select_n3A_851 = arith.select %eq3A_849, %jit3A_850, %jit3A_847 : i32
      %rem3A_852 = arith.remsi %select_n3A_804, %select_n3A_851 : i32
      %ne3A_853 = arith.constant 0 : i32
      %ne3A_854 = arith.cmpi ne, %rem3A_852, %ne3A_853 : i32
      %lt3A_855 = arith.constant 0 : i32
      %lt3A_856 = arith.cmpi slt, %rem3A_852, %lt3A_855 : i32
      %lt3A_857 = arith.constant 0 : i32
      %lt3A_858 = arith.cmpi slt, %select_n3A_851, %lt3A_857 : i32
      %ne3A_859 = arith.xori %lt3A_856, %lt3A_858 : i1
      %and3A_860 = arith.andi %ne3A_859, %ne3A_854 : i1
      %add3A_861 = arith.addi %rem3A_852, %select_n3A_851 : i32
      %select_n3A_862 = arith.select %and3A_860, %add3A_861, %rem3A_852 : i32
      %dma_start3A_863 = arith.constant 0 : i32
      %dma_start3A_864 = arith.constant 0 : i32
      %dma_start3A_865 = arith.constant 0 : i32
      %dma_start3A_866 = arith.constant 0 : i32
      %dma_start3A_867 = arith.constant 0 : i32
      %dma_start3A_868 = tpu.memref_slice %arg12[%dma_start3A_863, %dma_start3A_865, %dma_start3A_866, %dma_start3A_867] : memref<4x4x8x128xf32, #tpu.memory_space<vmem>> -> memref<1x4x8x128xf32, #tpu.memory_space<vmem>>
      %dma_start3A_869 = tpu.memref_squeeze %dma_start3A_868 : memref<1x4x8x128xf32, #tpu.memory_space<vmem>> -> memref<4x8x128xf32, #tpu.memory_space<vmem>>
      %dma_start3A_870 = arith.constant 0 : i32
      %dma_start3A_871 = arith.constant 0 : i32
      %dma_start3A_872 = tpu.memref_slice %arg4[%select_n3A_804, %dma_start3A_864, %mul3A_822, %dma_start3A_870, %dma_start3A_871] : memref<200x4x32x8x128xf32, #tpu.memory_space<hbm>> -> memref<1x1x4x8x128xf32, #tpu.memory_space<hbm>>
      %dma_start3A_873 = tpu.memref_squeeze %dma_start3A_872 : memref<1x1x4x8x128xf32, #tpu.memory_space<hbm>> -> memref<4x8x128xf32, #tpu.memory_space<hbm>>
      %dma_start3A_874 = arith.constant 0 : i32
      %dma_start3A_875 = arith.constant 0 : i32
      %dma_start3A_876 = tpu.memref_slice %arg4[%select_n3A_804, %dma_start3A_864, %mul3A_822, %dma_start3A_874, %dma_start3A_875] : memref<200x4x32x8x128xf32, #tpu.memory_space<hbm>> -> memref<1x1x4x8x128xf32, #tpu.memory_space<hbm>>
      %dma_start3A_877 = tpu.memref_squeeze %dma_start3A_876 : memref<1x1x4x8x128xf32, #tpu.memory_space<hbm>> -> memref<4x8x128xf32, #tpu.memory_space<hbm>>
      %dma_start3A_878 = arith.constant 0 : i32
      %dma_start3A_879 = arith.constant 0 : i32
      %dma_start3A_880 = arith.constant 0 : i32
      %dma_start3A_881 = tpu.memref_slice %arg12[%dma_start3A_863, %dma_start3A_878, %dma_start3A_879, %dma_start3A_880] : memref<4x4x8x128xf32, #tpu.memory_space<vmem>> -> memref<1x4x8x128xf32, #tpu.memory_space<vmem>>
      %dma_start3A_882 = tpu.memref_squeeze %dma_start3A_881 : memref<1x4x8x128xf32, #tpu.memory_space<vmem>> -> memref<4x8x128xf32, #tpu.memory_space<vmem>>
      tpu.enqueue_dma source(%dma_start3A_882 : memref<4x8x128xf32, #tpu.memory_space<vmem>>) target(%dma_start3A_877 : memref<4x8x128xf32, #tpu.memory_space<hbm>>) target_semaphore(%arg18 : memref<!tpu.dma_semaphore, #tpu.memory_space<semaphore_mem>>)
      %dma_start3A_883 = arith.constant 1 : i32
      %dma_start3A_884 = arith.constant 1 : i32
      %dma_start3A_885 = arith.constant 0 : i32
      %dma_start3A_886 = arith.constant 0 : i32
      %dma_start3A_887 = arith.constant 0 : i32
      %dma_start3A_888 = tpu.memref_slice %arg12[%dma_start3A_883, %dma_start3A_885, %dma_start3A_886, %dma_start3A_887] : memref<4x4x8x128xf32, #tpu.memory_space<vmem>> -> memref<1x4x8x128xf32, #tpu.memory_space<vmem>>
      %dma_start3A_889 = tpu.memref_squeeze %dma_start3A_888 : memref<1x4x8x128xf32, #tpu.memory_space<vmem>> -> memref<4x8x128xf32, #tpu.memory_space<vmem>>
      %dma_start3A_890 = arith.constant 0 : i32
      %dma_start3A_891 = arith.constant 0 : i32
      %dma_start3A_892 = tpu.memref_slice %arg4[%select_n3A_804, %dma_start3A_884, %mul3A_822, %dma_start3A_890, %dma_start3A_891] : memref<200x4x32x8x128xf32, #tpu.memory_space<hbm>> -> memref<1x1x4x8x128xf32, #tpu.memory_space<hbm>>
      %dma_start3A_893 = tpu.memref_squeeze %dma_start3A_892 : memref<1x1x4x8x128xf32, #tpu.memory_space<hbm>> -> memref<4x8x128xf32, #tpu.memory_space<hbm>>
      %dma_start3A_894 = arith.constant 0 : i32
      %dma_start3A_895 = arith.constant 0 : i32
      %dma_start3A_896 = tpu.memref_slice %arg4[%select_n3A_804, %dma_start3A_884, %mul3A_822, %dma_start3A_894, %dma_start3A_895] : memref<200x4x32x8x128xf32, #tpu.memory_space<hbm>> -> memref<1x1x4x8x128xf32, #tpu.memory_space<hbm>>
      %dma_start3A_897 = tpu.memref_squeeze %dma_start3A_896 : memref<1x1x4x8x128xf32, #tpu.memory_space<hbm>> -> memref<4x8x128xf32, #tpu.memory_space<hbm>>
      %dma_start3A_898 = arith.constant 0 : i32
      %dma_start3A_899 = arith.constant 0 : i32
      %dma_start3A_900 = arith.constant 0 : i32
      %dma_start3A_901 = tpu.memref_slice %arg12[%dma_start3A_883, %dma_start3A_898, %dma_start3A_899, %dma_start3A_900] : memref<4x4x8x128xf32, #tpu.memory_space<vmem>> -> memref<1x4x8x128xf32, #tpu.memory_space<vmem>>
      %dma_start3A_902 = tpu.memref_squeeze %dma_start3A_901 : memref<1x4x8x128xf32, #tpu.memory_space<vmem>> -> memref<4x8x128xf32, #tpu.memory_space<vmem>>
      tpu.enqueue_dma source(%dma_start3A_902 : memref<4x8x128xf32, #tpu.memory_space<vmem>>) target(%dma_start3A_897 : memref<4x8x128xf32, #tpu.memory_space<hbm>>) target_semaphore(%arg18 : memref<!tpu.dma_semaphore, #tpu.memory_space<semaphore_mem>>)
      %dma_start3A_903 = arith.constant 2 : i32
      %dma_start3A_904 = arith.constant 2 : i32
      %dma_start3A_905 = arith.constant 0 : i32
      %dma_start3A_906 = arith.constant 0 : i32
      %dma_start3A_907 = arith.constant 0 : i32
      %dma_start3A_908 = tpu.memref_slice %arg12[%dma_start3A_903, %dma_start3A_905, %dma_start3A_906, %dma_start3A_907] : memref<4x4x8x128xf32, #tpu.memory_space<vmem>> -> memref<1x4x8x128xf32, #tpu.memory_space<vmem>>
      %dma_start3A_909 = tpu.memref_squeeze %dma_start3A_908 : memref<1x4x8x128xf32, #tpu.memory_space<vmem>> -> memref<4x8x128xf32, #tpu.memory_space<vmem>>
      %dma_start3A_910 = arith.constant 0 : i32
      %dma_start3A_911 = arith.constant 0 : i32
      %dma_start3A_912 = tpu.memref_slice %arg4[%select_n3A_804, %dma_start3A_904, %mul3A_822, %dma_start3A_910, %dma_start3A_911] : memref<200x4x32x8x128xf32, #tpu.memory_space<hbm>> -> memref<1x1x4x8x128xf32, #tpu.memory_space<hbm>>
      %dma_start3A_913 = tpu.memref_squeeze %dma_start3A_912 : memref<1x1x4x8x128xf32, #tpu.memory_space<hbm>> -> memref<4x8x128xf32, #tpu.memory_space<hbm>>
      %dma_start3A_914 = arith.constant 0 : i32
      %dma_start3A_915 = arith.constant 0 : i32
      %dma_start3A_916 = tpu.memref_slice %arg4[%select_n3A_804, %dma_start3A_904, %mul3A_822, %dma_start3A_914, %dma_start3A_915] : memref<200x4x32x8x128xf32, #tpu.memory_space<hbm>> -> memref<1x1x4x8x128xf32, #tpu.memory_space<hbm>>
      %dma_start3A_917 = tpu.memref_squeeze %dma_start3A_916 : memref<1x1x4x8x128xf32, #tpu.memory_space<hbm>> -> memref<4x8x128xf32, #tpu.memory_space<hbm>>
      %dma_start3A_918 = arith.constant 0 : i32
      %dma_start3A_919 = arith.constant 0 : i32
      %dma_start3A_920 = arith.constant 0 : i32
      %dma_start3A_921 = tpu.memref_slice %arg12[%dma_start3A_903, %dma_start3A_918, %dma_start3A_919, %dma_start3A_920] : memref<4x4x8x128xf32, #tpu.memory_space<vmem>> -> memref<1x4x8x128xf32, #tpu.memory_space<vmem>>
      %dma_start3A_922 = tpu.memref_squeeze %dma_start3A_921 : memref<1x4x8x128xf32, #tpu.memory_space<vmem>> -> memref<4x8x128xf32, #tpu.memory_space<vmem>>
      tpu.enqueue_dma source(%dma_start3A_922 : memref<4x8x128xf32, #tpu.memory_space<vmem>>) target(%dma_start3A_917 : memref<4x8x128xf32, #tpu.memory_space<hbm>>) target_semaphore(%arg18 : memref<!tpu.dma_semaphore, #tpu.memory_space<semaphore_mem>>)
      %dma_start3A_923 = arith.constant 3 : i32
      %dma_start3A_924 = arith.constant 3 : i32
      %dma_start3A_925 = arith.constant 0 : i32
      %dma_start3A_926 = arith.constant 0 : i32
      %dma_start3A_927 = arith.constant 0 : i32
      %dma_start3A_928 = tpu.memref_slice %arg12[%dma_start3A_923, %dma_start3A_925, %dma_start3A_926, %dma_start3A_927] : memref<4x4x8x128xf32, #tpu.memory_space<vmem>> -> memref<1x4x8x128xf32, #tpu.memory_space<vmem>>
      %dma_start3A_929 = tpu.memref_squeeze %dma_start3A_928 : memref<1x4x8x128xf32, #tpu.memory_space<vmem>> -> memref<4x8x128xf32, #tpu.memory_space<vmem>>
      %dma_start3A_930 = arith.constant 0 : i32
      %dma_start3A_931 = arith.constant 0 : i32
      %dma_start3A_932 = tpu.memref_slice %arg4[%select_n3A_804, %dma_start3A_924, %mul3A_822, %dma_start3A_930, %dma_start3A_931] : memref<200x4x32x8x128xf32, #tpu.memory_space<hbm>> -> memref<1x1x4x8x128xf32, #tpu.memory_space<hbm>>
      %dma_start3A_933 = tpu.memref_squeeze %dma_start3A_932 : memref<1x1x4x8x128xf32, #tpu.memory_space<hbm>> -> memref<4x8x128xf32, #tpu.memory_space<hbm>>
      %dma_start3A_934 = arith.constant 0 : i32
      %dma_start3A_935 = arith.constant 0 : i32
      %dma_start3A_936 = tpu.memref_slice %arg4[%select_n3A_804, %dma_start3A_924, %mul3A_822, %dma_start3A_934, %dma_start3A_935] : memref<200x4x32x8x128xf32, #tpu.memory_space<hbm>> -> memref<1x1x4x8x128xf32, #tpu.memory_space<hbm>>
      %dma_start3A_937 = tpu.memref_squeeze %dma_start3A_936 : memref<1x1x4x8x128xf32, #tpu.memory_space<hbm>> -> memref<4x8x128xf32, #tpu.memory_space<hbm>>
      %dma_start3A_938 = arith.constant 0 : i32
      %dma_start3A_939 = arith.constant 0 : i32
      %dma_start3A_940 = arith.constant 0 : i32
      %dma_start3A_941 = tpu.memref_slice %arg12[%dma_start3A_923, %dma_start3A_938, %dma_start3A_939, %dma_start3A_940] : memref<4x4x8x128xf32, #tpu.memory_space<vmem>> -> memref<1x4x8x128xf32, #tpu.memory_space<vmem>>
      %dma_start3A_942 = tpu.memref_squeeze %dma_start3A_941 : memref<1x4x8x128xf32, #tpu.memory_space<vmem>> -> memref<4x8x128xf32, #tpu.memory_space<vmem>>
      tpu.enqueue_dma source(%dma_start3A_942 : memref<4x8x128xf32, #tpu.memory_space<vmem>>) target(%dma_start3A_937 : memref<4x8x128xf32, #tpu.memory_space<hbm>>) target_semaphore(%arg18 : memref<!tpu.dma_semaphore, #tpu.memory_space<semaphore_mem>>)
      %mul3A_943 = arith.constant 2 : i32
      %mul3A_944 = arith.muli %mul3A_943, %scan3A_456 : i32
      %add3A_945 = arith.constant 1 : i32
      %add3A_946 = arith.addi %mul3A_944, %add3A_945 : i32
      %add3A_947 = arith.constant 2 : i32
      %add3A_948 = arith.addi %add3A_946, %add3A_947 : i32
      %lt3A_949 = arith.constant 50 : i32
      %lt3A_950 = arith.cmpi slt, %add3A_948, %lt3A_949 : i32
      %convert_element_type3A_951 = arith.extui %lt3A_950 : i1 to i32
      %cond3A_952 = arith.constant 0 : i32
      %cond3A_953 = arith.cmpi ne, %convert_element_type3A_951, %cond3A_952 : i32
      scf.if %cond3A_953 {
        %dma_wait3A_954 = arith.constant 0 : i32
        %dma_wait3A_955 = arith.constant 0 : i32
        %dma_wait3A_956 = arith.constant 0 : i32
        %dma_wait3A_957 = arith.constant 0 : i32
        %dma_wait3A_958 = arith.constant 0 : i32
        %dma_wait3A_959 = tpu.memref_slice %arg6[%dma_wait3A_957, %dma_wait3A_958] : memref<4x128xi32, #tpu.memory_space<vmem>> -> memref<1x128xi32, #tpu.memory_space<vmem>>
        %dma_wait3A_960 = tpu.memref_squeeze %dma_wait3A_959 : memref<1x128xi32, #tpu.memory_space<vmem>> -> memref<128xi32, #tpu.memory_space<vmem>>
        %dma_wait3A_961 = arith.constant 0 : i32
        %dma_wait3A_962 = tpu.memref_slice %arg2[%dma_wait3A_954, %dma_wait3A_955, %dma_wait3A_956, %dma_wait3A_961] : memref<25x32x8x128xi32, #tpu.memory_space<hbm>> -> memref<1x1x1x128xi32, #tpu.memory_space<hbm>>
        %dma_wait3A_963 = tpu.memref_squeeze %dma_wait3A_962 : memref<1x1x1x128xi32, #tpu.memory_space<hbm>> -> memref<128xi32, #tpu.memory_space<hbm>>
        %dma_wait3A_964 = arith.constant 0 : i32
        %dma_wait3A_965 = tpu.memref_slice %arg6[%dma_wait3A_957, %dma_wait3A_964] : memref<4x128xi32, #tpu.memory_space<vmem>> -> memref<1x128xi32, #tpu.memory_space<vmem>>
        %dma_wait3A_966 = tpu.memref_squeeze %dma_wait3A_965 : memref<1x128xi32, #tpu.memory_space<vmem>> -> memref<128xi32, #tpu.memory_space<vmem>>
        %dma_wait3A_967 = arith.constant 0 : i32
        %dma_wait3A_968 = tpu.memref_slice %arg2[%dma_wait3A_954, %dma_wait3A_955, %dma_wait3A_956, %dma_wait3A_967] : memref<25x32x8x128xi32, #tpu.memory_space<hbm>> -> memref<1x1x1x128xi32, #tpu.memory_space<hbm>>
        %dma_wait3A_969 = tpu.memref_squeeze %dma_wait3A_968 : memref<1x1x1x128xi32, #tpu.memory_space<hbm>> -> memref<128xi32, #tpu.memory_space<hbm>>
        tpu.wait_dma2 semaphore(%arg14 : memref<!tpu.dma_semaphore, #tpu.memory_space<semaphore_mem>>) src(%dma_wait3A_969 : memref<128xi32, #tpu.memory_space<hbm>>) dst(%dma_wait3A_966 : memref<128xi32, #tpu.memory_space<vmem>>)
        %dma_wait3A_970 = arith.constant 0 : i32
        %dma_wait3A_971 = arith.constant 1 : i32
        %dma_wait3A_972 = arith.constant 0 : i32
        %dma_wait3A_973 = arith.constant 1 : i32
        %dma_wait3A_974 = arith.constant 0 : i32
        %dma_wait3A_975 = tpu.memref_slice %arg6[%dma_wait3A_973, %dma_wait3A_974] : memref<4x128xi32, #tpu.memory_space<vmem>> -> memref<1x128xi32, #tpu.memory_space<vmem>>
        %dma_wait3A_976 = tpu.memref_squeeze %dma_wait3A_975 : memref<1x128xi32, #tpu.memory_space<vmem>> -> memref<128xi32, #tpu.memory_space<vmem>>
        %dma_wait3A_977 = arith.constant 0 : i32
        %dma_wait3A_978 = tpu.memref_slice %arg2[%dma_wait3A_970, %dma_wait3A_971, %dma_wait3A_972, %dma_wait3A_977] : memref<25x32x8x128xi32, #tpu.memory_space<hbm>> -> memref<1x1x1x128xi32, #tpu.memory_space<hbm>>
        %dma_wait3A_979 = tpu.memref_squeeze %dma_wait3A_978 : memref<1x1x1x128xi32, #tpu.memory_space<hbm>> -> memref<128xi32, #tpu.memory_space<hbm>>
        %dma_wait3A_980 = arith.constant 0 : i32
        %dma_wait3A_981 = tpu.memref_slice %arg6[%dma_wait3A_973, %dma_wait3A_980] : memref<4x128xi32, #tpu.memory_space<vmem>> -> memref<1x128xi32, #tpu.memory_space<vmem>>
        %dma_wait3A_982 = tpu.memref_squeeze %dma_wait3A_981 : memref<1x128xi32, #tpu.memory_space<vmem>> -> memref<128xi32, #tpu.memory_space<vmem>>
        %dma_wait3A_983 = arith.constant 0 : i32
        %dma_wait3A_984 = tpu.memref_slice %arg2[%dma_wait3A_970, %dma_wait3A_971, %dma_wait3A_972, %dma_wait3A_983] : memref<25x32x8x128xi32, #tpu.memory_space<hbm>> -> memref<1x1x1x128xi32, #tpu.memory_space<hbm>>
        %dma_wait3A_985 = tpu.memref_squeeze %dma_wait3A_984 : memref<1x1x1x128xi32, #tpu.memory_space<hbm>> -> memref<128xi32, #tpu.memory_space<hbm>>
        tpu.wait_dma2 semaphore(%arg14 : memref<!tpu.dma_semaphore, #tpu.memory_space<semaphore_mem>>) src(%dma_wait3A_985 : memref<128xi32, #tpu.memory_space<hbm>>) dst(%dma_wait3A_982 : memref<128xi32, #tpu.memory_space<vmem>>)
        %dma_wait3A_986 = arith.constant 0 : i32
        %dma_wait3A_987 = arith.constant 2 : i32
        %dma_wait3A_988 = arith.constant 0 : i32
        %dma_wait3A_989 = arith.constant 2 : i32
        %dma_wait3A_990 = arith.constant 0 : i32
        %dma_wait3A_991 = tpu.memref_slice %arg6[%dma_wait3A_989, %dma_wait3A_990] : memref<4x128xi32, #tpu.memory_space<vmem>> -> memref<1x128xi32, #tpu.memory_space<vmem>>
        %dma_wait3A_992 = tpu.memref_squeeze %dma_wait3A_991 : memref<1x128xi32, #tpu.memory_space<vmem>> -> memref<128xi32, #tpu.memory_space<vmem>>
        %dma_wait3A_993 = arith.constant 0 : i32
        %dma_wait3A_994 = tpu.memref_slice %arg2[%dma_wait3A_986, %dma_wait3A_987, %dma_wait3A_988, %dma_wait3A_993] : memref<25x32x8x128xi32, #tpu.memory_space<hbm>> -> memref<1x1x1x128xi32, #tpu.memory_space<hbm>>
        %dma_wait3A_995 = tpu.memref_squeeze %dma_wait3A_994 : memref<1x1x1x128xi32, #tpu.memory_space<hbm>> -> memref<128xi32, #tpu.memory_space<hbm>>
        %dma_wait3A_996 = arith.constant 0 : i32
        %dma_wait3A_997 = tpu.memref_slice %arg6[%dma_wait3A_989, %dma_wait3A_996] : memref<4x128xi32, #tpu.memory_space<vmem>> -> memref<1x128xi32, #tpu.memory_space<vmem>>
        %dma_wait3A_998 = tpu.memref_squeeze %dma_wait3A_997 : memref<1x128xi32, #tpu.memory_space<vmem>> -> memref<128xi32, #tpu.memory_space<vmem>>
        %dma_wait3A_999 = arith.constant 0 : i32
        %dma_wait3A_1000 = tpu.memref_slice %arg2[%dma_wait3A_986, %dma_wait3A_987, %dma_wait3A_988, %dma_wait3A_999] : memref<25x32x8x128xi32, #tpu.memory_space<hbm>> -> memref<1x1x1x128xi32, #tpu.memory_space<hbm>>
        %dma_wait3A_1001 = tpu.memref_squeeze %dma_wait3A_1000 : memref<1x1x1x128xi32, #tpu.memory_space<hbm>> -> memref<128xi32, #tpu.memory_space<hbm>>
        tpu.wait_dma2 semaphore(%arg14 : memref<!tpu.dma_semaphore, #tpu.memory_space<semaphore_mem>>) src(%dma_wait3A_1001 : memref<128xi32, #tpu.memory_space<hbm>>) dst(%dma_wait3A_998 : memref<128xi32, #tpu.memory_space<vmem>>)
        %dma_wait3A_1002 = arith.constant 0 : i32
        %dma_wait3A_1003 = arith.constant 3 : i32
        %dma_wait3A_1004 = arith.constant 0 : i32
        %dma_wait3A_1005 = arith.constant 3 : i32
        %dma_wait3A_1006 = arith.constant 0 : i32
        %dma_wait3A_1007 = tpu.memref_slice %arg6[%dma_wait3A_1005, %dma_wait3A_1006] : memref<4x128xi32, #tpu.memory_space<vmem>> -> memref<1x128xi32, #tpu.memory_space<vmem>>
        %dma_wait3A_1008 = tpu.memref_squeeze %dma_wait3A_1007 : memref<1x128xi32, #tpu.memory_space<vmem>> -> memref<128xi32, #tpu.memory_space<vmem>>
        %dma_wait3A_1009 = arith.constant 0 : i32
        %dma_wait3A_1010 = tpu.memref_slice %arg2[%dma_wait3A_1002, %dma_wait3A_1003, %dma_wait3A_1004, %dma_wait3A_1009] : memref<25x32x8x128xi32, #tpu.memory_space<hbm>> -> memref<1x1x1x128xi32, #tpu.memory_space<hbm>>
        %dma_wait3A_1011 = tpu.memref_squeeze %dma_wait3A_1010 : memref<1x1x1x128xi32, #tpu.memory_space<hbm>> -> memref<128xi32, #tpu.memory_space<hbm>>
        %dma_wait3A_1012 = arith.constant 0 : i32
        %dma_wait3A_1013 = tpu.memref_slice %arg6[%dma_wait3A_1005, %dma_wait3A_1012] : memref<4x128xi32, #tpu.memory_space<vmem>> -> memref<1x128xi32, #tpu.memory_space<vmem>>
        %dma_wait3A_1014 = tpu.memref_squeeze %dma_wait3A_1013 : memref<1x128xi32, #tpu.memory_space<vmem>> -> memref<128xi32, #tpu.memory_space<vmem>>
        %dma_wait3A_1015 = arith.constant 0 : i32
        %dma_wait3A_1016 = tpu.memref_slice %arg2[%dma_wait3A_1002, %dma_wait3A_1003, %dma_wait3A_1004, %dma_wait3A_1015] : memref<25x32x8x128xi32, #tpu.memory_space<hbm>> -> memref<1x1x1x128xi32, #tpu.memory_space<hbm>>
        %dma_wait3A_1017 = tpu.memref_squeeze %dma_wait3A_1016 : memref<1x1x1x128xi32, #tpu.memory_space<hbm>> -> memref<128xi32, #tpu.memory_space<hbm>>
        tpu.wait_dma2 semaphore(%arg14 : memref<!tpu.dma_semaphore, #tpu.memory_space<semaphore_mem>>) src(%dma_wait3A_1017 : memref<128xi32, #tpu.memory_space<hbm>>) dst(%dma_wait3A_1014 : memref<128xi32, #tpu.memory_space<vmem>>)
        %dma_start3A_1018 = arith.constant 0 : i32
        %dma_start3A_1019 = arith.constant 0 : i32
        %dma_start3A_1020 = arith.constant 0 : i32
        %dma_start3A_1021 = tpu.memref_slice %arg8[%dma_start3A_1019, %dma_start3A_1020] : memref<512x32xf32, #tpu.memory_space<vmem>> -> memref<128x32xf32, #tpu.memory_space<vmem>>
        %dma_start3A_1022 = arith.constant 0 : i32
        %dma_start3A_1023 = tpu.memref_slice %arg6[%dma_start3A_1018, %dma_start3A_1022] : memref<4x128xi32, #tpu.memory_space<vmem>> -> memref<1x128xi32, #tpu.memory_space<vmem>>
        %dma_start3A_1024 = tpu.memref_squeeze %dma_start3A_1023 : memref<1x128xi32, #tpu.memory_space<vmem>> -> memref<128xi32, #tpu.memory_space<vmem>>
        %dma_start3A_1025 = arith.constant 0 : i32
        %dma_start3A_1026 = arith.constant 0 : i32
        %dma_start3A_1027 = tpu.memref_slice %arg3[%dma_start3A_1025, %dma_start3A_1026] : memref<1000000x32xf32, #tpu.memory_space<hbm>> -> memref<1000000x32xf32, #tpu.memory_space<hbm>>
        tpu.enqueue_indirect_dma source(%dma_start3A_1027 : memref<1000000x32xf32, #tpu.memory_space<hbm>>) target(%dma_start3A_1021 : memref<128x32xf32, #tpu.memory_space<vmem>>) offsets(%dma_start3A_1024 : memref<128xi32, #tpu.memory_space<vmem>>) semaphore(%arg16 : memref<!tpu.dma_semaphore, #tpu.memory_space<semaphore_mem>>)
        %dma_start3A_1028 = arith.constant 1 : i32
        %dma_start3A_1029 = arith.constant 128 : i32
        %dma_start3A_1030 = arith.constant 0 : i32
        %dma_start3A_1031 = tpu.memref_slice %arg8[%dma_start3A_1029, %dma_start3A_1030] : memref<512x32xf32, #tpu.memory_space<vmem>> -> memref<128x32xf32, #tpu.memory_space<vmem>>
        %dma_start3A_1032 = arith.constant 0 : i32
        %dma_start3A_1033 = tpu.memref_slice %arg6[%dma_start3A_1028, %dma_start3A_1032] : memref<4x128xi32, #tpu.memory_space<vmem>> -> memref<1x128xi32, #tpu.memory_space<vmem>>
        %dma_start3A_1034 = tpu.memref_squeeze %dma_start3A_1033 : memref<1x128xi32, #tpu.memory_space<vmem>> -> memref<128xi32, #tpu.memory_space<vmem>>
        %dma_start3A_1035 = arith.constant 0 : i32
        %dma_start3A_1036 = arith.constant 0 : i32
        %dma_start3A_1037 = tpu.memref_slice %arg3[%dma_start3A_1035, %dma_start3A_1036] : memref<1000000x32xf32, #tpu.memory_space<hbm>> -> memref<1000000x32xf32, #tpu.memory_space<hbm>>
        tpu.enqueue_indirect_dma source(%dma_start3A_1037 : memref<1000000x32xf32, #tpu.memory_space<hbm>>) target(%dma_start3A_1031 : memref<128x32xf32, #tpu.memory_space<vmem>>) offsets(%dma_start3A_1034 : memref<128xi32, #tpu.memory_space<vmem>>) semaphore(%arg16 : memref<!tpu.dma_semaphore, #tpu.memory_space<semaphore_mem>>)
        %dma_start3A_1038 = arith.constant 2 : i32
        %dma_start3A_1039 = arith.constant 256 : i32
        %dma_start3A_1040 = arith.constant 0 : i32
        %dma_start3A_1041 = tpu.memref_slice %arg8[%dma_start3A_1039, %dma_start3A_1040] : memref<512x32xf32, #tpu.memory_space<vmem>> -> memref<128x32xf32, #tpu.memory_space<vmem>>
        %dma_start3A_1042 = arith.constant 0 : i32
        %dma_start3A_1043 = tpu.memref_slice %arg6[%dma_start3A_1038, %dma_start3A_1042] : memref<4x128xi32, #tpu.memory_space<vmem>> -> memref<1x128xi32, #tpu.memory_space<vmem>>
        %dma_start3A_1044 = tpu.memref_squeeze %dma_start3A_1043 : memref<1x128xi32, #tpu.memory_space<vmem>> -> memref<128xi32, #tpu.memory_space<vmem>>
        %dma_start3A_1045 = arith.constant 0 : i32
        %dma_start3A_1046 = arith.constant 0 : i32
        %dma_start3A_1047 = tpu.memref_slice %arg3[%dma_start3A_1045, %dma_start3A_1046] : memref<1000000x32xf32, #tpu.memory_space<hbm>> -> memref<1000000x32xf32, #tpu.memory_space<hbm>>
        tpu.enqueue_indirect_dma source(%dma_start3A_1047 : memref<1000000x32xf32, #tpu.memory_space<hbm>>) target(%dma_start3A_1041 : memref<128x32xf32, #tpu.memory_space<vmem>>) offsets(%dma_start3A_1044 : memref<128xi32, #tpu.memory_space<vmem>>) semaphore(%arg16 : memref<!tpu.dma_semaphore, #tpu.memory_space<semaphore_mem>>)
        %dma_start3A_1048 = arith.constant 3 : i32
        %dma_start3A_1049 = arith.constant 384 : i32
        %dma_start3A_1050 = arith.constant 0 : i32
        %dma_start3A_1051 = tpu.memref_slice %arg8[%dma_start3A_1049, %dma_start3A_1050] : memref<512x32xf32, #tpu.memory_space<vmem>> -> memref<128x32xf32, #tpu.memory_space<vmem>>
        %dma_start3A_1052 = arith.constant 0 : i32
        %dma_start3A_1053 = tpu.memref_slice %arg6[%dma_start3A_1048, %dma_start3A_1052] : memref<4x128xi32, #tpu.memory_space<vmem>> -> memref<1x128xi32, #tpu.memory_space<vmem>>
        %dma_start3A_1054 = tpu.memref_squeeze %dma_start3A_1053 : memref<1x128xi32, #tpu.memory_space<vmem>> -> memref<128xi32, #tpu.memory_space<vmem>>
        %dma_start3A_1055 = arith.constant 0 : i32
        %dma_start3A_1056 = arith.constant 0 : i32
        %dma_start3A_1057 = tpu.memref_slice %arg3[%dma_start3A_1055, %dma_start3A_1056] : memref<1000000x32xf32, #tpu.memory_space<hbm>> -> memref<1000000x32xf32, #tpu.memory_space<hbm>>
        tpu.enqueue_indirect_dma source(%dma_start3A_1057 : memref<1000000x32xf32, #tpu.memory_space<hbm>>) target(%dma_start3A_1051 : memref<128x32xf32, #tpu.memory_space<vmem>>) offsets(%dma_start3A_1054 : memref<128xi32, #tpu.memory_space<vmem>>) semaphore(%arg16 : memref<!tpu.dma_semaphore, #tpu.memory_space<semaphore_mem>>)
      } else {
      }
    }
    %scan3A_272 = arith.constant 25 : i32
    %dma_wait3A = arith.constant 0 : i32
    %dma_wait3A_273 = arith.constant 0 : i32
    %dma_wait3A_274 = arith.constant 0 : i32
    %dma_wait3A_275 = arith.constant 0 : i32
    %dma_wait3A_276 = arith.constant 0 : i32
    %dma_wait3A_277 = arith.constant 0 : i32
    %dma_wait3A_278 = tpu.memref_slice %arg11[%dma_wait3A, %dma_wait3A_275, %dma_wait3A_276, %dma_wait3A_277] : memref<4x4x8x128xf32, #tpu.memory_space<vmem>> -> memref<1x4x8x128xf32, #tpu.memory_space<vmem>>
    %dma_wait3A_279 = tpu.memref_squeeze %dma_wait3A_278 : memref<1x4x8x128xf32, #tpu.memory_space<vmem>> -> memref<4x8x128xf32, #tpu.memory_space<vmem>>
    %dma_wait3A_280 = arith.constant 0 : i32
    %dma_wait3A_281 = arith.constant 0 : i32
    %dma_wait3A_282 = arith.constant 0 : i32
    %dma_wait3A_283 = tpu.memref_slice %arg4[%dma_wait3A_273, %dma_wait3A_274, %dma_wait3A_280, %dma_wait3A_281, %dma_wait3A_282] : memref<200x4x32x8x128xf32, #tpu.memory_space<hbm>> -> memref<1x1x4x8x128xf32, #tpu.memory_space<hbm>>
    %dma_wait3A_284 = tpu.memref_squeeze %dma_wait3A_283 : memref<1x1x4x8x128xf32, #tpu.memory_space<hbm>> -> memref<4x8x128xf32, #tpu.memory_space<hbm>>
    %dma_wait3A_285 = arith.constant 0 : i32
    %dma_wait3A_286 = arith.constant 0 : i32
    %dma_wait3A_287 = arith.constant 0 : i32
    %dma_wait3A_288 = tpu.memref_slice %arg4[%dma_wait3A_273, %dma_wait3A_274, %dma_wait3A_285, %dma_wait3A_286, %dma_wait3A_287] : memref<200x4x32x8x128xf32, #tpu.memory_space<hbm>> -> memref<1x1x4x8x128xf32, #tpu.memory_space<hbm>>
    %dma_wait3A_289 = tpu.memref_squeeze %dma_wait3A_288 : memref<1x1x4x8x128xf32, #tpu.memory_space<hbm>> -> memref<4x8x128xf32, #tpu.memory_space<hbm>>
    %dma_wait3A_290 = arith.constant 0 : i32
    %dma_wait3A_291 = arith.constant 0 : i32
    %dma_wait3A_292 = arith.constant 0 : i32
    %dma_wait3A_293 = tpu.memref_slice %arg11[%dma_wait3A, %dma_wait3A_290, %dma_wait3A_291, %dma_wait3A_292] : memref<4x4x8x128xf32, #tpu.memory_space<vmem>> -> memref<1x4x8x128xf32, #tpu.memory_space<vmem>>
    %dma_wait3A_294 = tpu.memref_squeeze %dma_wait3A_293 : memref<1x4x8x128xf32, #tpu.memory_space<vmem>> -> memref<4x8x128xf32, #tpu.memory_space<vmem>>
    tpu.wait_dma2 semaphore(%arg17 : memref<!tpu.dma_semaphore, #tpu.memory_space<semaphore_mem>>) src(%dma_wait3A_294 : memref<4x8x128xf32, #tpu.memory_space<vmem>>) dst(%dma_wait3A_289 : memref<4x8x128xf32, #tpu.memory_space<hbm>>)
    %dma_wait3A_295 = arith.constant 1 : i32
    %dma_wait3A_296 = arith.constant 0 : i32
    %dma_wait3A_297 = arith.constant 1 : i32
    %dma_wait3A_298 = arith.constant 0 : i32
    %dma_wait3A_299 = arith.constant 0 : i32
    %dma_wait3A_300 = arith.constant 0 : i32
    %dma_wait3A_301 = tpu.memref_slice %arg11[%dma_wait3A_295, %dma_wait3A_298, %dma_wait3A_299, %dma_wait3A_300] : memref<4x4x8x128xf32, #tpu.memory_space<vmem>> -> memref<1x4x8x128xf32, #tpu.memory_space<vmem>>
    %dma_wait3A_302 = tpu.memref_squeeze %dma_wait3A_301 : memref<1x4x8x128xf32, #tpu.memory_space<vmem>> -> memref<4x8x128xf32, #tpu.memory_space<vmem>>
    %dma_wait3A_303 = arith.constant 0 : i32
    %dma_wait3A_304 = arith.constant 0 : i32
    %dma_wait3A_305 = arith.constant 0 : i32
    %dma_wait3A_306 = tpu.memref_slice %arg4[%dma_wait3A_296, %dma_wait3A_297, %dma_wait3A_303, %dma_wait3A_304, %dma_wait3A_305] : memref<200x4x32x8x128xf32, #tpu.memory_space<hbm>> -> memref<1x1x4x8x128xf32, #tpu.memory_space<hbm>>
    %dma_wait3A_307 = tpu.memref_squeeze %dma_wait3A_306 : memref<1x1x4x8x128xf32, #tpu.memory_space<hbm>> -> memref<4x8x128xf32, #tpu.memory_space<hbm>>
    %dma_wait3A_308 = arith.constant 0 : i32
    %dma_wait3A_309 = arith.constant 0 : i32
    %dma_wait3A_310 = arith.constant 0 : i32
    %dma_wait3A_311 = tpu.memref_slice %arg4[%dma_wait3A_296, %dma_wait3A_297, %dma_wait3A_308, %dma_wait3A_309, %dma_wait3A_310] : memref<200x4x32x8x128xf32, #tpu.memory_space<hbm>> -> memref<1x1x4x8x128xf32, #tpu.memory_space<hbm>>
    %dma_wait3A_312 = tpu.memref_squeeze %dma_wait3A_311 : memref<1x1x4x8x128xf32, #tpu.memory_space<hbm>> -> memref<4x8x128xf32, #tpu.memory_space<hbm>>
    %dma_wait3A_313 = arith.constant 0 : i32
    %dma_wait3A_314 = arith.constant 0 : i32
    %dma_wait3A_315 = arith.constant 0 : i32
    %dma_wait3A_316 = tpu.memref_slice %arg11[%dma_wait3A_295, %dma_wait3A_313, %dma_wait3A_314, %dma_wait3A_315] : memref<4x4x8x128xf32, #tpu.memory_space<vmem>> -> memref<1x4x8x128xf32, #tpu.memory_space<vmem>>
    %dma_wait3A_317 = tpu.memref_squeeze %dma_wait3A_316 : memref<1x4x8x128xf32, #tpu.memory_space<vmem>> -> memref<4x8x128xf32, #tpu.memory_space<vmem>>
    tpu.wait_dma2 semaphore(%arg17 : memref<!tpu.dma_semaphore, #tpu.memory_space<semaphore_mem>>) src(%dma_wait3A_317 : memref<4x8x128xf32, #tpu.memory_space<vmem>>) dst(%dma_wait3A_312 : memref<4x8x128xf32, #tpu.memory_space<hbm>>)
    %dma_wait3A_318 = arith.constant 2 : i32
    %dma_wait3A_319 = arith.constant 0 : i32
    %dma_wait3A_320 = arith.constant 2 : i32
    %dma_wait3A_321 = arith.constant 0 : i32
    %dma_wait3A_322 = arith.constant 0 : i32
    %dma_wait3A_323 = arith.constant 0 : i32
    %dma_wait3A_324 = tpu.memref_slice %arg11[%dma_wait3A_318, %dma_wait3A_321, %dma_wait3A_322, %dma_wait3A_323] : memref<4x4x8x128xf32, #tpu.memory_space<vmem>> -> memref<1x4x8x128xf32, #tpu.memory_space<vmem>>
    %dma_wait3A_325 = tpu.memref_squeeze %dma_wait3A_324 : memref<1x4x8x128xf32, #tpu.memory_space<vmem>> -> memref<4x8x128xf32, #tpu.memory_space<vmem>>
    %dma_wait3A_326 = arith.constant 0 : i32
    %dma_wait3A_327 = arith.constant 0 : i32
    %dma_wait3A_328 = arith.constant 0 : i32
    %dma_wait3A_329 = tpu.memref_slice %arg4[%dma_wait3A_319, %dma_wait3A_320, %dma_wait3A_326, %dma_wait3A_327, %dma_wait3A_328] : memref<200x4x32x8x128xf32, #tpu.memory_space<hbm>> -> memref<1x1x4x8x128xf32, #tpu.memory_space<hbm>>
    %dma_wait3A_330 = tpu.memref_squeeze %dma_wait3A_329 : memref<1x1x4x8x128xf32, #tpu.memory_space<hbm>> -> memref<4x8x128xf32, #tpu.memory_space<hbm>>
    %dma_wait3A_331 = arith.constant 0 : i32
    %dma_wait3A_332 = arith.constant 0 : i32
    %dma_wait3A_333 = arith.constant 0 : i32
    %dma_wait3A_334 = tpu.memref_slice %arg4[%dma_wait3A_319, %dma_wait3A_320, %dma_wait3A_331, %dma_wait3A_332, %dma_wait3A_333] : memref<200x4x32x8x128xf32, #tpu.memory_space<hbm>> -> memref<1x1x4x8x128xf32, #tpu.memory_space<hbm>>
    %dma_wait3A_335 = tpu.memref_squeeze %dma_wait3A_334 : memref<1x1x4x8x128xf32, #tpu.memory_space<hbm>> -> memref<4x8x128xf32, #tpu.memory_space<hbm>>
    %dma_wait3A_336 = arith.constant 0 : i32
    %dma_wait3A_337 = arith.constant 0 : i32
    %dma_wait3A_338 = arith.constant 0 : i32
    %dma_wait3A_339 = tpu.memref_slice %arg11[%dma_wait3A_318, %dma_wait3A_336, %dma_wait3A_337, %dma_wait3A_338] : memref<4x4x8x128xf32, #tpu.memory_space<vmem>> -> memref<1x4x8x128xf32, #tpu.memory_space<vmem>>
    %dma_wait3A_340 = tpu.memref_squeeze %dma_wait3A_339 : memref<1x4x8x128xf32, #tpu.memory_space<vmem>> -> memref<4x8x128xf32, #tpu.memory_space<vmem>>
    tpu.wait_dma2 semaphore(%arg17 : memref<!tpu.dma_semaphore, #tpu.memory_space<semaphore_mem>>) src(%dma_wait3A_340 : memref<4x8x128xf32, #tpu.memory_space<vmem>>) dst(%dma_wait3A_335 : memref<4x8x128xf32, #tpu.memory_space<hbm>>)
    %dma_wait3A_341 = arith.constant 3 : i32
    %dma_wait3A_342 = arith.constant 0 : i32
    %dma_wait3A_343 = arith.constant 3 : i32
    %dma_wait3A_344 = arith.constant 0 : i32
    %dma_wait3A_345 = arith.constant 0 : i32
    %dma_wait3A_346 = arith.constant 0 : i32
    %dma_wait3A_347 = tpu.memref_slice %arg11[%dma_wait3A_341, %dma_wait3A_344, %dma_wait3A_345, %dma_wait3A_346] : memref<4x4x8x128xf32, #tpu.memory_space<vmem>> -> memref<1x4x8x128xf32, #tpu.memory_space<vmem>>
    %dma_wait3A_348 = tpu.memref_squeeze %dma_wait3A_347 : memref<1x4x8x128xf32, #tpu.memory_space<vmem>> -> memref<4x8x128xf32, #tpu.memory_space<vmem>>
    %dma_wait3A_349 = arith.constant 0 : i32
    %dma_wait3A_350 = arith.constant 0 : i32
    %dma_wait3A_351 = arith.constant 0 : i32
    %dma_wait3A_352 = tpu.memref_slice %arg4[%dma_wait3A_342, %dma_wait3A_343, %dma_wait3A_349, %dma_wait3A_350, %dma_wait3A_351] : memref<200x4x32x8x128xf32, #tpu.memory_space<hbm>> -> memref<1x1x4x8x128xf32, #tpu.memory_space<hbm>>
    %dma_wait3A_353 = tpu.memref_squeeze %dma_wait3A_352 : memref<1x1x4x8x128xf32, #tpu.memory_space<hbm>> -> memref<4x8x128xf32, #tpu.memory_space<hbm>>
    %dma_wait3A_354 = arith.constant 0 : i32
    %dma_wait3A_355 = arith.constant 0 : i32
    %dma_wait3A_356 = arith.constant 0 : i32
    %dma_wait3A_357 = tpu.memref_slice %arg4[%dma_wait3A_342, %dma_wait3A_343, %dma_wait3A_354, %dma_wait3A_355, %dma_wait3A_356] : memref<200x4x32x8x128xf32, #tpu.memory_space<hbm>> -> memref<1x1x4x8x128xf32, #tpu.memory_space<hbm>>
    %dma_wait3A_358 = tpu.memref_squeeze %dma_wait3A_357 : memref<1x1x4x8x128xf32, #tpu.memory_space<hbm>> -> memref<4x8x128xf32, #tpu.memory_space<hbm>>
    %dma_wait3A_359 = arith.constant 0 : i32
    %dma_wait3A_360 = arith.constant 0 : i32
    %dma_wait3A_361 = arith.constant 0 : i32
    %dma_wait3A_362 = tpu.memref_slice %arg11[%dma_wait3A_341, %dma_wait3A_359, %dma_wait3A_360, %dma_wait3A_361] : memref<4x4x8x128xf32, #tpu.memory_space<vmem>> -> memref<1x4x8x128xf32, #tpu.memory_space<vmem>>
    %dma_wait3A_363 = tpu.memref_squeeze %dma_wait3A_362 : memref<1x4x8x128xf32, #tpu.memory_space<vmem>> -> memref<4x8x128xf32, #tpu.memory_space<vmem>>
    tpu.wait_dma2 semaphore(%arg17 : memref<!tpu.dma_semaphore, #tpu.memory_space<semaphore_mem>>) src(%dma_wait3A_363 : memref<4x8x128xf32, #tpu.memory_space<vmem>>) dst(%dma_wait3A_358 : memref<4x8x128xf32, #tpu.memory_space<hbm>>)
    %dma_wait3A_364 = arith.constant 0 : i32
    %dma_wait3A_365 = arith.constant 0 : i32
    %dma_wait3A_366 = arith.constant 0 : i32
    %dma_wait3A_367 = arith.constant 0 : i32
    %dma_wait3A_368 = arith.constant 0 : i32
    %dma_wait3A_369 = arith.constant 0 : i32
    %dma_wait3A_370 = tpu.memref_slice %arg12[%dma_wait3A_364, %dma_wait3A_367, %dma_wait3A_368, %dma_wait3A_369] : memref<4x4x8x128xf32, #tpu.memory_space<vmem>> -> memref<1x4x8x128xf32, #tpu.memory_space<vmem>>
    %dma_wait3A_371 = tpu.memref_squeeze %dma_wait3A_370 : memref<1x4x8x128xf32, #tpu.memory_space<vmem>> -> memref<4x8x128xf32, #tpu.memory_space<vmem>>
    %dma_wait3A_372 = arith.constant 0 : i32
    %dma_wait3A_373 = arith.constant 0 : i32
    %dma_wait3A_374 = arith.constant 0 : i32
    %dma_wait3A_375 = tpu.memref_slice %arg4[%dma_wait3A_365, %dma_wait3A_366, %dma_wait3A_372, %dma_wait3A_373, %dma_wait3A_374] : memref<200x4x32x8x128xf32, #tpu.memory_space<hbm>> -> memref<1x1x4x8x128xf32, #tpu.memory_space<hbm>>
    %dma_wait3A_376 = tpu.memref_squeeze %dma_wait3A_375 : memref<1x1x4x8x128xf32, #tpu.memory_space<hbm>> -> memref<4x8x128xf32, #tpu.memory_space<hbm>>
    %dma_wait3A_377 = arith.constant 0 : i32
    %dma_wait3A_378 = arith.constant 0 : i32
    %dma_wait3A_379 = arith.constant 0 : i32
    %dma_wait3A_380 = tpu.memref_slice %arg4[%dma_wait3A_365, %dma_wait3A_366, %dma_wait3A_377, %dma_wait3A_378, %dma_wait3A_379] : memref<200x4x32x8x128xf32, #tpu.memory_space<hbm>> -> memref<1x1x4x8x128xf32, #tpu.memory_space<hbm>>
    %dma_wait3A_381 = tpu.memref_squeeze %dma_wait3A_380 : memref<1x1x4x8x128xf32, #tpu.memory_space<hbm>> -> memref<4x8x128xf32, #tpu.memory_space<hbm>>
    %dma_wait3A_382 = arith.constant 0 : i32
    %dma_wait3A_383 = arith.constant 0 : i32
    %dma_wait3A_384 = arith.constant 0 : i32
    %dma_wait3A_385 = tpu.memref_slice %arg12[%dma_wait3A_364, %dma_wait3A_382, %dma_wait3A_383, %dma_wait3A_384] : memref<4x4x8x128xf32, #tpu.memory_space<vmem>> -> memref<1x4x8x128xf32, #tpu.memory_space<vmem>>
    %dma_wait3A_386 = tpu.memref_squeeze %dma_wait3A_385 : memref<1x4x8x128xf32, #tpu.memory_space<vmem>> -> memref<4x8x128xf32, #tpu.memory_space<vmem>>
    tpu.wait_dma2 semaphore(%arg18 : memref<!tpu.dma_semaphore, #tpu.memory_space<semaphore_mem>>) src(%dma_wait3A_386 : memref<4x8x128xf32, #tpu.memory_space<vmem>>) dst(%dma_wait3A_381 : memref<4x8x128xf32, #tpu.memory_space<hbm>>)
    %dma_wait3A_387 = arith.constant 1 : i32
    %dma_wait3A_388 = arith.constant 0 : i32
    %dma_wait3A_389 = arith.constant 1 : i32
    %dma_wait3A_390 = arith.constant 0 : i32
    %dma_wait3A_391 = arith.constant 0 : i32
    %dma_wait3A_392 = arith.constant 0 : i32
    %dma_wait3A_393 = tpu.memref_slice %arg12[%dma_wait3A_387, %dma_wait3A_390, %dma_wait3A_391, %dma_wait3A_392] : memref<4x4x8x128xf32, #tpu.memory_space<vmem>> -> memref<1x4x8x128xf32, #tpu.memory_space<vmem>>
    %dma_wait3A_394 = tpu.memref_squeeze %dma_wait3A_393 : memref<1x4x8x128xf32, #tpu.memory_space<vmem>> -> memref<4x8x128xf32, #tpu.memory_space<vmem>>
    %dma_wait3A_395 = arith.constant 0 : i32
    %dma_wait3A_396 = arith.constant 0 : i32
    %dma_wait3A_397 = arith.constant 0 : i32
    %dma_wait3A_398 = tpu.memref_slice %arg4[%dma_wait3A_388, %dma_wait3A_389, %dma_wait3A_395, %dma_wait3A_396, %dma_wait3A_397] : memref<200x4x32x8x128xf32, #tpu.memory_space<hbm>> -> memref<1x1x4x8x128xf32, #tpu.memory_space<hbm>>
    %dma_wait3A_399 = tpu.memref_squeeze %dma_wait3A_398 : memref<1x1x4x8x128xf32, #tpu.memory_space<hbm>> -> memref<4x8x128xf32, #tpu.memory_space<hbm>>
    %dma_wait3A_400 = arith.constant 0 : i32
    %dma_wait3A_401 = arith.constant 0 : i32
    %dma_wait3A_402 = arith.constant 0 : i32
    %dma_wait3A_403 = tpu.memref_slice %arg4[%dma_wait3A_388, %dma_wait3A_389, %dma_wait3A_400, %dma_wait3A_401, %dma_wait3A_402] : memref<200x4x32x8x128xf32, #tpu.memory_space<hbm>> -> memref<1x1x4x8x128xf32, #tpu.memory_space<hbm>>
    %dma_wait3A_404 = tpu.memref_squeeze %dma_wait3A_403 : memref<1x1x4x8x128xf32, #tpu.memory_space<hbm>> -> memref<4x8x128xf32, #tpu.memory_space<hbm>>
    %dma_wait3A_405 = arith.constant 0 : i32
    %dma_wait3A_406 = arith.constant 0 : i32
    %dma_wait3A_407 = arith.constant 0 : i32
    %dma_wait3A_408 = tpu.memref_slice %arg12[%dma_wait3A_387, %dma_wait3A_405, %dma_wait3A_406, %dma_wait3A_407] : memref<4x4x8x128xf32, #tpu.memory_space<vmem>> -> memref<1x4x8x128xf32, #tpu.memory_space<vmem>>
    %dma_wait3A_409 = tpu.memref_squeeze %dma_wait3A_408 : memref<1x4x8x128xf32, #tpu.memory_space<vmem>> -> memref<4x8x128xf32, #tpu.memory_space<vmem>>
    tpu.wait_dma2 semaphore(%arg18 : memref<!tpu.dma_semaphore, #tpu.memory_space<semaphore_mem>>) src(%dma_wait3A_409 : memref<4x8x128xf32, #tpu.memory_space<vmem>>) dst(%dma_wait3A_404 : memref<4x8x128xf32, #tpu.memory_space<hbm>>)
    %dma_wait3A_410 = arith.constant 2 : i32
    %dma_wait3A_411 = arith.constant 0 : i32
    %dma_wait3A_412 = arith.constant 2 : i32
    %dma_wait3A_413 = arith.constant 0 : i32
    %dma_wait3A_414 = arith.constant 0 : i32
    %dma_wait3A_415 = arith.constant 0 : i32
    %dma_wait3A_416 = tpu.memref_slice %arg12[%dma_wait3A_410, %dma_wait3A_413, %dma_wait3A_414, %dma_wait3A_415] : memref<4x4x8x128xf32, #tpu.memory_space<vmem>> -> memref<1x4x8x128xf32, #tpu.memory_space<vmem>>
    %dma_wait3A_417 = tpu.memref_squeeze %dma_wait3A_416 : memref<1x4x8x128xf32, #tpu.memory_space<vmem>> -> memref<4x8x128xf32, #tpu.memory_space<vmem>>
    %dma_wait3A_418 = arith.constant 0 : i32
    %dma_wait3A_419 = arith.constant 0 : i32
    %dma_wait3A_420 = arith.constant 0 : i32
    %dma_wait3A_421 = tpu.memref_slice %arg4[%dma_wait3A_411, %dma_wait3A_412, %dma_wait3A_418, %dma_wait3A_419, %dma_wait3A_420] : memref<200x4x32x8x128xf32, #tpu.memory_space<hbm>> -> memref<1x1x4x8x128xf32, #tpu.memory_space<hbm>>
    %dma_wait3A_422 = tpu.memref_squeeze %dma_wait3A_421 : memref<1x1x4x8x128xf32, #tpu.memory_space<hbm>> -> memref<4x8x128xf32, #tpu.memory_space<hbm>>
    %dma_wait3A_423 = arith.constant 0 : i32
    %dma_wait3A_424 = arith.constant 0 : i32
    %dma_wait3A_425 = arith.constant 0 : i32
    %dma_wait3A_426 = tpu.memref_slice %arg4[%dma_wait3A_411, %dma_wait3A_412, %dma_wait3A_423, %dma_wait3A_424, %dma_wait3A_425] : memref<200x4x32x8x128xf32, #tpu.memory_space<hbm>> -> memref<1x1x4x8x128xf32, #tpu.memory_space<hbm>>
    %dma_wait3A_427 = tpu.memref_squeeze %dma_wait3A_426 : memref<1x1x4x8x128xf32, #tpu.memory_space<hbm>> -> memref<4x8x128xf32, #tpu.memory_space<hbm>>
    %dma_wait3A_428 = arith.constant 0 : i32
    %dma_wait3A_429 = arith.constant 0 : i32
    %dma_wait3A_430 = arith.constant 0 : i32
    %dma_wait3A_431 = tpu.memref_slice %arg12[%dma_wait3A_410, %dma_wait3A_428, %dma_wait3A_429, %dma_wait3A_430] : memref<4x4x8x128xf32, #tpu.memory_space<vmem>> -> memref<1x4x8x128xf32, #tpu.memory_space<vmem>>
    %dma_wait3A_432 = tpu.memref_squeeze %dma_wait3A_431 : memref<1x4x8x128xf32, #tpu.memory_space<vmem>> -> memref<4x8x128xf32, #tpu.memory_space<vmem>>
    tpu.wait_dma2 semaphore(%arg18 : memref<!tpu.dma_semaphore, #tpu.memory_space<semaphore_mem>>) src(%dma_wait3A_432 : memref<4x8x128xf32, #tpu.memory_space<vmem>>) dst(%dma_wait3A_427 : memref<4x8x128xf32, #tpu.memory_space<hbm>>)
    %dma_wait3A_433 = arith.constant 3 : i32
    %dma_wait3A_434 = arith.constant 0 : i32
    %dma_wait3A_435 = arith.constant 3 : i32
    %dma_wait3A_436 = arith.constant 0 : i32
    %dma_wait3A_437 = arith.constant 0 : i32
    %dma_wait3A_438 = arith.constant 0 : i32
    %dma_wait3A_439 = tpu.memref_slice %arg12[%dma_wait3A_433, %dma_wait3A_436, %dma_wait3A_437, %dma_wait3A_438] : memref<4x4x8x128xf32, #tpu.memory_space<vmem>> -> memref<1x4x8x128xf32, #tpu.memory_space<vmem>>
    %dma_wait3A_440 = tpu.memref_squeeze %dma_wait3A_439 : memref<1x4x8x128xf32, #tpu.memory_space<vmem>> -> memref<4x8x128xf32, #tpu.memory_space<vmem>>
    %dma_wait3A_441 = arith.constant 0 : i32
    %dma_wait3A_442 = arith.constant 0 : i32
    %dma_wait3A_443 = arith.constant 0 : i32
    %dma_wait3A_444 = tpu.memref_slice %arg4[%dma_wait3A_434, %dma_wait3A_435, %dma_wait3A_441, %dma_wait3A_442, %dma_wait3A_443] : memref<200x4x32x8x128xf32, #tpu.memory_space<hbm>> -> memref<1x1x4x8x128xf32, #tpu.memory_space<hbm>>
    %dma_wait3A_445 = tpu.memref_squeeze %dma_wait3A_444 : memref<1x1x4x8x128xf32, #tpu.memory_space<hbm>> -> memref<4x8x128xf32, #tpu.memory_space<hbm>>
    %dma_wait3A_446 = arith.constant 0 : i32
    %dma_wait3A_447 = arith.constant 0 : i32
    %dma_wait3A_448 = arith.constant 0 : i32
    %dma_wait3A_449 = tpu.memref_slice %arg4[%dma_wait3A_434, %dma_wait3A_435, %dma_wait3A_446, %dma_wait3A_447, %dma_wait3A_448] : memref<200x4x32x8x128xf32, #tpu.memory_space<hbm>> -> memref<1x1x4x8x128xf32, #tpu.memory_space<hbm>>
    %dma_wait3A_450 = tpu.memref_squeeze %dma_wait3A_449 : memref<1x1x4x8x128xf32, #tpu.memory_space<hbm>> -> memref<4x8x128xf32, #tpu.memory_space<hbm>>
    %dma_wait3A_451 = arith.constant 0 : i32
    %dma_wait3A_452 = arith.constant 0 : i32
    %dma_wait3A_453 = arith.constant 0 : i32
    %dma_wait3A_454 = tpu.memref_slice %arg12[%dma_wait3A_433, %dma_wait3A_451, %dma_wait3A_452, %dma_wait3A_453] : memref<4x4x8x128xf32, #tpu.memory_space<vmem>> -> memref<1x4x8x128xf32, #tpu.memory_space<vmem>>
    %dma_wait3A_455 = tpu.memref_squeeze %dma_wait3A_454 : memref<1x4x8x128xf32, #tpu.memory_space<vmem>> -> memref<4x8x128xf32, #tpu.memory_space<vmem>>
    tpu.wait_dma2 semaphore(%arg18 : memref<!tpu.dma_semaphore, #tpu.memory_space<semaphore_mem>>) src(%dma_wait3A_455 : memref<4x8x128xf32, #tpu.memory_space<vmem>>) dst(%dma_wait3A_450 : memref<4x8x128xf32, #tpu.memory_space<hbm>>)
    return
  }
}

</mosaic_0001>

<sc_bundles>
// kernel: kernel.3.cloned.1.call-start
scs
__scs_entry_jumppad:
0x0: {  	(pc) =	sbr.rel $0x88, $3  }
0x1: {  	(tag) =	ssettag $0x0;
	lr =	simm.s32 $0x1  }
0x2: {  	[smem:$0x3F9F] =	sst lr;
	_ =	strace $0xD0000000  }
0x3: {  	_ = 	snop  }
0x4: {  	_ = 	snop  }
0x5: {  	_ = 	snop  }
0x6: {  	_ = 	snop  }
0x7: {  	_ = 	snop  }
__scs_overlays_trampoline_lowered:
0x8: {  	[smem:$0x3FAE] =	sst s0  }
0x9: {  	[smem:$0x3FAF] =	sst s1  }
0xa: {  	[smem:$0x3FB0] =	sst s2  }
0xb: {  	[smem:$0x3FB1] =	sst s3  }
0xc: {  	[smem:$0x3FB2] =	sst s4  }
0xd: {  	[smem:$0x3FB3] =	sst s5  }
0xe: {  	[smem:$0x3FB4] =	sst s6  }
0xf: {  	[smem:$0x3FB5] =	sst s7  }
0x10: {  	[smem:$0x3FB6] =	sst s8  }
0x11: {  	[smem:$0x3FB7] =	sst s9;
	s0 =	simm.s32 @!p0 $0x0  }
0x12: {  	s1 =	sld [smem:$0x3F9D];
	s0 =	simm.s32 @p0 $0x1  }
0x13: {  	[smem:$0x3FB8] =	sst s0;
	s0 =	simm.s32 @!p1 $0x0  }
0x14: {  	s2 =	sld [smem:$0x3F9C];
	s0 =	simm.s32 @p1 $0x1  }
0x15: {  	[smem:$0x3FB9] =	sst s0;
	s0 =	simm.s32 @!p2 $0x0  }
0x16: {  	s3 =	sld [smem:$0x3FDB];
	s0 =	simm.s32 @p2 $0x1  }
0x17: {  	s4 =	simm.s32 $0x1BF5;
	[smem:$0x3FBB] =	sst s0  }
0x18: {  	s0 =	sld [smem:$0x3F9E];
	_ =	swait.ge [sflag:s4], $0x0  }
0x19: {  	s7 =	sld [smem:$0x3F9F]  }
0x1a: {  	s8 =	sadd.s32 $0xFFFFE003, lr  }
0x1b: {  	s9 =	sadd.s32 $0xFFFFFEF7, lr;
	s5 =	simm.s32 $0xFFFFFFFF;
	p2 =	slt.u32 s8, $0xFFFFF086  }
0x1c: {  	p1 =	slt.u32 s9, $0xF7A;
	s5 =	simm.s32 @!p2 $0x0  }
0x1d: {  	s5 =	simm.s32 @p1 $0x1;
	p0 =	seq.s32 s7, s2  }
0x1e: {  	s7 =	smul.u32 @!p0 $0xF7A, s2;
	p2 =	seq.s32 @!p0 s5, $0x0  }
0x1f: {  	s9 =	smul.u32 $0xF7A, s1;
	s8 =	simm.s32 @!p0 $0x1BF5;
	p2 =	por !p2, p0  }
0x20: {  	[sflag:s8] =	ssyncset.s32 @!p0 $0xFFFFF086;
	s6 =	sadd.s32 @!p0 s3, s7;
	s7 =	simm.s32 @!p0 $0x108  }
0x21: {  	s3 =	sadd.s32 s3, s9;
	s6 =	sadd.s32 @!p0 $0x88, s6;
	s7 =	simm.s32 @p2 $0x1082  }
0x22: {  	[simem:s7], [sflag:s8] =	dma.local @!p0 [hbm:s6], $0xF7A  }
0x23: {  	s9 =	sor.u32 $0xD0000000, s2;
	s6 =	simm.s32 $0x108;
	_ =	swait.ge @!p0 [sflag:s8], $0x0  }
0x24: {  	s3 =	sadd.s32 $0x88, s3;
	s6 =	simm.s32 @!p1 $0x1082;
	[sflag:s4] =	ssyncset.s32 $0xFFFFF086  }
0x25: {  	[simem:s6], [sflag:s4] =	dma.local [hbm:s3], $0xF7A  }
0x26: {  	[smem:$0x3F9F] =	sst s1;
	(tag) =	ssettag s2;
	_ =	strace s9  }
0x27: {  	s1 =	sld [smem:$0x3FAF]  }
0x28: {  	s2 =	sld [smem:$0x3FB0]  }
0x29: {  	s4 =	sld [smem:$0x3FB2]  }
0x2a: {  	p0 =	seq.s32 s5, $0x0;
	s5 =	sld [smem:$0x3FB3]  }
0x2b: {  	s6 =	sld [smem:$0x3FB4]  }
0x2c: {  	s7 =	sld [smem:$0x3FB5]  }
0x2d: {  	s3 =	simm.s32 $0x108;
	s8 =	sld [smem:$0x3FB6]  }
0x2e: {  	s3 =	simm.s32 @!p0 $0x1082;
	s9 =	sld [smem:$0x3FB7]  }
0x2f: {  	lr =	sadd.s32 s0, s3;
	s0 =	sld [smem:$0x3FAE]  }
0x30: {  	s3 =	sld [smem:$0x3FB1]  }
0x31: {  	[smem:$0x3FBA] =	sst s10  }
0x32: {  	s10 =	sld [smem:$0x3FB8];
	_ =	sdelay $0x3  }
0x33: {  	p0 =	seq.s32 s10, $0x1;
	s10 =	sld [smem:$0x3FBA];
	_ =	sdelay $0x3  }
0x34: {  	[smem:$0x3FBA] =	sst s10  }
0x35: {  	s10 =	sld [smem:$0x3FB9];
	_ =	sdelay $0x3  }
0x36: {  	p1 =	seq.s32 s10, $0x1;
	s10 =	sld [smem:$0x3FBA];
	_ =	sdelay $0x3  }
0x37: {  	[smem:$0x3FBA] =	sst s10  }
0x38: {  	s10 =	sld [smem:$0x3FBB]  }
0x39: {  	_ = 	snop;
	(pc) =	sbr.ind lr, $3  }
0x3a: {  	_ = 	snop  }
0x3b: {  	_ = 	snop  }
0x3c: {  	p2 =	seq.s32 s10, $0x1;
	s10 =	sld [smem:$0x3FBA]  }
0x3d: {  	_ =	shalt  }
0x3e: {  	_ =	shalt  }
0x3f: {  	_ =	shalt  }
0x40: {  	_ =	shalt  }
0x41: {  	_ =	shalt  }
0x42: {  	_ =	shalt  }
0x43: {  	_ =	shalt  }
0x44: {  	_ =	shalt  }
0x45: {  	_ =	shalt  }
0x46: {  	_ =	shalt  }
0x47: {  	_ =	shalt  }
0x48: {  	_ =	shalt  }
0x49: {  	_ =	shalt  }
0x4a: {  	_ =	shalt  }
0x4b: {  	_ =	shalt  }
0x4c: {  	_ =	shalt  }
0x4d: {  	_ =	shalt  }
0x4e: {  	_ =	shalt  }
0x4f: {  	_ =	shalt  }
0x50: {  	_ =	shalt  }
0x51: {  	_ =	shalt  }
0x52: {  	_ =	shalt  }
0x53: {  	_ =	shalt  }
0x54: {  	_ =	shalt  }
0x55: {  	_ =	shalt  }
0x56: {  	_ =	shalt  }
0x57: {  	_ =	shalt  }
0x58: {  	_ =	shalt  }
0x59: {  	_ =	shalt  }
0x5a: {  	_ =	shalt  }
0x5b: {  	_ =	shalt  }
0x5c: {  	_ =	shalt  }
0x5d: {  	_ =	shalt  }
0x5e: {  	_ =	shalt  }
0x5f: {  	_ =	shalt  }
0x60: {  	_ =	shalt  }
0x61: {  	_ =	shalt  }
0x62: {  	_ =	shalt  }
0x63: {  	_ =	shalt  }
0x64: {  	_ =	shalt  }
0x65: {  	_ =	shalt  }
0x66: {  	_ =	shalt  }
0x67: {  	_ =	shalt  }
0x68: {  	_ =	shalt  }
0x69: {  	_ =	shalt  }
0x6a: {  	_ =	shalt  }
0x6b: {  	_ =	shalt  }
0x6c: {  	_ =	shalt  }
0x6d: {  	_ =	shalt  }
0x6e: {  	_ =	shalt  }
0x6f: {  	_ =	shalt  }
0x70: {  	_ =	shalt  }
0x71: {  	_ =	shalt  }
0x72: {  	_ =	shalt  }
0x73: {  	_ =	shalt  }
0x74: {  	_ =	shalt  }
0x75: {  	_ =	shalt  }
0x76: {  	_ =	shalt  }
0x77: {  	_ =	shalt  }
0x78: {  	_ =	shalt  }
0x79: {  	_ =	shalt  }
0x7a: {  	_ =	shalt  }
0x7b: {  	_ =	shalt  }
0x7c: {  	_ =	shalt  }
0x7d: {  	_ =	shalt  }
0x7e: {  	_ =	shalt  }
0x7f: {  	_ =	shalt  }
0x80: {  	_ =	shalt  }
0x81: {  	_ =	shalt  }
0x82: {  	_ =	shalt  }
0x83: {  	_ =	shalt  }
0x84: {  	_ =	shalt  }
0x85: {  	_ =	shalt  }
0x86: {  	_ =	shalt  }
0x87: {  	_ =	shalt  }
.Lfunc_end0:
.L_simem_size_0:
called_computation_lowered:
.L_overlay_start_0:
0x88: {  	s2 =	sld [smem:$0x3FD9]  }
0x89: {  	s3 =	sld [smem:$0x3FFE];
	_ =	sdelay $0x1  }
0x8a: {  	s1 =	srdreg.scid  }
0x8b: {  	s0 =	sand.u32 $0x1, s1  }
0x8c: {  	s17 =	sshll.u32 s0, $0xA;
	s2 =	sadd.s32 s3, s2  }
0x8d: {  	s2 =	sadd.s32 s2, s17  }
0x8e: {  	[smem:$0x3FC6] =	sst s2  }
0x8f: {  	_ = 	snop  }
0x90: {  	s2 =	sld [smem:$0x3FC9]  }
0x91: {  	s18 =	sld [smem:$0x3FD0];
	(tm) =	ssettm $0x1  }
0x92: {  	s4 =	sld [smem:$0x3FFB];
	_ =	sdelay $0x3  }
0x93: {  	_ =	strace s4  }
0x94: {  	s4 =	sld [smem:$0x3FFC];
	_ =	sdelay $0x3  }
0x95: {  	_ =	strace s4  }
0x96: {  	s4 =	sld [smem:$0x3FFD];
	_ =	sdelay $0x3  }
0x97: {  	_ =	strace s4  }
0x98: {  	_ =	strace $0x8FFFFFFF  }
0x99: {  	s19 =	sld [smem:$0x3FDB];
	_ =	sdelay $0x1  }
0x9a: {  	s5 =	simm.s32 $_scs_section_size  }
0x9b: {  	s6 =	simm.s32 $_size__tile_overlayer_lowered;
	s7 =	simm.s32 $_tile_overlayer_lowered  }
0x9c: {  	s22 =	simm.s32 $0x1BFF;
	s21 =	sshll.u32 s7, $0x1;
	s4 =	sadd.s32 s5, s19  }
0x9d: {  	s8 =	simm.s32 $0x0;
	s20 =	sshll.u32 s6, $0x1;
	s6 =	sadd.s32 s21, s4  }
0x9e: {  	[timem:s8], [sflag:s22] =	dma.local [hbm:s6], s20  }
0x9f: {  	_ =	swait.ge [sflag:s22], s20  }
0xa0: {  	s5 =	ssub.s32 $0x0, s20;
	[sflag:s22] =	ssyncset.done $0x0  }
0xa1: {  	[sflag:s22] =	ssyncadd.s32 s5;
	_ =	sdelay $0x1  }
0xa2: {  	s23 =	simm.s32 $0x1B8B  }
0xa3: {  	_ =	swait.ge [sflag:s23], $0x1  }
0xa4: {  	[sflag:s23] =	ssyncset.done $0x0  }
0xa5: {  	s25 =	simm.s32 $0x1B8E;
	s24 =	sld [smem:$0x3FFE];
	[sflag:s23] =	ssyncadd.s32 $0xFFFFFFFF  }
0xa6: {  	s26 =	simm.s32 $execute0_lowered;
	[smem:$0x3FD2] =	sst s25  }
0xa7: {  	s6 =	sshll.u32 s26, $0x1;
	_ =	strace $0x80000046;
	[dreg:$0x1] =	wrdreg $0xFFFFFFFF  }
0xa8: {  	s28 =	simm.s32 $_size_execute0_lowered;
	s4 =	sadd.s32 s4, s6;
	[dreg:$0x0] =	wrdreg $0x0  }
0xa9: {  	s6 =	sshll.u32 s28, $0x1;
	[dreg:$0x2] =	wrdreg s4  }
0xaa: {  	[dreg:$0x3] =	wrdreg s6  }
0xab: {  	[dreg:$0x4] =	wrdreg $0xC0  }
0xac: {  	_ =	task [dreg:s8], $0x5FFFF  }
0xad: {  	[dreg:$0x1] =	wrdreg $0xFFFFFFFF  }
0xae: {  	[dreg:$0x0] =	wrdreg $0x60  }
0xaf: {  	[dreg:$0x2] =	wrdreg s2  }
0xb0: {  	[dreg:$0x3] =	wrdreg s24  }
0xb1: {  	[dreg:$0x4] =	wrdreg s18  }
0xb2: {  	[dreg:$0x5] =	wrdreg $0x9  }
0xb3: {  	_ =	task.clear_ibuf [dreg:s8], $0x6FFFF;
	_ =	strace $0x90000046  }
0xb4: {  	s29 =	simm.s32 $0x9;
	_ =	strace $0x80000048  }
0xb5: {  	_ =	swait.ge [sflag:s29], $0x1  }
0xb6: {  	[sflag:s29] =	ssyncadd.s32 $0xFFFFFFFF  }
0xb7: {  	_ =	strace $0x90000048  }
0xb8: {  	_ =	sfence  }
0xb9: {  	s30 =	sld [smem:$0x0];
	_ =	sdelay $0x2  }
0xba: {  	s31 =	sshll.u32 s1, $0xD;
	s1 =	sshrl.u32 s1, $0x2  }
0xbb: {  	s3 =	sand.u32 $0x4000, s31;
	s1 =	sadd.s32 s1, s30  }
0xbc: {  	s0 =	sor.u32 s3, s0;
	s1 =	sshll.u32 s1, $0x11  }
0xbd: {  	s0 =	sor.u32 s1, s0  }
0xbe: {  	s0 =	sadd.s32 $0x8F2B, s0  }
0xbf: {  	[sflag:s0] =	ssyncadd.remote.s32 $0x1  }
0xc0: {  	_ =	sfence.sel $0xFFFF  }
0xc1: {  	[dreg:$0x0] =	wrdreg $0xFFFFFFFF;
	(pc) =	sbr.abs _section_cstart, $3  }
0xc2: {  	[dreg:$0x1] =	wrdreg $0xFFFFFFFF  }
0xc3: {  	_ =	task.clear_ibuf [dreg:s8], $0x2FFFF;
	_ =	strace $0x9FFFFFFF  }
0xc4: {  	(tm) =	ssettm $0x7FFFFFFF  }
0xc5: {  	_ =	shalt  }
tec
execute0_lowered:
.L_overlay_start_1:
0x0: {  	(tag) =	ssettag $0x1  }
0x1: {  	s0 =	srdreg.scid;
	s2 =	rddreg [dreg:$0x0]  }
0x2: {  	s1 =	stileid.u32;
	s5 =	rddreg [dreg:$0x1]  }
0x3: {  	s3 =	rddreg [dreg:$0x2];
	s0 =	sand.u32 $0x1, s0;
	s1 =	sshll.u32 s1, $0x1  }
0x4: {  	s28 =	simm.s32 $0x200;
	s29 =	simm.s32 $0x280;
	s1 =	sor.u32 s0, s1  }
0x5: {  	s30 =	simm.s32 $0x300;
	s31 =	simm.s32 $0x380;
	s4 =	smul.u32 $0x6400, s1  }
0x6: {  	s10 =	simm.s32 $0x4;
	s11 =	simm.s32 $0xC600;
	s6 =	smul.u32 $0x320, s1  }
0x7: {  	s13 =	simm.s32 $0x15800;
	s14 =	simm.s32 $0x16800;
	s18 =	simm.s32 $0x17800  }
0x8: {  	s0 =	ssub.s32 $0x2, s0;
	s7 =	sshll.u32 s1, $0xD;
	s6 =	sor.u32 s4, s6  }
0x9: {  	s19 =	sshrl.u32 s0, $0x1;
	s7 =	sand.u32 $0x6000, s7;
	s6 =	sand.u32 $0xF8380, s6  }
0xa: {  	s0 =	ssub.s32 s0, s19;
	s4 =	simm.s32 $0x0;
	s6 =	sor.u32 s7, s6  }
0xb: {  	s0 =	smax.u32 s0, $0x1;
	[smem:$0x7FF] =	sst s4;
	s6 =	sshrl.u32 s6, $0x3  }
0xc: {  	_ =	strace $0x80000047;
	[dreg:$0xc] =	wrdreg s0;
	s6 =	sadd.s32 s2, s6  }
0xd: {  	s8 =	simm.s32 $0x0;
	s20 =	sadd.s32 $0x80, s6;
	[dreg:$0x4] =	wrdreg s6  }
0xe: {  	s5 =	sadd.s32 $0xF42800, s5;
	s21 =	sadd.s32 $0x100, s6;
	[dreg:$0x5] =	wrdreg s20  }
0xf: {  	s15 =	sadd.s32 $0x1000, s3;
	s22 =	sadd.s32 $0x180, s6;
	[dreg:$0x6] =	wrdreg s21  }
0x10: {  	s16 =	sadd.s32 $0x2000, s3;
	s23 =	sadd.s32 $0x200, s6;
	[dreg:$0x7] =	wrdreg s22  }
.Ltmp0:
0x11: {  	s24 =	sadd.s32 $0x280, s6;
	[dreg:$0x8] =	wrdreg s23;
	(pc) =	sbr.rel .LBB2_1-.Ltmp0, $4  }
0x12: {  	s17 =	sadd.s32 $0x3000, s3;
	s25 =	sadd.s32 $0x300, s6;
	[dreg:$0x9] =	wrdreg s24  }
0x13: {  	s19 =	simm.s32 $0x2;
	s26 =	sadd.s32 $0x380, s6;
	[dreg:$0xa] =	wrdreg s25  }
0x14: {  	v0 =	vlaneseq.u32;
	s7 =	smul.u32 $0x32, s1;
	s6 =	simm.s32 $0x5;
	[dreg:$0xb] =	wrdreg s26  }
0x15: {  	v0 =	vmul.u32 $0x21, v0;
	s20 =	simm.s32 $0x80;
	s25 =	simm.s32 $0x3;
	s26 =	simm.s32 $0x8400  }
.LBB2_15:
0x16: {  	_ =	swait.ge [sflag:s6], $0x1000  }
0x17: {  	[sflag:s6] =	ssyncset.done $0x0  }
0x18: {  	[sflag:s6] =	ssyncadd.s32 $0xFFFFF000  }
0x19: {  	_ =	swait.ge [sflag:s6], $0x1000  }
0x1a: {  	[sflag:s6] =	ssyncset.done $0x0  }
0x1b: {  	[sflag:s6] =	ssyncadd.s32 $0xFFFFF000  }
0x1c: {  	_ =	swait.ge [sflag:s6], $0x1000  }
0x1d: {  	[sflag:s6] =	ssyncset.done $0x0  }
0x1e: {  	[sflag:s6] =	ssyncadd.s32 $0xFFFFF000  }
0x1f: {  	_ =	swait.ge [sflag:s6], $0x1000  }
0x20: {  	[sflag:s6] =	ssyncset.done $0x0  }
0x21: {  	s1 =	simm.s32 $0x6;
	[sflag:s6] =	ssyncadd.s32 $0xFFFFF000  }
0x22: {  	_ =	swait.ge [sflag:s1], $0x1000  }
0x23: {  	[sflag:s1] =	ssyncset.done $0x0  }
0x24: {  	[sflag:s1] =	ssyncadd.s32 $0xFFFFF000  }
0x25: {  	_ =	swait.ge [sflag:s1], $0x1000  }
0x26: {  	[sflag:s1] =	ssyncset.done $0x0  }
0x27: {  	[sflag:s1] =	ssyncadd.s32 $0xFFFFF000  }
0x28: {  	_ =	swait.ge [sflag:s1], $0x1000  }
0x29: {  	[sflag:s1] =	ssyncset.done $0x0  }
0x2a: {  	[sflag:s1] =	ssyncadd.s32 $0xFFFFF000  }
0x2b: {  	_ =	swait.ge [sflag:s1], $0x1000  }
0x2c: {  	s8 =	rddreg [dreg:$0xd]  }
0x2d: {  	s0 =	rddreg [dreg:$0xc];
	s8 =	sadd.s32 $0x1, s8  }
0x2e: {  	p0 =	sne.s32 s8, s0  }
.Ltmp1:
0x2f: {  	_ = 	snop;
	(pc) =	sbr.rel @!p0 .LBB2_16-.Ltmp1, $3  }
0x30: {  	_ =	sdelay $0x1  }
0x31: {  	[sflag:s1] =	ssyncset.done $0x0  }
0x32: {  	[sflag:s1] =	ssyncadd.s32 $0xFFFFF000  }
.LBB2_1:
0x33: {  	[dreg:$0xd] =	wrdreg s8  }
0x34: {  	s0 =	rddreg [dreg:$0x4];
	s1 =	simm.s32 $0x7  }
0x35: {  	[tilespmem:s4], [sflag:$0x7] =	stream.linear.gather [hbm4b:s0+s4], $0x80, $0x38;
	[tilespmem:$0x18800] =	vst v63  }
0x36: {  	_ =	swait.ge [sflag:s1], $0x80  }
0x37: {  	[sflag:s1] =	ssyncset.done $0x0  }
0x38: {  	s21 =	rddreg [dreg:$0x5];
	[sflag:s1] =	ssyncadd.s32 $0xFFFFFF80  }
0x39: {  	[tilespmem:s20], [sflag:$0x7] =	stream.linear.gather [hbm4b:s21+s4], $0x80, $0x38;
	[tilespmem:$0x18800] =	vst v63  }
0x3a: {  	_ =	swait.ge [sflag:s1], $0x80  }
0x3b: {  	[sflag:s1] =	ssyncset.done $0x0  }
0x3c: {  	s23 =	simm.s32 $0x100;
	s22 =	rddreg [dreg:$0x6];
	[sflag:s1] =	ssyncadd.s32 $0xFFFFFF80  }
0x3d: {  	[tilespmem:s23], [sflag:$0x7] =	stream.linear.gather [hbm4b:s22+s4], $0x80, $0x38;
	[tilespmem:$0x18800] =	vst v63  }
0x3e: {  	_ =	swait.ge [sflag:s1], $0x80  }
0x3f: {  	[sflag:s1] =	ssyncset.done $0x0  }
0x40: {  	s9 =	simm.s32 $0x180;
	s24 =	rddreg [dreg:$0x7];
	[sflag:s1] =	ssyncadd.s32 $0xFFFFFF80  }
0x41: {  	[tilespmem:s9], [sflag:$0x7] =	stream.linear.gather [hbm4b:s24+s4], $0x80, $0x38;
	[tilespmem:$0x18800] =	vst v63  }
0x42: {  	_ =	swait.ge [sflag:s1], $0x80  }
0x43: {  	[sflag:s1] =	ssyncset.done $0x0  }
0x44: {  	s12 =	simm.s32 $0x400;
	[sflag:s1] =	ssyncadd.s32 $0xFFFFFF80  }
0x45: {  	[tilespmem:s12], [sflag:$0x3] =	stream.indirect.gather [hbm4b:s5+s20], $0x20, s4, s20, $0xb8;
	[tilespmem:$0x18800] =	vst v63  }
0x46: {  	s21 =	simm.s32 $0x1400  }
0x47: {  	[tilespmem:s21], [sflag:$0x3] =	stream.indirect.gather [hbm4b:s5+s20], $0x20, s20, s20, $0xb8;
	[tilespmem:$0x18800] =	vst v63  }
0x48: {  	s22 =	simm.s32 $0x2400  }
0x49: {  	[tilespmem:s22], [sflag:$0x3] =	stream.indirect.gather [hbm4b:s5+s20], $0x20, s23, s20, $0xb8;
	[tilespmem:$0x18800] =	vst v63  }
0x4a: {  	s23 =	simm.s32 $0x3400  }
0x4b: {  	[tilespmem:s23], [sflag:$0x3] =	stream.indirect.gather [hbm4b:s5+s20], $0x20, s9, s20, $0xb8;
	[tilespmem:$0x18800] =	vst v63  }
0x4c: {  	s24 =	rddreg [dreg:$0x8]  }
0x4d: {  	[tilespmem:s28], [sflag:$0x7] =	stream.linear.gather [hbm4b:s24+s4], $0x80, $0x38;
	[tilespmem:$0x18800] =	vst v63  }
0x4e: {  	_ =	swait.ge [sflag:s1], $0x80  }
0x4f: {  	[sflag:s1] =	ssyncset.done $0x0  }
0x50: {  	s8 =	rddreg [dreg:$0x9];
	[sflag:s1] =	ssyncadd.s32 $0xFFFFFF80  }
0x51: {  	[tilespmem:s29], [sflag:$0x7] =	stream.linear.gather [hbm4b:s8+s4], $0x80, $0x38;
	[tilespmem:$0x18800] =	vst v63  }
0x52: {  	_ =	swait.ge [sflag:s1], $0x80  }
0x53: {  	[sflag:s1] =	ssyncset.done $0x0  }
0x54: {  	s9 =	rddreg [dreg:$0xa];
	[sflag:s1] =	ssyncadd.s32 $0xFFFFFF80  }
0x55: {  	[tilespmem:s30], [sflag:$0x7] =	stream.linear.gather [hbm4b:s9+s4], $0x80, $0x38;
	[tilespmem:$0x18800] =	vst v63  }
0x56: {  	_ =	swait.ge [sflag:s1], $0x80  }
0x57: {  	[sflag:s1] =	ssyncset.done $0x0  }
0x58: {  	s12 =	rddreg [dreg:$0xb];
	[sflag:s1] =	ssyncadd.s32 $0xFFFFFF80  }
0x59: {  	[tilespmem:s31], [sflag:$0x7] =	stream.linear.gather [hbm4b:s12+s4], $0x80, $0x38;
	[tilespmem:$0x18800] =	vst v63  }
0x5a: {  	_ =	swait.ge [sflag:s1], $0x80  }
0x5b: {  	[sflag:s1] =	ssyncset.done $0x0  }
0x5c: {  	s21 =	simm.s32 $0x4400;
	[sflag:s1] =	ssyncadd.s32 $0xFFFFFF80  }
0x5d: {  	[tilespmem:s21], [sflag:$0x4] =	stream.indirect.gather [hbm4b:s5+s20], $0x20, s28, s20, $0xb8;
	[tilespmem:$0x18800] =	vst v63  }
0x5e: {  	s22 =	simm.s32 $0x5400  }
0x5f: {  	[tilespmem:s22], [sflag:$0x4] =	stream.indirect.gather [hbm4b:s5+s20], $0x20, s29, s20, $0xb8;
	[tilespmem:$0x18800] =	vst v63  }
0x60: {  	s23 =	simm.s32 $0x6400  }
0x61: {  	[tilespmem:s23], [sflag:$0x4] =	stream.indirect.gather [hbm4b:s5+s20], $0x20, s30, s20, $0xb8;
	[tilespmem:$0x18800] =	vst v63  }
0x62: {  	s24 =	simm.s32 $0x7400;
	s1 =	simm.s32 $0x0  }
0x63: {  	[tilespmem:s24], [sflag:$0x4] =	stream.indirect.gather [hbm4b:s5+s20], $0x20, s31, s20, $0xb8;
	[tilespmem:$0x18800] =	vst v63  }
.LBB2_2:
0x64: {  	_ =	swait.ge [sflag:s25], $0x1000  }
0x65: {  	[sflag:s25] =	ssyncset.done $0x0  }
0x66: {  	s0 =	sshll.u32 s1, $0x1;
	[sflag:s25] =	ssyncadd.s32 $0xFFFFF000  }
0x67: {  	p0 =	seq.s32 s1, $0x18;
	s0 =	sadd.s32 s7, s0;
	_ =	swait.ge [sflag:s25], $0x1000  }
0x68: {  	s8 =	sadd.s32 @!p0 $0x2, s0;
	[sflag:s25] =	ssyncset.done $0x0  }
0x69: {  	s21 =	sshll.u32 @!p0 s8, $0xC;
	[sflag:s25] =	ssyncadd.s32 $0xFFFFF000  }
0x6a: {  	s22 =	sshll.u32 @!p0 s8, $0x9;
	s8 =	sshll.u32 @!p0 s8, $0x4;
	_ =	swait.ge [sflag:s25], $0x1000  }
0x6b: {  	s21 =	sand.u32 @!p0 $0x6000, s21;
	s22 =	sand.u32 @!p0 $0x7FFF8000, s22;
	[sflag:s25] =	ssyncset.done $0x0  }
0x6c: {  	s8 =	sand.u32 @!p0 $0x380, s8;
	s21 =	sor.u32 @!p0 s21, s22;
	[sflag:s25] =	ssyncadd.s32 $0xFFFFF000  }
0x6d: {  	s8 =	sor.u32 @!p0 s8, s21;
	_ =	swait.ge [sflag:s25], $0x1000  }
0x6e: {  	p1 =	seq.s32 @!p0 s1, $0x0;
	s8 =	sshrl.u32 @!p0 s8, $0x3;
	[sflag:s25] =	ssyncset.done $0x0  }
0x6f: {  	s21 =	simm.s32 @!p0 $0x0;
	s8 =	sadd.s32 @!p0 s2, s8;
	[sflag:s25] =	ssyncadd.s32 $0xFFFFF000  }
0x70: {  	[tilespmem:s21], [sflag:$0x1] =	stream.linear.gather @!p0 [hbm4b:s8+s21], $0x80, $0x38;
	[tilespmem:$0x18800] =	vst v63  }
0x71: {  	s23 =	simm.s32 @!p0 $0x80;
	p1 =	por p0, !p1;
	s22 =	sadd.s32 @!p0 $0x80, s8  }
0x72: {  	[tilespmem:s23], [sflag:$0x1] =	stream.linear.gather @!p0 [hbm4b:s22+s21], $0x80, $0x38;
	[tilespmem:$0x18800] =	vst v63  }
.Ltmp2:
0x73: {  	_ = 	snop;
	(pc) =	sbr.rel @!p1 .LBB2_3-.Ltmp2, $4  }
0x74: {  	s22 =	sadd.s32 @!p0 $0x100, s8;
	s23 =	simm.s32 @!p0 $0x100  }
0x75: {  	[tilespmem:s23], [sflag:$0x1] =	stream.linear.gather @!p0 [hbm4b:s22+s21], $0x80, $0x38;
	[tilespmem:$0x18800] =	vst v63  }
0x76: {  	s8 =	sadd.s32 @!p0 $0x180, s8;
	s22 =	simm.s32 @!p0 $0x180  }
0x77: {  	[tilespmem:s22], [sflag:$0x1] =	stream.linear.gather @!p0 [hbm4b:s8+s21], $0x80, $0x38;
	[tilespmem:$0x18800] =	vst v63  }
0x78: {  	_ =	swait.ge [sflag:s6], $0x1000  }
0x79: {  	[sflag:s6] =	ssyncset.done $0x0  }
0x7a: {  	[sflag:s6] =	ssyncadd.s32 $0xFFFFF000  }
0x7b: {  	_ =	swait.ge [sflag:s6], $0x1000  }
0x7c: {  	[sflag:s6] =	ssyncset.done $0x0  }
0x7d: {  	[sflag:s6] =	ssyncadd.s32 $0xFFFFF000  }
0x7e: {  	_ =	swait.ge [sflag:s6], $0x1000  }
.Ltmp3:
0x7f: {  	[sflag:s6] =	ssyncset.done $0x0;
	(pc) =	sbr.rel .LBB2_5-.Ltmp3, $4  }
0x80: {  	[sflag:s6] =	ssyncadd.s32 $0xFFFFF000  }
0x81: {  	_ =	swait.ge [sflag:s6], $0x1000  }
0x82: {  	[sflag:s6] =	ssyncset.done $0x0  }
0x83: {  	p1 =	por $0x0, $0x0;
	[sflag:s6] =	ssyncadd.s32 $0xFFFFF000  }
.LBB2_3:
0x84: {  	p1 =	por @!p0 $0x1, $0x1  }
.LBB2_5:
0x85: {  	s21 =	simm.s32 $0x440  }
0x86: {  	v1 =	vld [tilespmem:s21+$0xFFFFFFC0];
	_ =	sdelay $0x3  }
0x87: {  	s22 =	simm.s32 $0x8442  }
0x88: {  	[tilespmem:s22+$0xFFFFFFBE] =	vst v1  }
0x89: {  	v1 =	vld [tilespmem:s21+$0xFFFFFFD0];
	_ =	sdelay $0x2  }
0x8a: {  	s23 =	simm.s32 $0x0  }
0x8b: {  	s8 =	sand.u32 $0x7FFC, s23  }
0x8c: {  	[tilespmem:s8+$0x8410] =	vst v1  }
0x8d: {  	v1 =	vld [tilespmem:s21+$0xFFFFFFE0];
	_ =	sdelay $0x4  }
0x8e: {  	[tilespmem:s22+$0xFFFFFFDF] =	vst v1  }
0x8f: {  	v1 =	vld [tilespmem:s21+$0xFFFFFFF0];
	_ =	sdelay $0x2  }
0x90: {  	s24 =	simm.s32 $0x21  }
0x91: {  	s8 =	sand.u32 $0x7FFD, s24  }
0x92: {  	[tilespmem:s8+$0x8410] =	vst v1  }
0x93: {  	v1 =	vld [tilespmem:s21+$0x0];
	_ =	sdelay $0x4  }
0x94: {  	[tilespmem:s22+$0x0] =	vst v1  }
0x95: {  	v1 =	vld [tilespmem:s21+$0x10];
	_ =	sdelay $0x2  }
0x96: {  	s9 =	simm.s32 $0x42  }
0x97: {  	s8 =	sand.u32 $0x7FFE, s9  }
0x98: {  	[tilespmem:s8+$0x8410] =	vst v1  }
0x99: {  	v1 =	vld [tilespmem:s21+$0x20];
	_ =	sdelay $0x4  }
0x9a: {  	[tilespmem:s22+$0x21] =	vst v1  }
0x9b: {  	v1 =	vld [tilespmem:s21+$0x30];
	_ =	sdelay $0x2  }
0x9c: {  	s12 =	simm.s32 $0x63  }
0x9d: {  	s24 =	simm.s32 $0x84;
	s8 =	sand.u32 $0x7FFF, s12  }
.LBB2_6:
0x9e: {  	p2 =	sne.s32 s24, $0x417C;
	[tilespmem:s8+$0x8410] =	vst v1;
	s21 =	sadd.s32 $0x80, s21;
	s22 =	sadd.s32 $0x84, s22  }
0x9f: {  	s8 =	smov.u32 s24;
	s24 =	sadd.s32 $0x84, s24;
	v1 =	vld [tilespmem:s21+$0xFFFFFFC0];
	_ =	sdelay $0x4  }
0xa0: {  	[tilespmem:s22+$0xFFFFFFBE] =	vst v1  }
0xa1: {  	v1 =	vld [tilespmem:s21+$0xFFFFFFD0];
	_ =	sdelay $0x3  }
0xa2: {  	s9 =	sand.u32 $0x7FFC, s8  }
0xa3: {  	[tilespmem:s9+$0x8410] =	vst v1  }
0xa4: {  	v1 =	vld [tilespmem:s21+$0xFFFFFFE0];
	_ =	sdelay $0x4  }
0xa5: {  	[tilespmem:s22+$0xFFFFFFDF] =	vst v1  }
0xa6: {  	v1 =	vld [tilespmem:s21+$0xFFFFFFF0];
	_ =	sdelay $0x2  }
0xa7: {  	s9 =	sadd.s32 $0x21, s8  }
0xa8: {  	s9 =	sand.u32 $0x7FFD, s9  }
0xa9: {  	[tilespmem:s9+$0x8410] =	vst v1  }
0xaa: {  	v1 =	vld [tilespmem:s21+$0x0];
	_ =	sdelay $0x4  }
0xab: {  	[tilespmem:s22+$0x0] =	vst v1  }
0xac: {  	v1 =	vld [tilespmem:s21+$0x10];
	_ =	sdelay $0x2  }
0xad: {  	s9 =	sadd.s32 $0x42, s8  }
0xae: {  	s9 =	sand.u32 $0x7FFE, s9  }
0xaf: {  	[tilespmem:s9+$0x8410] =	vst v1  }
0xb0: {  	v1 =	vld [tilespmem:s21+$0x20];
	_ =	sdelay $0x4  }
0xb1: {  	[tilespmem:s22+$0x21] =	vst v1  }
.Ltmp4:
0xb2: {  	v1 =	vld [tilespmem:s21+$0x30];
	(pc) =	sbr.rel @p2 .LBB2_6-.Ltmp4, $3  }
0xb3: {  	_ =	sdelay $0x1  }
0xb4: {  	s8 =	sadd.s32 $0x63, s8  }
0xb5: {  	s8 =	sand.u32 $0x7FFF, s8  }
0xb6: {  	s9 =	sand.u32 $0x7, s23  }
0xb7: {  	s21 =	smul.u32 $0x210, s9  }
0xb8: {  	s22 =	simm.s32 $0x0  }
0xb9: {  	s22 =	sor.u32 s22, s21  }
0xba: {  	v2 =	vadd.s32 s22, v0;
	_ =	sdelay $0x3  }
0xbb: {  	[tilespmem:s8+$0x8410] =	vst v1  }
0xbc: {  	s23 =	sor.u32 $0x8, s22;
	v1 =	vld.idx.msk [tilespmem:v2+s26+$0x0], $0xffff  }
0xbd: {  	v2 =	vadd.s32 s23, v0  }
0xbe: {  	s24 =	simm.s32 $0x0  }
0xbf: {  	s9 =	sshll.u32 s9, $0x4;
	s8 =	sand.u32 $0x3FFFFF80, s24  }
0xc0: {  	s23 =	sor.u32 s9, s8  }
0xc1: {  	[tilespmem:s23+$0x10800] =	vst v1  }
0xc2: {  	s9 =	sadd.s32 $0x10, s22;
	v1 =	vld.idx.msk [tilespmem:v2+s26+$0x0], $0xffff  }
0xc3: {  	v2 =	vadd.s32 s9, v0;
	_ =	sdelay $0x3  }
0xc4: {  	[tilespmem:s23+$0x11800] =	vst v1  }
0xc5: {  	s12 =	sadd.s32 $0x18, s22;
	v1 =	vld.idx.msk [tilespmem:v2+s26+$0x0], $0xffff  }
0xc6: {  	v2 =	vadd.s32 s12, v0;
	_ =	sdelay $0x3  }
0xc7: {  	s8 =	sadd.s32 $0x0, s21;
	[tilespmem:s23+$0x12800] =	vst v1  }
0xc8: {  	s21 =	sadd.s32 $0x1080, s8;
	v1 =	vld.idx.msk [tilespmem:v2+s26+$0x0], $0xffff  }
0xc9: {  	v2 =	vadd.s32 s21, v0;
	_ =	sdelay $0x3  }
0xca: {  	[tilespmem:s23+$0x13800] =	vst v1  }
0xcb: {  	s22 =	sadd.s32 $0x1088, s8;
	v1 =	vld.idx.msk [tilespmem:v2+s26+$0x0], $0xffff  }
0xcc: {  	v2 =	vadd.s32 s22, v0;
	_ =	sdelay $0x3  }
0xcd: {  	[tilespmem:s23+$0x10C00] =	vst v1  }
0xce: {  	s24 =	sadd.s32 $0x1090, s8;
	v1 =	vld.idx.msk [tilespmem:v2+s26+$0x0], $0xffff  }
0xcf: {  	v2 =	vadd.s32 s24, v0;
	_ =	sdelay $0x3  }
0xd0: {  	[tilespmem:s23+$0x11C00] =	vst v1  }
0xd1: {  	s12 =	sadd.s32 $0x1098, s8;
	v1 =	vld.idx.msk [tilespmem:v2+s26+$0x0], $0xffff  }
0xd2: {  	v2 =	vadd.s32 s12, v0;
	_ =	sdelay $0x3  }
0xd3: {  	[tilespmem:s23+$0x12C00] =	vst v1  }
0xd4: {  	s21 =	sadd.s32 $0x2100, s8;
	v1 =	vld.idx.msk [tilespmem:v2+s26+$0x0], $0xffff  }
0xd5: {  	v2 =	vadd.s32 s21, v0;
	_ =	sdelay $0x3  }
0xd6: {  	[tilespmem:s23+$0x13C00] =	vst v1  }
0xd7: {  	s22 =	sadd.s32 $0x2108, s8;
	v1 =	vld.idx.msk [tilespmem:v2+s26+$0x0], $0xffff  }
0xd8: {  	v2 =	vadd.s32 s22, v0;
	_ =	sdelay $0x3  }
0xd9: {  	[tilespmem:s23+$0x11000] =	vst v1  }
0xda: {  	s24 =	sadd.s32 $0x2110, s8;
	v1 =	vld.idx.msk [tilespmem:v2+s26+$0x0], $0xffff  }
0xdb: {  	v2 =	vadd.s32 s24, v0;
	_ =	sdelay $0x3  }
0xdc: {  	[tilespmem:s23+$0x12000] =	vst v1  }
0xdd: {  	s12 =	sadd.s32 $0x2118, s8;
	v1 =	vld.idx.msk [tilespmem:v2+s26+$0x0], $0xffff  }
0xde: {  	v2 =	vadd.s32 s12, v0;
	_ =	sdelay $0x3  }
0xdf: {  	[tilespmem:s23+$0x13000] =	vst v1  }
0xe0: {  	s21 =	sadd.s32 $0x3180, s8;
	v1 =	vld.idx.msk [tilespmem:v2+s26+$0x0], $0xffff  }
0xe1: {  	v2 =	vadd.s32 s21, v0;
	_ =	sdelay $0x3  }
0xe2: {  	[tilespmem:s23+$0x14000] =	vst v1  }
0xe3: {  	s22 =	sadd.s32 $0x3188, s8;
	v1 =	vld.idx.msk [tilespmem:v2+s26+$0x0], $0xffff  }
0xe4: {  	v2 =	vadd.s32 s22, v0;
	_ =	sdelay $0x3  }
0xe5: {  	[tilespmem:s23+$0x11400] =	vst v1  }
0xe6: {  	s24 =	sadd.s32 $0x3190, s8;
	v1 =	vld.idx.msk [tilespmem:v2+s26+$0x0], $0xffff  }
0xe7: {  	v2 =	vadd.s32 s24, v0;
	_ =	sdelay $0x3  }
0xe8: {  	[tilespmem:s23+$0x12400] =	vst v1  }
0xe9: {  	s8 =	sadd.s32 $0x3198, s8;
	v1 =	vld.idx.msk [tilespmem:v2+s26+$0x0], $0xffff  }
0xea: {  	v2 =	vadd.s32 s8, v0;
	_ =	sdelay $0x1  }
0xeb: {  	s24 =	simm.s32 $0x1  }
0xec: {  	s21 =	simm.s32 $0x2;
	s8 =	sand.u32 $0x7, s24  }
.LBB2_8:
0xed: {  	p2 =	sne.s32 s21, $0x3F;
	s9 =	smul.u32 $0x210, s8;
	[tilespmem:s23+$0x13400] =	vst v1  }
0xee: {  	s22 =	sshrl.u32 s24, $0x3;
	v1 =	vld.idx.msk [tilespmem:v2+s26+$0x0], $0xffff  }
0xef: {  	s12 =	sor.u32 s22, s9  }
0xf0: {  	v2 =	vadd.s32 s12, v0;
	_ =	sdelay $0x3  }
0xf1: {  	[tilespmem:s23+$0x14400] =	vst v1  }
0xf2: {  	v1 =	vld.idx.msk [tilespmem:v2+s26+$0x0], $0xffff  }
0xf3: {  	s23 =	sor.u32 $0x8, s12  }
0xf4: {  	v2 =	vadd.s32 s23, v0  }
0xf5: {  	s23 =	sshll.u32 s24, $0x4;
	s24 =	smov.u32 s21  }
0xf6: {  	s8 =	sshll.u32 s8, $0x4;
	s23 =	sand.u32 $0x3FFFFF80, s23  }
0xf7: {  	s23 =	sor.u32 s8, s23  }
0xf8: {  	[tilespmem:s23+$0x10800] =	vst v1  }
0xf9: {  	v1 =	vld.idx.msk [tilespmem:v2+s26+$0x0], $0xffff  }
0xfa: {  	s8 =	sadd.s32 $0x10, s12  }
0xfb: {  	v2 =	vadd.s32 s8, v0;
	_ =	sdelay $0x3  }
0xfc: {  	[tilespmem:s23+$0x11800] =	vst v1  }
0xfd: {  	v1 =	vld.idx.msk [tilespmem:v2+s26+$0x0], $0xffff  }
0xfe: {  	s8 =	sadd.s32 $0x18, s12  }
0xff: {  	v2 =	vadd.s32 s8, v0;
	_ =	sdelay $0x3  }
0x100: {  	[tilespmem:s23+$0x12800] =	vst v1  }
0x101: {  	s22 =	sadd.s32 s22, s9;
	v1 =	vld.idx.msk [tilespmem:v2+s26+$0x0], $0xffff  }
0x102: {  	s8 =	sadd.s32 $0x1080, s22  }
0x103: {  	v2 =	vadd.s32 s8, v0;
	_ =	sdelay $0x3  }
0x104: {  	[tilespmem:s23+$0x13800] =	vst v1  }
0x105: {  	v1 =	vld.idx.msk [tilespmem:v2+s26+$0x0], $0xffff  }
0x106: {  	s8 =	sadd.s32 $0x1088, s22  }
0x107: {  	v2 =	vadd.s32 s8, v0;
	_ =	sdelay $0x3  }
0x108: {  	[tilespmem:s23+$0x10C00] =	vst v1  }
0x109: {  	v1 =	vld.idx.msk [tilespmem:v2+s26+$0x0], $0xffff  }
0x10a: {  	s8 =	sadd.s32 $0x1090, s22  }
0x10b: {  	v2 =	vadd.s32 s8, v0;
	_ =	sdelay $0x3  }
0x10c: {  	[tilespmem:s23+$0x11C00] =	vst v1  }
0x10d: {  	v1 =	vld.idx.msk [tilespmem:v2+s26+$0x0], $0xffff  }
0x10e: {  	s8 =	sadd.s32 $0x1098, s22  }
0x10f: {  	v2 =	vadd.s32 s8, v0;
	_ =	sdelay $0x3  }
0x110: {  	[tilespmem:s23+$0x12C00] =	vst v1  }
0x111: {  	v1 =	vld.idx.msk [tilespmem:v2+s26+$0x0], $0xffff  }
0x112: {  	s8 =	sadd.s32 $0x2100, s22  }
0x113: {  	v2 =	vadd.s32 s8, v0;
	_ =	sdelay $0x3  }
0x114: {  	[tilespmem:s23+$0x13C00] =	vst v1  }
0x115: {  	v1 =	vld.idx.msk [tilespmem:v2+s26+$0x0], $0xffff  }
0x116: {  	s8 =	sadd.s32 $0x2108, s22  }
0x117: {  	v2 =	vadd.s32 s8, v0;
	_ =	sdelay $0x3  }
0x118: {  	[tilespmem:s23+$0x11000] =	vst v1  }
0x119: {  	v1 =	vld.idx.msk [tilespmem:v2+s26+$0x0], $0xffff  }
0x11a: {  	s8 =	sadd.s32 $0x2110, s22  }
0x11b: {  	v2 =	vadd.s32 s8, v0;
	_ =	sdelay $0x3  }
0x11c: {  	[tilespmem:s23+$0x12000] =	vst v1  }
0x11d: {  	v1 =	vld.idx.msk [tilespmem:v2+s26+$0x0], $0xffff  }
0x11e: {  	s8 =	sadd.s32 $0x2118, s22  }
0x11f: {  	v2 =	vadd.s32 s8, v0;
	_ =	sdelay $0x3  }
0x120: {  	[tilespmem:s23+$0x13000] =	vst v1  }
0x121: {  	v1 =	vld.idx.msk [tilespmem:v2+s26+$0x0], $0xffff  }
0x122: {  	s8 =	sadd.s32 $0x3180, s22  }
0x123: {  	v2 =	vadd.s32 s8, v0;
	_ =	sdelay $0x3  }
0x124: {  	[tilespmem:s23+$0x14000] =	vst v1  }
0x125: {  	v1 =	vld.idx.msk [tilespmem:v2+s26+$0x0], $0xffff  }
0x126: {  	s8 =	sadd.s32 $0x3188, s22  }
0x127: {  	v2 =	vadd.s32 s8, v0;
	_ =	sdelay $0x3  }
0x128: {  	[tilespmem:s23+$0x11400] =	vst v1  }
0x129: {  	v1 =	vld.idx.msk [tilespmem:v2+s26+$0x0], $0xffff  }
0x12a: {  	s8 =	sadd.s32 $0x3190, s22  }
0x12b: {  	v2 =	vadd.s32 s8, v0;
	_ =	sdelay $0x3  }
0x12c: {  	[tilespmem:s23+$0x12400] =	vst v1  }
0x12d: {  	v1 =	vld.idx.msk [tilespmem:v2+s26+$0x0], $0xffff  }
.Ltmp5:
0x12e: {  	s8 =	sadd.s32 $0x3198, s22;
	(pc) =	sbr.rel @p2 .LBB2_8-.Ltmp5, $2  }
0x12f: {  	v2 =	vadd.s32 s8, v0;
	_ =	sdelay $0x2  }
0x130: {  	s21 =	sadd.s32 $0x1, s21;
	s8 =	sand.u32 $0x7, s24  }
0x131: {  	_ =	sdelay $0x1  }
0x132: {  	s9 =	smul.u32 $0x210, s8  }
0x133: {  	[tilespmem:s23+$0x13400] =	vst v1;
	s12 =	sshrl.u32 s24, $0x3  }
0x134: {  	v1 =	vld.idx.msk [tilespmem:v2+s26+$0x0], $0xffff;
	s21 =	sor.u32 s12, s9  }
0x135: {  	v2 =	vadd.s32 s21, v0;
	_ =	sdelay $0x3  }
0x136: {  	[tilespmem:s23+$0x14400] =	vst v1  }
0x137: {  	s22 =	sor.u32 $0x8, s21;
	v1 =	vld.idx.msk [tilespmem:v2+s26+$0x0], $0xffff  }
0x138: {  	v2 =	vadd.s32 s22, v0  }
0x139: {  	s24 =	sshll.u32 s24, $0x4  }
0x13a: {  	s23 =	sshll.u32 s8, $0x4;
	s22 =	sand.u32 $0x3FFFFF80, s24  }
0x13b: {  	s8 =	sor.u32 s23, s22  }
0x13c: {  	[tilespmem:s8+$0x10800] =	vst v1  }
0x13d: {  	s24 =	sadd.s32 $0x10, s21;
	v1 =	vld.idx.msk [tilespmem:v2+s26+$0x0], $0xffff  }
0x13e: {  	v2 =	vadd.s32 s24, v0;
	_ =	sdelay $0x3  }
0x13f: {  	[tilespmem:s8+$0x11800] =	vst v1  }
0x140: {  	s21 =	sadd.s32 $0x18, s21;
	v1 =	vld.idx.msk [tilespmem:v2+s26+$0x0], $0xffff  }
0x141: {  	v2 =	vadd.s32 s21, v0;
	_ =	sdelay $0x3  }
0x142: {  	s9 =	sadd.s32 s12, s9;
	[tilespmem:s8+$0x12800] =	vst v1  }
0x143: {  	s12 =	sadd.s32 $0x1080, s9;
	v1 =	vld.idx.msk [tilespmem:v2+s26+$0x0], $0xffff  }
0x144: {  	v2 =	vadd.s32 s12, v0;
	_ =	sdelay $0x3  }
0x145: {  	[tilespmem:s8+$0x13800] =	vst v1  }
0x146: {  	s21 =	sadd.s32 $0x1088, s9;
	v1 =	vld.idx.msk [tilespmem:v2+s26+$0x0], $0xffff  }
0x147: {  	v2 =	vadd.s32 s21, v0;
	_ =	sdelay $0x3  }
0x148: {  	[tilespmem:s8+$0x10C00] =	vst v1  }
0x149: {  	s22 =	sadd.s32 $0x1090, s9;
	v1 =	vld.idx.msk [tilespmem:v2+s26+$0x0], $0xffff  }
0x14a: {  	v2 =	vadd.s32 s22, v0;
	_ =	sdelay $0x3  }
0x14b: {  	[tilespmem:s8+$0x11C00] =	vst v1  }
0x14c: {  	s23 =	sadd.s32 $0x1098, s9;
	v1 =	vld.idx.msk [tilespmem:v2+s26+$0x0], $0xffff  }
0x14d: {  	v2 =	vadd.s32 s23, v0;
	_ =	sdelay $0x3  }
0x14e: {  	[tilespmem:s8+$0x12C00] =	vst v1  }
0x14f: {  	s24 =	sadd.s32 $0x2100, s9;
	v1 =	vld.idx.msk [tilespmem:v2+s26+$0x0], $0xffff  }
0x150: {  	v2 =	vadd.s32 s24, v0;
	_ =	sdelay $0x3  }
0x151: {  	[tilespmem:s8+$0x13C00] =	vst v1  }
0x152: {  	s21 =	sadd.s32 $0x2108, s9;
	v1 =	vld.idx.msk [tilespmem:v2+s26+$0x0], $0xffff  }
0x153: {  	v2 =	vadd.s32 s21, v0;
	_ =	sdelay $0x3  }
0x154: {  	[tilespmem:s8+$0x11000] =	vst v1  }
0x155: {  	s22 =	sadd.s32 $0x2110, s9;
	v1 =	vld.idx.msk [tilespmem:v2+s26+$0x0], $0xffff  }
0x156: {  	v2 =	vadd.s32 s22, v0;
	_ =	sdelay $0x3  }
0x157: {  	[tilespmem:s8+$0x12000] =	vst v1  }
0x158: {  	s23 =	sadd.s32 $0x2118, s9;
	v1 =	vld.idx.msk [tilespmem:v2+s26+$0x0], $0xffff  }
0x159: {  	v2 =	vadd.s32 s23, v0;
	_ =	sdelay $0x3  }
0x15a: {  	[tilespmem:s8+$0x13000] =	vst v1  }
0x15b: {  	s24 =	sadd.s32 $0x3180, s9;
	v1 =	vld.idx.msk [tilespmem:v2+s26+$0x0], $0xffff  }
0x15c: {  	v2 =	vadd.s32 s24, v0;
	_ =	sdelay $0x3  }
0x15d: {  	[tilespmem:s8+$0x14000] =	vst v1  }
0x15e: {  	s21 =	sadd.s32 $0x3188, s9;
	v1 =	vld.idx.msk [tilespmem:v2+s26+$0x0], $0xffff  }
0x15f: {  	v2 =	vadd.s32 s21, v0;
	_ =	sdelay $0x3  }
0x160: {  	[tilespmem:s8+$0x11400] =	vst v1  }
0x161: {  	s22 =	sadd.s32 $0x3190, s9;
	v1 =	vld.idx.msk [tilespmem:v2+s26+$0x0], $0xffff  }
0x162: {  	v2 =	vadd.s32 s22, v0;
	_ =	sdelay $0x3  }
0x163: {  	[tilespmem:s8+$0x12400] =	vst v1  }
0x164: {  	s9 =	sadd.s32 $0x3198, s9;
	v1 =	vld.idx.msk [tilespmem:v2+s26+$0x0], $0xffff  }
0x165: {  	v2 =	vadd.s32 s9, v0;
	_ =	sdelay $0x3  }
0x166: {  	[tilespmem:s8+$0x13400] =	vst v1  }
0x167: {  	v1 =	vld.idx.msk [tilespmem:v2+s26+$0x0], $0xffff  }
0x168: {  	s23 =	sshll.u32 s0, $0xC;
	s24 =	sshll.u32 s0, $0xE  }
0x169: {  	s12 =	sand.u32 $0x7FFE0000, s24;
	s9 =	sand.u32 $0x6000, s23  }
0x16a: {  	s9 =	sor.u32 s9, s12  }
0x16b: {  	s23 =	sshrl.u32 s9, $0x3  }
0x16c: {  	s21 =	simm.s32 $0x10800;
	s12 =	sadd.s32 s3, s23;
	[tilespmem:s8+$0x14400] =	vst v1  }
0x16d: {  	[hbm4b:s12+s4] =	stream.linear.scatter [tilespmem:s21], [sflag:$0x5], $0x1000, $0x38;
	[tilespmem:$0x18800] =	vst v63  }
0x16e: {  	s24 =	simm.s32 $0x11800;
	s22 =	sadd.s32 s23, s15  }
0x16f: {  	[hbm4b:s22+s4] =	stream.linear.scatter [tilespmem:s24], [sflag:$0x5], $0x1000, $0x38;
	[tilespmem:$0x18800] =	vst v63  }
0x170: {  	s12 =	sadd.s32 s23, s16;
	s21 =	simm.s32 $0x12800  }
0x171: {  	[hbm4b:s12+s4] =	stream.linear.scatter [tilespmem:s21], [sflag:$0x5], $0x1000, $0x38;
	[tilespmem:$0x18800] =	vst v63  }
0x172: {  	s8 =	simm.s32 @!p0 $0x1;
	s22 =	sadd.s32 s23, s17;
	s24 =	simm.s32 $0x13800  }
0x173: {  	[hbm4b:s22+s4] =	stream.linear.scatter [tilespmem:s24], [sflag:$0x5], $0x1000, $0x38;
	[tilespmem:$0x18800] =	vst v63  }
0x174: {  	_ =	swait.ge @!p0 [sflag:s8], $0x80  }
0x175: {  	[sflag:s8] =	ssyncset.done @!p0 $0x0  }
0x176: {  	[sflag:s8] =	ssyncadd.s32 @!p0 $0xFFFFFF80  }
0x177: {  	_ =	swait.ge @!p0 [sflag:s8], $0x80  }
0x178: {  	[sflag:s8] =	ssyncset.done @!p0 $0x0  }
0x179: {  	[sflag:s8] =	ssyncadd.s32 @!p0 $0xFFFFFF80  }
0x17a: {  	_ =	swait.ge @!p0 [sflag:s8], $0x80  }
0x17b: {  	[sflag:s8] =	ssyncset.done @!p0 $0x0  }
0x17c: {  	[sflag:s8] =	ssyncadd.s32 @!p0 $0xFFFFFF80  }
0x17d: {  	_ =	swait.ge @!p0 [sflag:s8], $0x80  }
0x17e: {  	s9 =	simm.s32 @!p0 $0x0;
	[sflag:s8] =	ssyncset.done @!p0 $0x0  }
0x17f: {  	s12 =	simm.s32 @!p0 $0x400;
	[sflag:s8] =	ssyncadd.s32 @!p0 $0xFFFFFF80;
	s8 =	simm.s32 @!p0 $0x80  }
0x180: {  	[tilespmem:s12], [sflag:$0x3] =	stream.indirect.gather @!p0 [hbm4b:s5+s8], $0x20, s9, s8, $0xb8;
	[tilespmem:$0x18800] =	vst v63  }
0x181: {  	s12 =	simm.s32 @!p0 $0x1400  }
0x182: {  	[tilespmem:s12], [sflag:$0x3] =	stream.indirect.gather @!p0 [hbm4b:s5+s8], $0x20, s8, s8, $0xb8;
	[tilespmem:$0x18800] =	vst v63  }
0x183: {  	s21 =	simm.s32 @!p0 $0x2400;
	s12 =	simm.s32 @!p0 $0x100  }
0x184: {  	[tilespmem:s21], [sflag:$0x3] =	stream.indirect.gather @!p0 [hbm4b:s5+s8], $0x20, s12, s8, $0xb8;
	[tilespmem:$0x18800] =	vst v63  }
0x185: {  	s12 =	simm.s32 @!p0 $0x180;
	s21 =	simm.s32 @!p0 $0x3400  }
0x186: {  	[tilespmem:s21], [sflag:$0x3] =	stream.indirect.gather @!p0 [hbm4b:s5+s8], $0x20, s12, s8, $0xb8;
	[tilespmem:$0x18800] =	vst v63  }
0x187: {  	_ =	swait.ge [sflag:s10], $0x1000  }
0x188: {  	[sflag:s10] =	ssyncset.done $0x0  }
0x189: {  	[sflag:s10] =	ssyncadd.s32 $0xFFFFF000  }
0x18a: {  	_ =	swait.ge [sflag:s10], $0x1000  }
0x18b: {  	s0 =	sadd.s32 @!p0 $0x3, s0;
	[sflag:s10] =	ssyncset.done $0x0  }
0x18c: {  	s8 =	sshll.u32 @!p0 s0, $0xC;
	[sflag:s10] =	ssyncadd.s32 $0xFFFFF000  }
0x18d: {  	s12 =	sshll.u32 @!p0 s0, $0x9;
	s0 =	sshll.u32 @!p0 s0, $0x4;
	_ =	swait.ge [sflag:s10], $0x1000  }
0x18e: {  	s8 =	sand.u32 @!p0 $0x7000, s8;
	s12 =	sand.u32 @!p0 $0x7FFF8000, s12;
	[sflag:s10] =	ssyncset.done $0x0  }
0x18f: {  	s0 =	sand.u32 @!p0 $0x380, s0;
	s8 =	sor.u32 @!p0 s8, s12;
	[sflag:s10] =	ssyncadd.s32 $0xFFFFF000  }
0x190: {  	s0 =	sor.u32 @!p0 s0, s8;
	_ =	swait.ge [sflag:s10], $0x1000  }
0x191: {  	s0 =	sshrl.u32 @!p0 s0, $0x3;
	[sflag:s10] =	ssyncset.done $0x0  }
0x192: {  	s8 =	simm.s32 @!p0 $0x200;
	s0 =	sadd.s32 @!p0 s2, s0;
	[sflag:s10] =	ssyncadd.s32 $0xFFFFF000  }
0x193: {  	[tilespmem:s8], [sflag:$0x2] =	stream.linear.gather @!p0 [hbm4b:s0+s9], $0x80, $0x38;
	[tilespmem:$0x18800] =	vst v63  }
0x194: {  	s12 =	simm.s32 @!p0 $0x280;
	s8 =	sadd.s32 @!p0 $0x80, s0  }
0x195: {  	[tilespmem:s12], [sflag:$0x2] =	stream.linear.gather @!p0 [hbm4b:s8+s9], $0x80, $0x38;
	[tilespmem:$0x18800] =	vst v63  }
0x196: {  	s8 =	sadd.s32 @!p0 $0x100, s0;
	s12 =	simm.s32 @!p0 $0x300  }
0x197: {  	[tilespmem:s12], [sflag:$0x2] =	stream.linear.gather @!p0 [hbm4b:s8+s9], $0x80, $0x38;
	[tilespmem:$0x18800] =	vst v63  }
0x198: {  	s0 =	sadd.s32 @!p0 $0x180, s0;
	s8 =	simm.s32 @!p0 $0x380  }
0x199: {  	[tilespmem:s8], [sflag:$0x2] =	stream.linear.gather @!p0 [hbm4b:s0+s9], $0x80, $0x38;
	[tilespmem:$0x18800] =	vst v63  }
0x19a: {  	s0 =	simm.s32 @!p1 $0x6  }
0x19b: {  	_ =	swait.ge @!p1 [sflag:s0], $0x1000  }
0x19c: {  	[sflag:s0] =	ssyncset.done @!p1 $0x0  }
0x19d: {  	[sflag:s0] =	ssyncadd.s32 @!p1 $0xFFFFF000  }
0x19e: {  	_ =	swait.ge @!p1 [sflag:s0], $0x1000  }
0x19f: {  	[sflag:s0] =	ssyncset.done @!p1 $0x0  }
0x1a0: {  	[sflag:s0] =	ssyncadd.s32 @!p1 $0xFFFFF000  }
0x1a1: {  	_ =	swait.ge @!p1 [sflag:s0], $0x1000  }
0x1a2: {  	[sflag:s0] =	ssyncset.done @!p1 $0x0  }
0x1a3: {  	[sflag:s0] =	ssyncadd.s32 @!p1 $0xFFFFF000  }
0x1a4: {  	_ =	swait.ge @!p1 [sflag:s0], $0x1000  }
0x1a5: {  	[sflag:s0] =	ssyncset.done @!p1 $0x0  }
0x1a6: {  	[sflag:s0] =	ssyncadd.s32 @!p1 $0xFFFFF000;
	s0 =	simm.s32 $0x4440  }
0x1a7: {  	v1 =	vld [tilespmem:s0+$0xFFFFFFC0];
	_ =	sdelay $0x3  }
0x1a8: {  	s21 =	simm.s32 $0xC642  }
0x1a9: {  	[tilespmem:s21+$0xFFFFFFBE] =	vst v1  }
0x1aa: {  	v1 =	vld [tilespmem:s0+$0xFFFFFFD0];
	_ =	sdelay $0x2  }
0x1ab: {  	s22 =	simm.s32 $0x0  }
0x1ac: {  	s12 =	sand.u32 $0x7FFC, s22  }
0x1ad: {  	[tilespmem:s12+$0xC610] =	vst v1  }
0x1ae: {  	v1 =	vld [tilespmem:s0+$0xFFFFFFE0];
	_ =	sdelay $0x4  }
0x1af: {  	[tilespmem:s21+$0xFFFFFFDF] =	vst v1  }
0x1b0: {  	v1 =	vld [tilespmem:s0+$0xFFFFFFF0];
	_ =	sdelay $0x2  }
0x1b1: {  	s24 =	simm.s32 $0x21  }
0x1b2: {  	s8 =	sand.u32 $0x7FFD, s24  }
0x1b3: {  	[tilespmem:s8+$0xC610] =	vst v1  }
0x1b4: {  	v1 =	vld [tilespmem:s0+$0x0];
	_ =	sdelay $0x4  }
0x1b5: {  	[tilespmem:s21+$0x0] =	vst v1  }
0x1b6: {  	v1 =	vld [tilespmem:s0+$0x10];
	_ =	sdelay $0x2  }
0x1b7: {  	s9 =	simm.s32 $0x42  }
0x1b8: {  	s8 =	sand.u32 $0x7FFE, s9  }
0x1b9: {  	[tilespmem:s8+$0xC610] =	vst v1  }
0x1ba: {  	v1 =	vld [tilespmem:s0+$0x20];
	_ =	sdelay $0x4  }
0x1bb: {  	[tilespmem:s21+$0x21] =	vst v1  }
0x1bc: {  	v1 =	vld [tilespmem:s0+$0x30];
	_ =	sdelay $0x2  }
0x1bd: {  	s12 =	simm.s32 $0x63  }
0x1be: {  	s24 =	simm.s32 $0x84;
	s8 =	sand.u32 $0x7FFF, s12  }
.LBB2_10:
0x1bf: {  	p1 =	sne.s32 s24, $0x417C;
	[tilespmem:s8+$0xC610] =	vst v1;
	s0 =	sadd.s32 $0x80, s0;
	s21 =	sadd.s32 $0x84, s21  }
0x1c0: {  	s8 =	smov.u32 s24;
	s24 =	sadd.s32 $0x84, s24;
	v1 =	vld [tilespmem:s0+$0xFFFFFFC0];
	_ =	sdelay $0x4  }
0x1c1: {  	[tilespmem:s21+$0xFFFFFFBE] =	vst v1  }
0x1c2: {  	v1 =	vld [tilespmem:s0+$0xFFFFFFD0];
	_ =	sdelay $0x3  }
0x1c3: {  	s9 =	sand.u32 $0x7FFC, s8  }
0x1c4: {  	[tilespmem:s9+$0xC610] =	vst v1  }
0x1c5: {  	v1 =	vld [tilespmem:s0+$0xFFFFFFE0];
	_ =	sdelay $0x4  }
0x1c6: {  	[tilespmem:s21+$0xFFFFFFDF] =	vst v1  }
0x1c7: {  	v1 =	vld [tilespmem:s0+$0xFFFFFFF0];
	_ =	sdelay $0x2  }
0x1c8: {  	s9 =	sadd.s32 $0x21, s8  }
0x1c9: {  	s9 =	sand.u32 $0x7FFD, s9  }
0x1ca: {  	[tilespmem:s9+$0xC610] =	vst v1  }
0x1cb: {  	v1 =	vld [tilespmem:s0+$0x0];
	_ =	sdelay $0x4  }
0x1cc: {  	[tilespmem:s21+$0x0] =	vst v1  }
0x1cd: {  	v1 =	vld [tilespmem:s0+$0x10];
	_ =	sdelay $0x2  }
0x1ce: {  	s9 =	sadd.s32 $0x42, s8  }
0x1cf: {  	s9 =	sand.u32 $0x7FFE, s9  }
0x1d0: {  	[tilespmem:s9+$0xC610] =	vst v1  }
0x1d1: {  	v1 =	vld [tilespmem:s0+$0x20];
	_ =	sdelay $0x4  }
0x1d2: {  	[tilespmem:s21+$0x21] =	vst v1  }
.Ltmp6:
0x1d3: {  	v1 =	vld [tilespmem:s0+$0x30];
	(pc) =	sbr.rel @p1 .LBB2_10-.Ltmp6, $3  }
0x1d4: {  	_ =	sdelay $0x1  }
0x1d5: {  	s8 =	sadd.s32 $0x63, s8  }
0x1d6: {  	s8 =	sand.u32 $0x7FFF, s8  }
0x1d7: {  	s0 =	sand.u32 $0x7, s22  }
0x1d8: {  	s9 =	smul.u32 $0x210, s0  }
0x1d9: {  	s12 =	simm.s32 $0x0  }
0x1da: {  	s12 =	sor.u32 s12, s9  }
0x1db: {  	v2 =	vadd.s32 s12, v0;
	_ =	sdelay $0x3  }
0x1dc: {  	[tilespmem:s8+$0xC610] =	vst v1  }
0x1dd: {  	s21 =	sor.u32 $0x8, s12;
	v1 =	vld.idx.msk [tilespmem:v2+s11+$0x0], $0xffff  }
0x1de: {  	v2 =	vadd.s32 s21, v0  }
0x1df: {  	s22 =	simm.s32 $0x0  }
0x1e0: {  	s0 =	sshll.u32 s0, $0x4;
	s8 =	sand.u32 $0x3FFFFF80, s22  }
0x1e1: {  	s0 =	sor.u32 s0, s8  }
0x1e2: {  	[tilespmem:s0+$0x14800] =	vst v1  }
0x1e3: {  	s24 =	sadd.s32 $0x10, s12;
	v1 =	vld.idx.msk [tilespmem:v2+s11+$0x0], $0xffff  }
0x1e4: {  	v2 =	vadd.s32 s24, v0;
	_ =	sdelay $0x3  }
0x1e5: {  	[tilespmem:s0+$0x15800] =	vst v1  }
0x1e6: {  	s21 =	sadd.s32 $0x18, s12;
	v1 =	vld.idx.msk [tilespmem:v2+s11+$0x0], $0xffff  }
0x1e7: {  	v2 =	vadd.s32 s21, v0;
	_ =	sdelay $0x3  }
0x1e8: {  	s8 =	sadd.s32 $0x0, s9;
	[tilespmem:s0+$0x16800] =	vst v1  }
0x1e9: {  	s9 =	sadd.s32 $0x1080, s8;
	v1 =	vld.idx.msk [tilespmem:v2+s11+$0x0], $0xffff  }
0x1ea: {  	v2 =	vadd.s32 s9, v0;
	_ =	sdelay $0x3  }
0x1eb: {  	[tilespmem:s0+$0x17800] =	vst v1  }
0x1ec: {  	s22 =	sadd.s32 $0x1088, s8;
	v1 =	vld.idx.msk [tilespmem:v2+s11+$0x0], $0xffff  }
0x1ed: {  	v2 =	vadd.s32 s22, v0;
	_ =	sdelay $0x3  }
0x1ee: {  	[tilespmem:s0+$0x14C00] =	vst v1  }
0x1ef: {  	s24 =	sadd.s32 $0x1090, s8;
	v1 =	vld.idx.msk [tilespmem:v2+s11+$0x0], $0xffff  }
0x1f0: {  	v2 =	vadd.s32 s24, v0;
	_ =	sdelay $0x3  }
0x1f1: {  	[tilespmem:s0+$0x15C00] =	vst v1  }
0x1f2: {  	s12 =	sadd.s32 $0x1098, s8;
	v1 =	vld.idx.msk [tilespmem:v2+s11+$0x0], $0xffff  }
0x1f3: {  	v2 =	vadd.s32 s12, v0;
	_ =	sdelay $0x3  }
0x1f4: {  	[tilespmem:s0+$0x16C00] =	vst v1  }
0x1f5: {  	s21 =	sadd.s32 $0x2100, s8;
	v1 =	vld.idx.msk [tilespmem:v2+s11+$0x0], $0xffff  }
0x1f6: {  	v2 =	vadd.s32 s21, v0;
	_ =	sdelay $0x3  }
0x1f7: {  	[tilespmem:s0+$0x17C00] =	vst v1  }
0x1f8: {  	s22 =	sadd.s32 $0x2108, s8;
	v1 =	vld.idx.msk [tilespmem:v2+s11+$0x0], $0xffff  }
0x1f9: {  	v2 =	vadd.s32 s22, v0;
	_ =	sdelay $0x3  }
0x1fa: {  	[tilespmem:s0+$0x15000] =	vst v1  }
0x1fb: {  	s24 =	sadd.s32 $0x2110, s8;
	v1 =	vld.idx.msk [tilespmem:v2+s11+$0x0], $0xffff  }
0x1fc: {  	v2 =	vadd.s32 s24, v0;
	_ =	sdelay $0x3  }
0x1fd: {  	[tilespmem:s0+$0x16000] =	vst v1  }
0x1fe: {  	s12 =	sadd.s32 $0x2118, s8;
	v1 =	vld.idx.msk [tilespmem:v2+s11+$0x0], $0xffff  }
0x1ff: {  	v2 =	vadd.s32 s12, v0;
	_ =	sdelay $0x3  }
0x200: {  	[tilespmem:s0+$0x17000] =	vst v1  }
0x201: {  	s21 =	sadd.s32 $0x3180, s8;
	v1 =	vld.idx.msk [tilespmem:v2+s11+$0x0], $0xffff  }
0x202: {  	v2 =	vadd.s32 s21, v0;
	_ =	sdelay $0x3  }
0x203: {  	[tilespmem:s0+$0x18000] =	vst v1  }
0x204: {  	s22 =	sadd.s32 $0x3188, s8;
	v1 =	vld.idx.msk [tilespmem:v2+s11+$0x0], $0xffff  }
0x205: {  	v2 =	vadd.s32 s22, v0;
	_ =	sdelay $0x3  }
0x206: {  	[tilespmem:s0+$0x15400] =	vst v1  }
0x207: {  	s24 =	sadd.s32 $0x3190, s8;
	v1 =	vld.idx.msk [tilespmem:v2+s11+$0x0], $0xffff  }
0x208: {  	v2 =	vadd.s32 s24, v0;
	_ =	sdelay $0x3  }
0x209: {  	[tilespmem:s0+$0x16400] =	vst v1  }
0x20a: {  	s8 =	sadd.s32 $0x3198, s8;
	v1 =	vld.idx.msk [tilespmem:v2+s11+$0x0], $0xffff  }
0x20b: {  	v2 =	vadd.s32 s8, v0;
	_ =	sdelay $0x1  }
0x20c: {  	s24 =	simm.s32 $0x1  }
0x20d: {  	s21 =	simm.s32 $0x2;
	s8 =	sand.u32 $0x7, s24  }
.LBB2_12:
0x20e: {  	p1 =	sne.s32 s21, $0x3F;
	s9 =	smul.u32 $0x210, s8;
	[tilespmem:s0+$0x17400] =	vst v1  }
0x20f: {  	s12 =	sshrl.u32 s24, $0x3;
	v1 =	vld.idx.msk [tilespmem:v2+s11+$0x0], $0xffff  }
0x210: {  	s22 =	sor.u32 s12, s9  }
0x211: {  	v2 =	vadd.s32 s22, v0;
	_ =	sdelay $0x3  }
0x212: {  	[tilespmem:s0+$0x18400] =	vst v1  }
0x213: {  	v1 =	vld.idx.msk [tilespmem:v2+s11+$0x0], $0xffff  }
0x214: {  	s0 =	sor.u32 $0x8, s22  }
0x215: {  	v2 =	vadd.s32 s0, v0  }
0x216: {  	s0 =	sshll.u32 s24, $0x4;
	s24 =	smov.u32 s21  }
0x217: {  	s8 =	sshll.u32 s8, $0x4;
	s0 =	sand.u32 $0x3FFFFF80, s0  }
0x218: {  	s0 =	sor.u32 s8, s0  }
0x219: {  	[tilespmem:s0+$0x14800] =	vst v1  }
0x21a: {  	v1 =	vld.idx.msk [tilespmem:v2+s11+$0x0], $0xffff  }
0x21b: {  	s8 =	sadd.s32 $0x10, s22  }
0x21c: {  	v2 =	vadd.s32 s8, v0;
	_ =	sdelay $0x3  }
0x21d: {  	[tilespmem:s0+$0x15800] =	vst v1  }
0x21e: {  	v1 =	vld.idx.msk [tilespmem:v2+s11+$0x0], $0xffff  }
0x21f: {  	s8 =	sadd.s32 $0x18, s22  }
0x220: {  	v2 =	vadd.s32 s8, v0;
	_ =	sdelay $0x3  }
0x221: {  	[tilespmem:s0+$0x16800] =	vst v1  }
0x222: {  	s22 =	sadd.s32 s12, s9;
	v1 =	vld.idx.msk [tilespmem:v2+s11+$0x0], $0xffff  }
0x223: {  	s8 =	sadd.s32 $0x1080, s22  }
0x224: {  	v2 =	vadd.s32 s8, v0;
	_ =	sdelay $0x3  }
0x225: {  	[tilespmem:s0+$0x17800] =	vst v1  }
0x226: {  	v1 =	vld.idx.msk [tilespmem:v2+s11+$0x0], $0xffff  }
0x227: {  	s8 =	sadd.s32 $0x1088, s22  }
0x228: {  	v2 =	vadd.s32 s8, v0;
	_ =	sdelay $0x3  }
0x229: {  	[tilespmem:s0+$0x14C00] =	vst v1  }
0x22a: {  	v1 =	vld.idx.msk [tilespmem:v2+s11+$0x0], $0xffff  }
0x22b: {  	s8 =	sadd.s32 $0x1090, s22  }
0x22c: {  	v2 =	vadd.s32 s8, v0;
	_ =	sdelay $0x3  }
0x22d: {  	[tilespmem:s0+$0x15C00] =	vst v1  }
0x22e: {  	v1 =	vld.idx.msk [tilespmem:v2+s11+$0x0], $0xffff  }
0x22f: {  	s8 =	sadd.s32 $0x1098, s22  }
0x230: {  	v2 =	vadd.s32 s8, v0;
	_ =	sdelay $0x3  }
0x231: {  	[tilespmem:s0+$0x16C00] =	vst v1  }
0x232: {  	v1 =	vld.idx.msk [tilespmem:v2+s11+$0x0], $0xffff  }
0x233: {  	s8 =	sadd.s32 $0x2100, s22  }
0x234: {  	v2 =	vadd.s32 s8, v0;
	_ =	sdelay $0x3  }
0x235: {  	[tilespmem:s0+$0x17C00] =	vst v1  }
0x236: {  	v1 =	vld.idx.msk [tilespmem:v2+s11+$0x0], $0xffff  }
0x237: {  	s8 =	sadd.s32 $0x2108, s22  }
0x238: {  	v2 =	vadd.s32 s8, v0;
	_ =	sdelay $0x3  }
0x239: {  	[tilespmem:s0+$0x15000] =	vst v1  }
0x23a: {  	v1 =	vld.idx.msk [tilespmem:v2+s11+$0x0], $0xffff  }
0x23b: {  	s8 =	sadd.s32 $0x2110, s22  }
0x23c: {  	v2 =	vadd.s32 s8, v0;
	_ =	sdelay $0x3  }
0x23d: {  	[tilespmem:s0+$0x16000] =	vst v1  }
0x23e: {  	v1 =	vld.idx.msk [tilespmem:v2+s11+$0x0], $0xffff  }
0x23f: {  	s8 =	sadd.s32 $0x2118, s22  }
0x240: {  	v2 =	vadd.s32 s8, v0;
	_ =	sdelay $0x3  }
0x241: {  	[tilespmem:s0+$0x17000] =	vst v1  }
0x242: {  	v1 =	vld.idx.msk [tilespmem:v2+s11+$0x0], $0xffff  }
0x243: {  	s8 =	sadd.s32 $0x3180, s22  }
0x244: {  	v2 =	vadd.s32 s8, v0;
	_ =	sdelay $0x3  }
0x245: {  	[tilespmem:s0+$0x18000] =	vst v1  }
0x246: {  	v1 =	vld.idx.msk [tilespmem:v2+s11+$0x0], $0xffff  }
0x247: {  	s8 =	sadd.s32 $0x3188, s22  }
0x248: {  	v2 =	vadd.s32 s8, v0;
	_ =	sdelay $0x3  }
0x249: {  	[tilespmem:s0+$0x15400] =	vst v1  }
0x24a: {  	v1 =	vld.idx.msk [tilespmem:v2+s11+$0x0], $0xffff  }
0x24b: {  	s8 =	sadd.s32 $0x3190, s22  }
0x24c: {  	v2 =	vadd.s32 s8, v0;
	_ =	sdelay $0x3  }
0x24d: {  	[tilespmem:s0+$0x16400] =	vst v1  }
0x24e: {  	v1 =	vld.idx.msk [tilespmem:v2+s11+$0x0], $0xffff  }
.Ltmp7:
0x24f: {  	s8 =	sadd.s32 $0x3198, s22;
	(pc) =	sbr.rel @p1 .LBB2_12-.Ltmp7, $2  }
0x250: {  	v2 =	vadd.s32 s8, v0;
	_ =	sdelay $0x2  }
0x251: {  	s21 =	sadd.s32 $0x1, s21;
	s8 =	sand.u32 $0x7, s24  }
0x252: {  	_ =	sdelay $0x1  }
0x253: {  	s9 =	smul.u32 $0x210, s8  }
0x254: {  	[tilespmem:s0+$0x17400] =	vst v1;
	s12 =	sshrl.u32 s24, $0x3  }
0x255: {  	v1 =	vld.idx.msk [tilespmem:v2+s11+$0x0], $0xffff;
	s21 =	sor.u32 s12, s9  }
0x256: {  	v2 =	vadd.s32 s21, v0;
	_ =	sdelay $0x3  }
0x257: {  	[tilespmem:s0+$0x18400] =	vst v1  }
0x258: {  	s22 =	sor.u32 $0x8, s21;
	v1 =	vld.idx.msk [tilespmem:v2+s11+$0x0], $0xffff  }
0x259: {  	v2 =	vadd.s32 s22, v0  }
0x25a: {  	s22 =	sshll.u32 s24, $0x4  }
0x25b: {  	s24 =	sshll.u32 s8, $0x4;
	s0 =	sand.u32 $0x3FFFFF80, s22  }
0x25c: {  	s0 =	sor.u32 s24, s0  }
0x25d: {  	[tilespmem:s0+$0x14800] =	vst v1  }
0x25e: {  	s22 =	sadd.s32 $0x10, s21;
	v1 =	vld.idx.msk [tilespmem:v2+s11+$0x0], $0xffff  }
0x25f: {  	v2 =	vadd.s32 s22, v0;
	_ =	sdelay $0x3  }
0x260: {  	[tilespmem:s0+$0x15800] =	vst v1  }
0x261: {  	s24 =	sadd.s32 $0x18, s21;
	v1 =	vld.idx.msk [tilespmem:v2+s11+$0x0], $0xffff  }
0x262: {  	v2 =	vadd.s32 s24, v0;
	_ =	sdelay $0x3  }
0x263: {  	s8 =	sadd.s32 s12, s9;
	[tilespmem:s0+$0x16800] =	vst v1  }
0x264: {  	s9 =	sadd.s32 $0x1080, s8;
	v1 =	vld.idx.msk [tilespmem:v2+s11+$0x0], $0xffff  }
0x265: {  	v2 =	vadd.s32 s9, v0;
	_ =	sdelay $0x3  }
0x266: {  	[tilespmem:s0+$0x17800] =	vst v1  }
0x267: {  	s21 =	sadd.s32 $0x1088, s8;
	v1 =	vld.idx.msk [tilespmem:v2+s11+$0x0], $0xffff  }
0x268: {  	v2 =	vadd.s32 s21, v0;
	_ =	sdelay $0x3  }
0x269: {  	[tilespmem:s0+$0x14C00] =	vst v1  }
0x26a: {  	s22 =	sadd.s32 $0x1090, s8;
	v1 =	vld.idx.msk [tilespmem:v2+s11+$0x0], $0xffff  }
0x26b: {  	v2 =	vadd.s32 s22, v0;
	_ =	sdelay $0x3  }
0x26c: {  	[tilespmem:s0+$0x15C00] =	vst v1  }
0x26d: {  	s24 =	sadd.s32 $0x1098, s8;
	v1 =	vld.idx.msk [tilespmem:v2+s11+$0x0], $0xffff  }
0x26e: {  	v2 =	vadd.s32 s24, v0;
	_ =	sdelay $0x3  }
0x26f: {  	[tilespmem:s0+$0x16C00] =	vst v1  }
0x270: {  	s12 =	sadd.s32 $0x2100, s8;
	v1 =	vld.idx.msk [tilespmem:v2+s11+$0x0], $0xffff  }
0x271: {  	v2 =	vadd.s32 s12, v0;
	_ =	sdelay $0x3  }
0x272: {  	[tilespmem:s0+$0x17C00] =	vst v1  }
0x273: {  	s21 =	sadd.s32 $0x2108, s8;
	v1 =	vld.idx.msk [tilespmem:v2+s11+$0x0], $0xffff  }
0x274: {  	v2 =	vadd.s32 s21, v0;
	_ =	sdelay $0x3  }
0x275: {  	[tilespmem:s0+$0x15000] =	vst v1  }
0x276: {  	s22 =	sadd.s32 $0x2110, s8;
	v1 =	vld.idx.msk [tilespmem:v2+s11+$0x0], $0xffff  }
0x277: {  	v2 =	vadd.s32 s22, v0;
	_ =	sdelay $0x3  }
0x278: {  	[tilespmem:s0+$0x16000] =	vst v1  }
0x279: {  	s24 =	sadd.s32 $0x2118, s8;
	v1 =	vld.idx.msk [tilespmem:v2+s11+$0x0], $0xffff  }
0x27a: {  	v2 =	vadd.s32 s24, v0;
	_ =	sdelay $0x3  }
0x27b: {  	[tilespmem:s0+$0x17000] =	vst v1  }
0x27c: {  	s12 =	sadd.s32 $0x3180, s8;
	v1 =	vld.idx.msk [tilespmem:v2+s11+$0x0], $0xffff  }
0x27d: {  	v2 =	vadd.s32 s12, v0;
	_ =	sdelay $0x3  }
0x27e: {  	[tilespmem:s0+$0x18000] =	vst v1  }
0x27f: {  	s21 =	sadd.s32 $0x3188, s8;
	v1 =	vld.idx.msk [tilespmem:v2+s11+$0x0], $0xffff  }
0x280: {  	v2 =	vadd.s32 s21, v0;
	_ =	sdelay $0x3  }
0x281: {  	[tilespmem:s0+$0x15400] =	vst v1  }
0x282: {  	s22 =	sadd.s32 $0x3190, s8;
	v1 =	vld.idx.msk [tilespmem:v2+s11+$0x0], $0xffff  }
0x283: {  	v2 =	vadd.s32 s22, v0;
	_ =	sdelay $0x3  }
0x284: {  	[tilespmem:s0+$0x16400] =	vst v1  }
0x285: {  	s8 =	sadd.s32 $0x3198, s8;
	v1 =	vld.idx.msk [tilespmem:v2+s11+$0x0], $0xffff  }
0x286: {  	v2 =	vadd.s32 s8, v0;
	_ =	sdelay $0x3  }
0x287: {  	[tilespmem:s0+$0x17400] =	vst v1  }
0x288: {  	v1 =	vld.idx.msk [tilespmem:v2+s11+$0x0], $0xffff;
	_ =	sdelay $0x3  }
0x289: {  	s24 =	sor.u32 $0x200, s23  }
0x28a: {  	s12 =	sadd.s32 s3, s24;
	s21 =	simm.s32 $0x14800;
	[tilespmem:s0+$0x18400] =	vst v1  }
0x28b: {  	[hbm4b:s12+s4] =	stream.linear.scatter [tilespmem:s21], [sflag:$0x6], $0x1000, $0x38;
	[tilespmem:$0x18800] =	vst v63  }
0x28c: {  	s22 =	sadd.s32 s24, s15  }
0x28d: {  	[hbm4b:s22+s4] =	stream.linear.scatter [tilespmem:s13], [sflag:$0x6], $0x1000, $0x38;
	[tilespmem:$0x18800] =	vst v63  }
.Ltmp8:
0x28e: {  	_ = 	snop;
	(pc) =	sbr.rel @p0 .LBB2_15-.Ltmp8, $4  }
0x28f: {  	s23 =	sadd.s32 s24, s16  }
0x290: {  	[hbm4b:s23+s4] =	stream.linear.scatter [tilespmem:s14], [sflag:$0x6], $0x1000, $0x38;
	[tilespmem:$0x18800] =	vst v63  }
0x291: {  	s24 =	sadd.s32 s24, s17  }
0x292: {  	[hbm4b:s24+s4] =	stream.linear.scatter [tilespmem:s18], [sflag:$0x6], $0x1000, $0x38;
	[tilespmem:$0x18800] =	vst v63  }
0x293: {  	_ =	swait.ge [sflag:s19], $0x80  }
0x294: {  	[sflag:s19] =	ssyncset.done $0x0  }
0x295: {  	[sflag:s19] =	ssyncadd.s32 $0xFFFFFF80  }
0x296: {  	_ =	swait.ge [sflag:s19], $0x80  }
0x297: {  	[sflag:s19] =	ssyncset.done $0x0  }
0x298: {  	[sflag:s19] =	ssyncadd.s32 $0xFFFFFF80  }
0x299: {  	_ =	swait.ge [sflag:s19], $0x80  }
0x29a: {  	[sflag:s19] =	ssyncset.done $0x0  }
0x29b: {  	[sflag:s19] =	ssyncadd.s32 $0xFFFFFF80  }
0x29c: {  	_ =	swait.ge [sflag:s19], $0x80  }
0x29d: {  	[sflag:s19] =	ssyncset.done $0x0  }
0x29e: {  	s0 =	simm.s32 $0x4400;
	[sflag:s19] =	ssyncadd.s32 $0xFFFFFF80  }
0x29f: {  	[tilespmem:s0], [sflag:$0x4] =	stream.indirect.gather [hbm4b:s5+s20], $0x20, s28, s20, $0xb8;
	[tilespmem:$0x18800] =	vst v63  }
0x2a0: {  	s22 =	simm.s32 $0x5400  }
0x2a1: {  	[tilespmem:s22], [sflag:$0x4] =	stream.indirect.gather [hbm4b:s5+s20], $0x20, s29, s20, $0xb8;
	[tilespmem:$0x18800] =	vst v63  }
.Ltmp9:
0x2a2: {  	_ = 	snop;
	(pc) =	sbr.rel .LBB2_2-.Ltmp9, $4  }
0x2a3: {  	s23 =	simm.s32 $0x6400  }
0x2a4: {  	[tilespmem:s23], [sflag:$0x4] =	stream.indirect.gather [hbm4b:s5+s20], $0x20, s30, s20, $0xb8;
	[tilespmem:$0x18800] =	vst v63  }
0x2a5: {  	s24 =	simm.s32 $0x7400;
	s1 =	sadd.s32 $0x1, s1  }
0x2a6: {  	[tilespmem:s24], [sflag:$0x4] =	stream.indirect.gather [hbm4b:s5+s20], $0x20, s31, s20, $0xb8;
	[tilespmem:$0x18800] =	vst v63  }
.LBB2_16:
0x2a7: {  	_ =	sfence.sel $0x180000  }
0x2a8: {  	[bflag:$0x0] =	sbarrier.arrive $0xFFFF  }
0x2a9: {  	_ =	strace $0x90000047  }
0x2aa: {  	s0 =	stileid.u32;
	[bflag:$0x2] =	sbarrier.arrive $0xFFFF  }
0x2ab: {  	p0 =	sne.s32 s0, $0x0;
	s0 =	rddreg [dreg:$0x3]  }
0x2ac: {  	s0 =	sadd.s32 @!p0 $0x100000, s0  }
0x2ad: {  	[sflag:s0] =	ssyncadd.tile.s32 @!p0 $0x1;
	_ =	shalt  }
.Lfunc_end2:
_tile_overlayer_lowered:
.L_overlay_start_2:
0x2ae: {  	(tag) =	ssettag $0x2  }
0x2af: {  	s0 =	rddreg [dreg:$0x0];
	s2 =	stileid.u32  }
0x2b0: {  	s1 =	rddreg [dreg:$0x1];
	p0 =	sne.s32 s2, $0x0  }
0x2b1: {  	s3 =	rddreg [dreg:$0x2];
	[bflag:$0x3] =	sbarrier.arrive $0xFFFF;
	s2 =	simm.s32 @!p0 $0x1C07  }
0x2b2: {  	[timem:s3], [sflag:s2] =	dma.local @!p0 [hbm:s0], s1  }
0x2b3: {  	s0 =	simm.s32 @!p0 $0x7  }
0x2b4: {  	_ =	swait.ge @!p0 [sflag:s0], s1  }
0x2b5: {  	s1 =	ssub.s32 @!p0 $0x0, s1;
	[sflag:s0] =	ssyncset.done @!p0 $0x0  }
0x2b6: {  	[sflag:s0] =	ssyncadd.s32 @!p0 s1  }
0x2b7: {  	[bflag:$0x3] =	sbarrier.arrive $0xFFFF  }
0x2b8: {  	_ =	shalt  }

</sc_bundles>
